<compile_context>
chip_gen: v7x
topology: tpu7x:2x2x1
jax: 0.10.2.dev20260603
libtpu: 0.0.44.dev20260713+nightly
codegen_flags: <defaults>
</compile_context>

<pallas_src>
import functools

import jax
import jax.numpy as jnp
from jax import lax
from jax.experimental import pallas as pl
from jax.experimental.pallas import tpu as pltpu
from jax.experimental.pallas import tpu_sc as plsc

_NC = 2
_NS = 16
_NW = _NC * _NS
_LANES = 16


def _node_enc_kernel(nf_ref, wn_ref, bn_ref, ws_ref, be_ref, n_ref, m_ref):
    nf = nf_ref[...]
    n = jnp.maximum(jnp.dot(nf, wn_ref[...]) + bn_ref[...], 0.0)
    n_ref[...] = n
    m_ref[...] = jnp.dot(n, ws_ref[...]) + be_ref[...]


def _edge_enc_kernel(ef_ref, w1_ref, b1_ref, we_ref, t_ref):
    ef = ef_ref[...]
    e = jnp.maximum(jnp.dot(ef, w1_ref[...]) + b1_ref[...], 0.0)
    t_ref[...] = jnp.dot(e, we_ref[...])


def _node_out_kernel(n_ref, p0_ref, p1_ref, wn_ref, wi_ref, b_ref,
                     wro_ref, bro_ref, wg_ref, bg_ref,
                     nodes_ref, glob_ref, gacc_ref):
    i = pl.program_id(0)
    nb = pl.num_programs(0)
    n = n_ref[...]
    acc = p0_ref[...] + p1_ref[...]
    n2 = jnp.maximum(jnp.dot(n, wn_ref[...]) + jnp.dot(acc, wi_ref[...])
                     + b_ref[...], 0.0)
    nodes_ref[...] = jnp.dot(n2, wro_ref[...]) + bro_ref[...]
    bsum = jnp.sum(n2, axis=0, keepdims=True)

    @pl.when(i == 0)
    def _():
        gacc_ref[...] = bsum

    @pl.when(i > 0)
    def _():
        gacc_ref[...] = gacc_ref[...] + bsum

    @pl.when(i == nb - 1)
    def _():
        glob_ref[...] = jnp.dot(gacc_ref[...], wg_ref[...]) + bg_ref[...]


def _sc_edge_body(n_nodes, n_groups, t_hbm, s_hbm, r_hbm, m_hbm, z_hbm,
                  out_hbm, acc_sp, s_v0, r_v0, t_v0, mg_v0,
                  s_v1, r_v1, t_v1, mg_v1, stage_v,
                  isem0, isem1, gsem0, gsem1):
    cid = lax.axis_index("c")
    sid = lax.axis_index("s")
    wid = sid * _NC + cid

    sr = 800
    nb = (n_nodes // _NS + sr - 1) // sr
    span = sr * nb
    base = pl.multiple_of(jnp.minimum(sid * span, n_nodes - span), 8)

    pltpu.sync_copy(z_hbm.at[pl.ds(0, sr)], stage_v)

    def stage_z(k, c):
        r0 = pl.multiple_of(base + k * sr, 8)
        pltpu.sync_copy(stage_v, acc_sp.at[pl.ds(r0, sr)])
        return c

    lax.fori_loop(0, nb, stage_z, 0)
    plsc.subcore_barrier()

    gper = n_groups // _NW
    rem = n_groups - gper * _NW
    ngroups = gper + jnp.where(wid < rem, 1, 0)
    g0 = wid * gper + jnp.minimum(wid, rem)
    ne = ngroups // 2 * 2

    iota = lax.iota(jnp.int32, _LANES)
    col16 = iota % 8
    rowadd = iota // 8

    bufs = ((s_v0, r_v0, t_v0, mg_v0, isem0, gsem0),
            (s_v1, r_v1, t_v1, mg_v1, isem1, gsem1))

    def start_inputs(k, b):
        s_v, r_v, t_v, _, isem, _ = bufs[b]
        g = g0 + k
        pltpu.async_copy(s_hbm.at[pl.ds(g * 128, 128)], s_v, isem)
        pltpu.async_copy(r_hbm.at[pl.ds(g * 128, 128)], r_v, isem)
        pltpu.async_copy(t_hbm.at[pl.ds(g * 1024, 1024)], t_v, isem)

    def wait_inputs(b):
        s_v, r_v, t_v, _, isem, _ = bufs[b]
        pltpu.make_async_copy(s_hbm.at[pl.ds(0, 128)], s_v, isem).wait()
        pltpu.make_async_copy(r_hbm.at[pl.ds(0, 128)], r_v, isem).wait()
        pltpu.make_async_copy(t_hbm.at[pl.ds(0, 1024)], t_v, isem).wait()

    def start_gather(b):
        s_v, _, _, mg_v, _, gsem = bufs[b]
        pltpu.async_copy(m_hbm.at[s_v], mg_v, gsem)

    def wait_gather(b):
        s_v, _, _, mg_v, _, gsem = bufs[b]
        pltpu.make_async_copy(m_hbm.at[s_v], mg_v, gsem).wait()

    def compute_scatter(b):
        _, r_v, t_v, mg_v, _, _ = bufs[b]

        def compute_body(j, c):
            row16 = 2 * j + rowadd
            tv = t_v[pl.ds(j * 16, 16)]
            mv = plsc.load_gather(mg_v, [row16, col16])
            e2 = jnp.maximum(tv + mv, 0.0)
            plsc.store_scatter(mg_v, [row16, col16], e2)
            return c

        lax.fori_loop(0, 64, compute_body, 0, unroll=8)
        pltpu.sync_copy(mg_v, acc_sp.at[r_v], add=True)

    def phase(k, b):
        wait_gather(b)

        @pl.when(k + 1 < ne)
        def _():
            wait_inputs(1 - b)
            start_gather(1 - b)

        compute_scatter(b)

        @pl.when(k + 2 < ne)
        def _():
            start_inputs(k + 2, b)

    @pl.when(ne > 0)
    def _():
        start_inputs(0, 0)

    @pl.when(ne > 1)
    def _():
        start_inputs(1, 1)

    @pl.when(ne > 0)
    def _():
        wait_inputs(0)
        start_gather(0)

    def pair_body(k2, c):
        phase(k2 * 2, 0)
        phase(k2 * 2 + 1, 1)
        return c

    lax.fori_loop(0, ne // 2, pair_body, 0)

    @pl.when(ngroups > ne)
    def _():
        s_v, r_v, t_v, mg_v, _, gsem = bufs[0]
        g = g0 + ne
        pltpu.sync_copy(s_hbm.at[pl.ds(g * 128, 128)], s_v)
        pltpu.sync_copy(r_hbm.at[pl.ds(g * 128, 128)], r_v)
        pltpu.sync_copy(t_hbm.at[pl.ds(g * 1024, 1024)], t_v)
        pltpu.async_copy(m_hbm.at[s_v], mg_v, gsem).wait()

        def compute_body(j, c):
            row16 = 2 * j + rowadd
            tv = t_v[pl.ds(j * 16, 16)]
            mv = plsc.load_gather(mg_v, [row16, col16])
            e2 = jnp.maximum(tv + mv, 0.0)
            plsc.store_scatter(mg_v, [row16, col16], e2)
            return c

        lax.fori_loop(0, 64, compute_body, 0, unroll=8)
        pltpu.sync_copy(mg_v, acc_sp.at[r_v], add=True)

    plsc.subcore_barrier()

    def unstage(k, c):
        r0 = pl.multiple_of(base + k * sr, 8)
        pltpu.sync_copy(acc_sp.at[pl.ds(r0, sr)], stage_v)
        pltpu.sync_copy(stage_v,
                        out_hbm.at[pl.ds(cid * n_nodes + r0, sr)])
        return c

    lax.fori_loop(0, nb, unstage, 0)


def _sc_edge_call(n_nodes, n_groups, t_edge, senders, receivers, m_tab, zeros):
    mesh = plsc.VectorSubcoreMesh(core_axis_name="c", subcore_axis_name="s",
                                  num_cores=_NC, num_subcores=_NS)
    f32 = jnp.float32
    i32 = jnp.int32
    return pl.kernel(
        functools.partial(_sc_edge_body, n_nodes, n_groups),
        out_type=jax.ShapeDtypeStruct((_NC * n_nodes, 8), f32),
        mesh=mesh,
        scratch_types=[
            pltpu.VMEM_SHARED((n_nodes, 8), f32),
            pltpu.VMEM((128,), i32),
            pltpu.VMEM((128,), i32),
            pltpu.VMEM((1024,), f32),
            pltpu.VMEM((128, 8), f32),
            pltpu.VMEM((128,), i32),
            pltpu.VMEM((128,), i32),
            pltpu.VMEM((1024,), f32),
            pltpu.VMEM((128, 8), f32),
            pltpu.VMEM((800, 8), f32),
            pltpu.SemaphoreType.DMA,
            pltpu.SemaphoreType.DMA,
            pltpu.SemaphoreType.DMA,
            pltpu.SemaphoreType.DMA,
        ],
        compiler_params=pltpu.CompilerParams(
            needs_layout_passes=False, use_tc_tiling_on_sc=False),
    )(t_edge, senders, receivers, m_tab, zeros)


def kernel(node_features, edge_features, senders, receivers, enc_edge_W,
           enc_edge_b, enc_node_W, enc_node_b, hid_edge_We, hid_edge_Ws,
           hid_edge_b, hid_node_Wn, hid_node_Wi, hid_node_b, ro_node_W,
           ro_node_b, ro_glob_W, ro_glob_b):
    n_nodes = node_features.shape[0]
    n_edges = edge_features.shape[0]
    assert n_edges % 128 == 0
    n_groups = n_edges // 128

    f32 = jnp.float32

    bn = 4000 if n_nodes % 4000 == 0 else n_nodes
    n_blocks = n_nodes // bn
    n_enc, m_tab = pl.pallas_call(
        _node_enc_kernel,
        grid=(n_blocks,),
        in_specs=[
            pl.BlockSpec((bn, 4), lambda i: (i, 0)),
            pl.BlockSpec((4, 8), lambda i: (0, 0)),
            pl.BlockSpec((1, 8), lambda i: (0, 0)),
            pl.BlockSpec((8, 8), lambda i: (0, 0)),
            pl.BlockSpec((1, 8), lambda i: (0, 0)),
        ],
        out_specs=[
            pl.BlockSpec((bn, 8), lambda i: (i, 0)),
            pl.BlockSpec((bn, 8), lambda i: (i, 0)),
        ],
        out_shape=[
            jax.ShapeDtypeStruct((n_nodes, 8), f32),
            jax.ShapeDtypeStruct((n_nodes, 8), f32),
        ],
    )(node_features, enc_node_W, enc_node_b.reshape(1, 8), hid_edge_Ws,
      hid_edge_b.reshape(1, 8))

    be = 6400 if n_edges % 6400 == 0 else n_edges
    e_blocks = n_edges // be
    t_edge = pl.pallas_call(
        _edge_enc_kernel,
        grid=(e_blocks,),
        in_specs=[
            pl.BlockSpec((be, 2), lambda i: (i, 0)),
            pl.BlockSpec((2, 4), lambda i: (0, 0)),
            pl.BlockSpec((1, 4), lambda i: (0, 0)),
            pl.BlockSpec((4, 8), lambda i: (0, 0)),
        ],
        out_specs=pl.BlockSpec((be, 8), lambda i: (i, 0)),
        out_shape=jax.ShapeDtypeStruct((n_edges, 8), f32),
    )(edge_features, enc_edge_W, enc_edge_b.reshape(1, 4), hid_edge_We)
    t_flat = t_edge.reshape(n_edges * 8)

    zeros = jnp.zeros((n_nodes, 8), f32)
    parts = _sc_edge_call(n_nodes, n_groups, t_flat, senders, receivers,
                          m_tab, zeros)

    nodes_out, glob_out = pl.pallas_call(
        _node_out_kernel,
        grid=(n_blocks,),
        in_specs=[
            pl.BlockSpec((bn, 8), lambda i: (i, 0)),
            pl.BlockSpec((bn, 8), lambda i: (i, 0)),
            pl.BlockSpec((bn, 8), lambda i: (i + n_blocks, 0)),
            pl.BlockSpec((8, 8), lambda i: (0, 0)),
            pl.BlockSpec((8, 8), lambda i: (0, 0)),
            pl.BlockSpec((1, 8), lambda i: (0, 0)),
            pl.BlockSpec((8, 1), lambda i: (0, 0)),
            pl.BlockSpec((1, 1), lambda i: (0, 0)),
            pl.BlockSpec((8, 1), lambda i: (0, 0)),
            pl.BlockSpec((1, 1), lambda i: (0, 0)),
        ],
        out_specs=[
            pl.BlockSpec((bn, 1), lambda i: (i, 0)),
            pl.BlockSpec((1, 1), lambda i: (0, 0)),
        ],
        out_shape=[
            jax.ShapeDtypeStruct((n_nodes, 1), f32),
            jax.ShapeDtypeStruct((1, 1), f32),
        ],
        scratch_shapes=[pltpu.VMEM((1, 8), f32)],
    )(n_enc, parts, parts, hid_node_Wn, hid_node_Wi,
      hid_node_b.reshape(1, 8), ro_node_W, ro_node_b.reshape(1, 1),
      ro_glob_W, ro_glob_b.reshape(1, 1))

    return nodes_out, glob_out

# --- scband reference (transcript-rebuilt; emitter-appended) ---
"""Pipeline reference for scband-infection-gnguided-bp-28647431864466 (READ-ONLY COPY).

The authoritative reference and input builder live on the scoring server;
editing this copy changes nothing except your own understanding.
"""

import jax, jax.numpy as jnp
import numpy as np

N = 100000
E = 6400000


def _init_w(key, shape):
    fan_in = shape[0]
    return jax.random.normal(key, shape, dtype=jnp.float32) * (1.0 / np.sqrt(fan_in))


def setup_inputs(seed: int = 0):
    key = jax.random.key(seed)
    ks = jax.random.split(key, 20)
    inp = {}
    inp['node_features'] = jax.random.normal(ks[0], (N, 4), dtype=jnp.float32)
    inp['edge_features'] = jax.random.normal(ks[1], (E, 2), dtype=jnp.float32)
    inp['senders'] = jax.random.randint(ks[2], (E,), 0, N, dtype=jnp.int32)
    inp['receivers'] = jax.random.randint(ks[3], (E,), 0, N, dtype=jnp.int32)
    # encoder: EdgeLinear(4, edge_features=2) ; NodeLinear(8, node_features=4)
    inp['enc_edge_W'] = _init_w(ks[4], (2, 4))
    inp['enc_edge_b'] = jnp.zeros((4,), dtype=jnp.float32)
    inp['enc_node_W'] = _init_w(ks[5], (4, 8))
    inp['enc_node_b'] = jnp.zeros((8,), dtype=jnp.float32)
    # hidden: EdgeLinear(8, edge_features=4, sender_features=8)
    inp['hid_edge_We'] = _init_w(ks[6], (4, 8))
    inp['hid_edge_Ws'] = _init_w(ks[7], (8, 8))
    inp['hid_edge_b'] = jnp.zeros((8,), dtype=jnp.float32)
    # hidden: NodeLinear(8, node_features=8, incoming_features=8, aggregation='sum')
    inp['hid_node_Wn'] = _init_w(ks[8], (8, 8))
    inp['hid_node_Wi'] = _init_w(ks[9], (8, 8))
    inp['hid_node_b'] = jnp.zeros((8,), dtype=jnp.float32)
    # readout_nodes: NodeLinear(1, node_features=8, bias=True)
    inp['ro_node_W'] = _init_w(ks[10], (8, 1))
    inp['ro_node_b'] = jnp.zeros((1,), dtype=jnp.float32)
    # readout_globals: GlobalLinear(1, node_features=8, aggregation='sum')
    inp['ro_glob_W'] = _init_w(ks[11], (8, 1))
    inp['ro_glob_b'] = jnp.zeros((1,), dtype=jnp.float32)
    return inp


def reference(node_features, edge_features, senders, receivers,
              enc_edge_W, enc_edge_b, enc_node_W, enc_node_b,
              hid_edge_We, hid_edge_Ws, hid_edge_b,
              hid_node_Wn, hid_node_Wi, hid_node_b,
              ro_node_W, ro_node_b, ro_glob_W, ro_glob_b):
    # encoder
    e = jax.nn.relu(edge_features @ enc_edge_W + enc_edge_b)          # [E, 4]
    n = jax.nn.relu(node_features @ enc_node_W + enc_node_b)          # [N, 8]
    # hidden edge block: edge linear over (edge_feat, sender node feat)
    e2 = jax.nn.relu(e @ hid_edge_We + jnp.take(n, senders, axis=0) @ hid_edge_Ws + hid_edge_b)  # [E, 8]
    # hidden node block: aggregate incoming edges by receiver (sum aggregation)
    incoming = jax.ops.segment_sum(e2, receivers, num_segments=N)     # [N, 8]
    n2 = jax.nn.relu(n @ hid_node_Wn + incoming @ hid_node_Wi + hid_node_b)  # [N, 8]
    # readouts
    nodes_out = n2 @ ro_node_W + ro_node_b                            # [N, 1]
    glob_out = jnp.sum(n2, axis=0, keepdims=True) @ ro_glob_W + ro_glob_b  # [1, 1]
    return nodes_out, glob_out

if __name__ == "__main__":
    import jax
    _d = setup_inputs()
    print(jax.jit(kernel)(*tuple(_d.values())))

</pallas_src>

<mosaic_0001>
#map = affine_map<(d0, d1) -> (0)>
#map1 = affine_map<(d0, d1) -> (0, 0)>
module attributes {stable_mosaic.version = 14 : i64} {
  func.func @_sc_edge_body(%arg0: i32, %arg1: i32, %arg2: memref<51200000xf32, #tpu.memory_space<hbm>>, %arg3: memref<6400000xi32, #tpu.memory_space<hbm>>, %arg4: memref<6400000xi32, #tpu.memory_space<hbm>>, %arg5: memref<100000x8xf32, #tpu.memory_space<hbm>>, %arg6: memref<100000x8xf32, #tpu.memory_space<hbm>>, %arg7: memref<200000x8xf32, #tpu.memory_space<hbm>>, %arg8: memref<100000x8xf32, #tpu.memory_space<vmem_shared>>, %arg9: memref<128xi32, #tpu.memory_space<vmem>>, %arg10: memref<128xi32, #tpu.memory_space<vmem>>, %arg11: memref<1024xf32, #tpu.memory_space<vmem>>, %arg12: memref<128x8xf32, #tpu.memory_space<vmem>>, %arg13: memref<128xi32, #tpu.memory_space<vmem>>, %arg14: memref<128xi32, #tpu.memory_space<vmem>>, %arg15: memref<1024xf32, #tpu.memory_space<vmem>>, %arg16: memref<128x8xf32, #tpu.memory_space<vmem>>, %arg17: memref<800x8xf32, #tpu.memory_space<vmem>>, %arg18: memref<!tpu.dma_semaphore, #tpu.memory_space<semaphore_mem>>, %arg19: memref<!tpu.dma_semaphore, #tpu.memory_space<semaphore_mem>>, %arg20: memref<!tpu.dma_semaphore, #tpu.memory_space<semaphore_mem>>, %arg21: memref<!tpu.dma_semaphore, #tpu.memory_space<semaphore_mem>>) attributes {dimension_semantics = [#tpu.dimension_semantics<core_parallel>, #tpu.dimension_semantics<subcore_parallel>], iteration_bounds = array<i64: 2, 16>, scalar_prefetch = 0 : i64, scratch_operands = 14 : i64, tpu.core_type = #tpu.core_type<sc_vector_subcore>, window_params = [{transform_indices = #map}, {transform_indices = #map}, {transform_indices = #map}, {transform_indices = #map1}, {transform_indices = #map1}, {transform_indices = #map1}]} {
    %mul3A = arith.constant 2 : i32
    %mul3A_0 = arith.muli %arg1, %mul3A : i32
    %add3A = arith.addi %mul3A_0, %arg0 : i32
    %mul3A_1 = arith.constant 6400 : i32
    %mul3A_2 = arith.muli %arg1, %mul3A_1 : i32
    %min3A = arith.constant 93600 : i32
    %min3A_3 = arith.minsi %mul3A_2, %min3A : i32
    %multiple_of3A = tpu.assume_multiple %min3A_3, 8 : i32
    "tpu.region"() ({
      %run_scoped3A = tpu.sem_alloc : memref<!tpu.dma_semaphore, #tpu.memory_space<semaphore_mem>>
      %dma_start3A = arith.constant 0 : i32
      %dma_start3A_146 = arith.constant 0 : i32
      %dma_start3A_147 = tpu.memref_slice %arg6[%dma_start3A, %dma_start3A_146] : memref<100000x8xf32, #tpu.memory_space<hbm>> -> memref<800x8xf32, #tpu.memory_space<hbm>>
      %dma_start3A_148 = arith.constant 0 : i32
      %dma_start3A_149 = arith.constant 0 : i32
      %dma_start3A_150 = tpu.memref_slice %arg6[%dma_start3A_148, %dma_start3A_149] : memref<100000x8xf32, #tpu.memory_space<hbm>> -> memref<800x8xf32, #tpu.memory_space<hbm>>
      tpu.enqueue_dma source(%dma_start3A_150 : memref<800x8xf32, #tpu.memory_space<hbm>>) target(%arg17 : memref<800x8xf32, #tpu.memory_space<vmem>>) target_semaphore(%run_scoped3A : memref<!tpu.dma_semaphore, #tpu.memory_space<semaphore_mem>>)
      %dma_wait3A = arith.constant 0 : i32
      %dma_wait3A_151 = arith.constant 0 : i32
      %dma_wait3A_152 = tpu.memref_slice %arg6[%dma_wait3A, %dma_wait3A_151] : memref<100000x8xf32, #tpu.memory_space<hbm>> -> memref<800x8xf32, #tpu.memory_space<hbm>>
      %dma_wait3A_153 = arith.constant 0 : i32
      %dma_wait3A_154 = arith.constant 0 : i32
      %dma_wait3A_155 = tpu.memref_slice %arg6[%dma_wait3A_153, %dma_wait3A_154] : memref<100000x8xf32, #tpu.memory_space<hbm>> -> memref<800x8xf32, #tpu.memory_space<hbm>>
      tpu.wait_dma2 semaphore(%run_scoped3A : memref<!tpu.dma_semaphore, #tpu.memory_space<semaphore_mem>>) src(%dma_wait3A_155 : memref<800x8xf32, #tpu.memory_space<hbm>>) dst(%arg17 : memref<800x8xf32, #tpu.memory_space<vmem>>)
      tpu.yield
    }) : () -> ()
    %scan3A = arith.constant 0 : i32
    %scan3A_4 = arith.constant 0 : i32
    %scan3A_5 = arith.constant 8 : i32
    %scan3A_6 = arith.addi %scan3A_4, %scan3A_5 : i32
    %scan3A_7 = arith.constant 1 : i32
    scf.for %scan3A_146 = %scan3A_4 to %scan3A_6 step %scan3A_7  : i32 {
      %mul3A_147 = arith.constant 800 : i32
      %mul3A_148 = arith.muli %scan3A_146, %mul3A_147 : i32
      %add3A_149 = arith.addi %multiple_of3A, %mul3A_148 : i32
      %multiple_of3A_150 = tpu.assume_multiple %add3A_149, 8 : i32
      "tpu.region"() ({
        %run_scoped3A = tpu.sem_alloc : memref<!tpu.dma_semaphore, #tpu.memory_space<semaphore_mem>>
        %dma_start3A = arith.constant 0 : i32
        %dma_start3A_151 = tpu.memref_slice %arg8[%multiple_of3A_150, %dma_start3A] : memref<100000x8xf32, #tpu.memory_space<vmem_shared>> -> memref<800x8xf32, #tpu.memory_space<vmem_shared>>
        %dma_start3A_152 = arith.constant 0 : i32
        %dma_start3A_153 = tpu.memref_slice %arg8[%multiple_of3A_150, %dma_start3A_152] : memref<100000x8xf32, #tpu.memory_space<vmem_shared>> -> memref<800x8xf32, #tpu.memory_space<vmem_shared>>
        tpu.enqueue_dma source(%arg17 : memref<800x8xf32, #tpu.memory_space<vmem>>) target(%dma_start3A_153 : memref<800x8xf32, #tpu.memory_space<vmem_shared>>) target_semaphore(%run_scoped3A : memref<!tpu.dma_semaphore, #tpu.memory_space<semaphore_mem>>)
        %dma_wait3A = arith.constant 0 : i32
        %dma_wait3A_154 = tpu.memref_slice %arg8[%multiple_of3A_150, %dma_wait3A] : memref<100000x8xf32, #tpu.memory_space<vmem_shared>> -> memref<800x8xf32, #tpu.memory_space<vmem_shared>>
        %dma_wait3A_155 = arith.constant 0 : i32
        %dma_wait3A_156 = tpu.memref_slice %arg8[%multiple_of3A_150, %dma_wait3A_155] : memref<100000x8xf32, #tpu.memory_space<vmem_shared>> -> memref<800x8xf32, #tpu.memory_space<vmem_shared>>
        tpu.wait_dma2 semaphore(%run_scoped3A : memref<!tpu.dma_semaphore, #tpu.memory_space<semaphore_mem>>) src(%arg17 : memref<800x8xf32, #tpu.memory_space<vmem>>) dst(%dma_wait3A_156 : memref<800x8xf32, #tpu.memory_space<vmem_shared>>)
        tpu.yield
      }) : () -> ()
    }
    %scan3A_8 = arith.constant 8 : i32
    %barrier3A = arith.constant 0 : index
    tpu.barrier barrier_id(%barrier3A)
    %lt3A = arith.constant 16 : i32
    %lt3A_9 = arith.cmpi slt, %add3A, %lt3A : i32
    %jit3A = arith.constant 1 : i32
    %jit3A_10 = arith.constant 0 : i32
    %select_n3A = arith.select %lt3A_9, %jit3A, %jit3A_10 : i32
    %add3A_11 = arith.constant 1562 : i32
    %add3A_12 = arith.addi %add3A_11, %select_n3A : i32
    %mul3A_13 = arith.constant 1562 : i32
    %mul3A_14 = arith.muli %add3A, %mul3A_13 : i32
    %min3A_15 = arith.constant 16 : i32
    %min3A_16 = arith.minsi %add3A, %min3A_15 : i32
    %add3A_17 = arith.addi %mul3A_14, %min3A_16 : i32
    %jit3A_18 = arith.constant 2 : i32
    %div3A = arith.divsi %add3A_12, %jit3A_18 : i32
    %sign3A = arith.constant 0 : i32
    %sign3A_19 = arith.cmpi sgt, %add3A_12, %sign3A : i32
    %sign3A_20 = arith.extui %sign3A_19 : i1 to i32
    %sign3A_21 = arith.constant 0 : i32
    %sign3A_22 = arith.cmpi slt, %add3A_12, %sign3A_21 : i32
    %sign3A_23 = arith.extui %sign3A_22 : i1 to i32
    %sign3A_24 = arith.subi %sign3A_20, %sign3A_23 : i32
    %sign3A_25 = arith.constant 0 : i32
    %sign3A_26 = arith.cmpi sgt, %jit3A_18, %sign3A_25 : i32
    %sign3A_27 = arith.extui %sign3A_26 : i1 to i32
    %sign3A_28 = arith.constant 0 : i32
    %sign3A_29 = arith.cmpi slt, %jit3A_18, %sign3A_28 : i32
    %sign3A_30 = arith.extui %sign3A_29 : i1 to i32
    %sign3A_31 = arith.subi %sign3A_27, %sign3A_30 : i32
    %ne3A = arith.cmpi ne, %sign3A_24, %sign3A_31 : i32
    %rem3A = arith.remsi %add3A_12, %jit3A_18 : i32
    %ne3A_32 = arith.constant 0 : i32
    %ne3A_33 = arith.cmpi ne, %rem3A, %ne3A_32 : i32
    %and3A = arith.andi %ne3A, %ne3A_33 : i1
    %sub3A = arith.constant 1 : i32
    %sub3A_34 = arith.subi %div3A, %sub3A : i32
    %select_n3A_35 = arith.select %and3A, %sub3A_34, %div3A : i32
    %mul3A_36 = arith.constant 2 : i32
    %mul3A_37 = arith.muli %select_n3A_35, %mul3A_36 : i32
    %iota3A = tpu.iota {dimensions = array<i32: 0>} : vector<16xi32>
    %jit3A_38 = arith.constant 8 : i32
    %eq3A = arith.constant 0 : i32
    %eq3A_39 = arith.cmpi eq, %jit3A_38, %eq3A : i32
    %jit3A_40 = arith.constant 1 : i32
    %select_n3A_41 = arith.select %eq3A_39, %jit3A_40, %jit3A_38 : i32
    %rem3A_42 = vector.broadcast %select_n3A_41 : i32 to vector<16xi32>
    %rem3A_43 = arith.remsi %iota3A, %rem3A_42 : vector<16xi32>
    %ne3A_44 = arith.constant 0 : i32
    %ne3A_45 = vector.broadcast %ne3A_44 : i32 to vector<16xi32>
    %ne3A_46 = arith.cmpi ne, %rem3A_43, %ne3A_45 : vector<16xi32>
    %lt3A_47 = arith.constant 0 : i32
    %lt3A_48 = vector.broadcast %lt3A_47 : i32 to vector<16xi32>
    %lt3A_49 = arith.cmpi slt, %rem3A_43, %lt3A_48 : vector<16xi32>
    %lt3A_50 = arith.constant 0 : i32
    %lt3A_51 = arith.cmpi slt, %select_n3A_41, %lt3A_50 : i32
    %ne3A_52 = vector.broadcast %lt3A_51 : i1 to vector<16xi1>
    %ne3A_53 = vector.broadcast %ne3A_52 : vector<16xi1> to vector<16xi1>
    %ne3A_54 = arith.xori %lt3A_49, %ne3A_53 : vector<16xi1>
    %and3A_55 = arith.andi %ne3A_54, %ne3A_46 : vector<16xi1>
    %add3A_56 = vector.broadcast %select_n3A_41 : i32 to vector<16xi32>
    %add3A_57 = arith.addi %rem3A_43, %add3A_56 : vector<16xi32>
    %select_n3A_58 = arith.select %and3A_55, %add3A_57, %rem3A_43 : vector<16xi1>, vector<16xi32>
    %jit3A_59 = arith.constant 8 : i32
    %div3A_60 = vector.broadcast %jit3A_59 : i32 to vector<16xi32>
    %div3A_61 = arith.divsi %iota3A, %div3A_60 : vector<16xi32>
    %sign3A_62 = arith.constant 0 : i32
    %sign3A_63 = vector.broadcast %sign3A_62 : i32 to vector<16xi32>
    %sign3A_64 = arith.cmpi sgt, %iota3A, %sign3A_63 : vector<16xi32>
    %sign3A_65 = arith.extui %sign3A_64 : vector<16xi1> to vector<16xi32>
    %sign3A_66 = arith.constant 0 : i32
    %sign3A_67 = vector.broadcast %sign3A_66 : i32 to vector<16xi32>
    %sign3A_68 = arith.cmpi slt, %iota3A, %sign3A_67 : vector<16xi32>
    %sign3A_69 = arith.extui %sign3A_68 : vector<16xi1> to vector<16xi32>
    %sign3A_70 = arith.subi %sign3A_65, %sign3A_69 : vector<16xi32>
    %sign3A_71 = arith.constant 0 : i32
    %sign3A_72 = arith.cmpi sgt, %jit3A_59, %sign3A_71 : i32
    %sign3A_73 = arith.extui %sign3A_72 : i1 to i32
    %sign3A_74 = arith.constant 0 : i32
    %sign3A_75 = arith.cmpi slt, %jit3A_59, %sign3A_74 : i32
    %sign3A_76 = arith.extui %sign3A_75 : i1 to i32
    %sign3A_77 = arith.subi %sign3A_73, %sign3A_76 : i32
    %ne3A_78 = vector.broadcast %sign3A_77 : i32 to vector<16xi32>
    %ne3A_79 = arith.cmpi ne, %sign3A_70, %ne3A_78 : vector<16xi32>
    %rem3A_80 = vector.broadcast %jit3A_59 : i32 to vector<16xi32>
    %rem3A_81 = arith.remsi %iota3A, %rem3A_80 : vector<16xi32>
    %ne3A_82 = arith.constant 0 : i32
    %ne3A_83 = vector.broadcast %ne3A_82 : i32 to vector<16xi32>
    %ne3A_84 = arith.cmpi ne, %rem3A_81, %ne3A_83 : vector<16xi32>
    %and3A_85 = arith.andi %ne3A_79, %ne3A_84 : vector<16xi1>
    %sub3A_86 = arith.constant 1 : i32
    %sub3A_87 = vector.broadcast %sub3A_86 : i32 to vector<16xi32>
    %sub3A_88 = arith.subi %div3A_61, %sub3A_87 : vector<16xi32>
    %select_n3A_89 = arith.select %and3A_85, %sub3A_88, %div3A_61 : vector<16xi1>, vector<16xi32>
    %gt3A = arith.constant 0 : i32
    %gt3A_90 = arith.cmpi sgt, %mul3A_37, %gt3A : i32
    %convert_element_type3A = arith.extui %gt3A_90 : i1 to i32
    %cond3A = arith.constant 0 : i32
    %cond3A_91 = arith.cmpi ne, %convert_element_type3A, %cond3A : i32
    scf.if %cond3A_91 {
      %add3A_146 = arith.constant 0 : i32
      %add3A_147 = arith.addi %add3A_17, %add3A_146 : i32
      %mul3A_148 = arith.constant 128 : i32
      %mul3A_149 = arith.muli %add3A_147, %mul3A_148 : i32
      %dma_start3A = tpu.memref_slice %arg3[%mul3A_149] : memref<6400000xi32, #tpu.memory_space<hbm>> -> memref<128xi32, #tpu.memory_space<hbm>>
      %dma_start3A_150 = tpu.memref_slice %arg3[%mul3A_149] : memref<6400000xi32, #tpu.memory_space<hbm>> -> memref<128xi32, #tpu.memory_space<hbm>>
      tpu.enqueue_dma source(%dma_start3A_150 : memref<128xi32, #tpu.memory_space<hbm>>) target(%arg9 : memref<128xi32, #tpu.memory_space<vmem>>) target_semaphore(%arg18 : memref<!tpu.dma_semaphore, #tpu.memory_space<semaphore_mem>>)
      %mul3A_151 = arith.constant 128 : i32
      %mul3A_152 = arith.muli %add3A_147, %mul3A_151 : i32
      %dma_start3A_153 = tpu.memref_slice %arg4[%mul3A_152] : memref<6400000xi32, #tpu.memory_space<hbm>> -> memref<128xi32, #tpu.memory_space<hbm>>
      %dma_start3A_154 = tpu.memref_slice %arg4[%mul3A_152] : memref<6400000xi32, #tpu.memory_space<hbm>> -> memref<128xi32, #tpu.memory_space<hbm>>
      tpu.enqueue_dma source(%dma_start3A_154 : memref<128xi32, #tpu.memory_space<hbm>>) target(%arg10 : memref<128xi32, #tpu.memory_space<vmem>>) target_semaphore(%arg18 : memref<!tpu.dma_semaphore, #tpu.memory_space<semaphore_mem>>)
      %mul3A_155 = arith.constant 1024 : i32
      %mul3A_156 = arith.muli %add3A_147, %mul3A_155 : i32
      %dma_start3A_157 = tpu.memref_slice %arg2[%mul3A_156] : memref<51200000xf32, #tpu.memory_space<hbm>> -> memref<1024xf32, #tpu.memory_space<hbm>>
      %dma_start3A_158 = tpu.memref_slice %arg2[%mul3A_156] : memref<51200000xf32, #tpu.memory_space<hbm>> -> memref<1024xf32, #tpu.memory_space<hbm>>
      tpu.enqueue_dma source(%dma_start3A_158 : memref<1024xf32, #tpu.memory_space<hbm>>) target(%arg11 : memref<1024xf32, #tpu.memory_space<vmem>>) target_semaphore(%arg18 : memref<!tpu.dma_semaphore, #tpu.memory_space<semaphore_mem>>)
    } else {
    }
    %gt3A_92 = arith.constant 1 : i32
    %gt3A_93 = arith.cmpi sgt, %mul3A_37, %gt3A_92 : i32
    %convert_element_type3A_94 = arith.extui %gt3A_93 : i1 to i32
    %cond3A_95 = arith.constant 0 : i32
    %cond3A_96 = arith.cmpi ne, %convert_element_type3A_94, %cond3A_95 : i32
    scf.if %cond3A_96 {
      %add3A_146 = arith.constant 1 : i32
      %add3A_147 = arith.addi %add3A_17, %add3A_146 : i32
      %mul3A_148 = arith.constant 128 : i32
      %mul3A_149 = arith.muli %add3A_147, %mul3A_148 : i32
      %dma_start3A = tpu.memref_slice %arg3[%mul3A_149] : memref<6400000xi32, #tpu.memory_space<hbm>> -> memref<128xi32, #tpu.memory_space<hbm>>
      %dma_start3A_150 = tpu.memref_slice %arg3[%mul3A_149] : memref<6400000xi32, #tpu.memory_space<hbm>> -> memref<128xi32, #tpu.memory_space<hbm>>
      tpu.enqueue_dma source(%dma_start3A_150 : memref<128xi32, #tpu.memory_space<hbm>>) target(%arg13 : memref<128xi32, #tpu.memory_space<vmem>>) target_semaphore(%arg19 : memref<!tpu.dma_semaphore, #tpu.memory_space<semaphore_mem>>)
      %mul3A_151 = arith.constant 128 : i32
      %mul3A_152 = arith.muli %add3A_147, %mul3A_151 : i32
      %dma_start3A_153 = tpu.memref_slice %arg4[%mul3A_152] : memref<6400000xi32, #tpu.memory_space<hbm>> -> memref<128xi32, #tpu.memory_space<hbm>>
      %dma_start3A_154 = tpu.memref_slice %arg4[%mul3A_152] : memref<6400000xi32, #tpu.memory_space<hbm>> -> memref<128xi32, #tpu.memory_space<hbm>>
      tpu.enqueue_dma source(%dma_start3A_154 : memref<128xi32, #tpu.memory_space<hbm>>) target(%arg14 : memref<128xi32, #tpu.memory_space<vmem>>) target_semaphore(%arg19 : memref<!tpu.dma_semaphore, #tpu.memory_space<semaphore_mem>>)
      %mul3A_155 = arith.constant 1024 : i32
      %mul3A_156 = arith.muli %add3A_147, %mul3A_155 : i32
      %dma_start3A_157 = tpu.memref_slice %arg2[%mul3A_156] : memref<51200000xf32, #tpu.memory_space<hbm>> -> memref<1024xf32, #tpu.memory_space<hbm>>
      %dma_start3A_158 = tpu.memref_slice %arg2[%mul3A_156] : memref<51200000xf32, #tpu.memory_space<hbm>> -> memref<1024xf32, #tpu.memory_space<hbm>>
      tpu.enqueue_dma source(%dma_start3A_158 : memref<1024xf32, #tpu.memory_space<hbm>>) target(%arg15 : memref<1024xf32, #tpu.memory_space<vmem>>) target_semaphore(%arg19 : memref<!tpu.dma_semaphore, #tpu.memory_space<semaphore_mem>>)
    } else {
    }
    %gt3A_97 = arith.constant 0 : i32
    %gt3A_98 = arith.cmpi sgt, %mul3A_37, %gt3A_97 : i32
    %convert_element_type3A_99 = arith.extui %gt3A_98 : i1 to i32
    %cond3A_100 = arith.constant 0 : i32
    %cond3A_101 = arith.cmpi ne, %convert_element_type3A_99, %cond3A_100 : i32
    scf.if %cond3A_101 {
      %dma_wait3A = arith.constant 0 : i32
      %dma_wait3A_146 = tpu.memref_slice %arg3[%dma_wait3A] : memref<6400000xi32, #tpu.memory_space<hbm>> -> memref<128xi32, #tpu.memory_space<hbm>>
      %dma_wait3A_147 = arith.constant 0 : i32
      %dma_wait3A_148 = tpu.memref_slice %arg3[%dma_wait3A_147] : memref<6400000xi32, #tpu.memory_space<hbm>> -> memref<128xi32, #tpu.memory_space<hbm>>
      tpu.wait_dma2 semaphore(%arg18 : memref<!tpu.dma_semaphore, #tpu.memory_space<semaphore_mem>>) src(%dma_wait3A_148 : memref<128xi32, #tpu.memory_space<hbm>>) dst(%arg9 : memref<128xi32, #tpu.memory_space<vmem>>)
      %dma_wait3A_149 = arith.constant 0 : i32
      %dma_wait3A_150 = tpu.memref_slice %arg4[%dma_wait3A_149] : memref<6400000xi32, #tpu.memory_space<hbm>> -> memref<128xi32, #tpu.memory_space<hbm>>
      %dma_wait3A_151 = arith.constant 0 : i32
      %dma_wait3A_152 = tpu.memref_slice %arg4[%dma_wait3A_151] : memref<6400000xi32, #tpu.memory_space<hbm>> -> memref<128xi32, #tpu.memory_space<hbm>>
      tpu.wait_dma2 semaphore(%arg18 : memref<!tpu.dma_semaphore, #tpu.memory_space<semaphore_mem>>) src(%dma_wait3A_152 : memref<128xi32, #tpu.memory_space<hbm>>) dst(%arg10 : memref<128xi32, #tpu.memory_space<vmem>>)
      %dma_wait3A_153 = arith.constant 0 : i32
      %dma_wait3A_154 = tpu.memref_slice %arg2[%dma_wait3A_153] : memref<51200000xf32, #tpu.memory_space<hbm>> -> memref<1024xf32, #tpu.memory_space<hbm>>
      %dma_wait3A_155 = arith.constant 0 : i32
      %dma_wait3A_156 = tpu.memref_slice %arg2[%dma_wait3A_155] : memref<51200000xf32, #tpu.memory_space<hbm>> -> memref<1024xf32, #tpu.memory_space<hbm>>
      tpu.wait_dma2 semaphore(%arg18 : memref<!tpu.dma_semaphore, #tpu.memory_space<semaphore_mem>>) src(%dma_wait3A_156 : memref<1024xf32, #tpu.memory_space<hbm>>) dst(%arg11 : memref<1024xf32, #tpu.memory_space<vmem>>)
      %dma_start3A = arith.constant 0 : i32
      %dma_start3A_157 = arith.constant 0 : i32
      %dma_start3A_158 = tpu.memref_slice %arg5[%dma_start3A, %dma_start3A_157] : memref<100000x8xf32, #tpu.memory_space<hbm>> -> memref<100000x8xf32, #tpu.memory_space<hbm>>
      tpu.enqueue_indirect_dma source(%dma_start3A_158 : memref<100000x8xf32, #tpu.memory_space<hbm>>) target(%arg12 : memref<128x8xf32, #tpu.memory_space<vmem>>) offsets(%arg9 : memref<128xi32, #tpu.memory_space<vmem>>) semaphore(%arg20 : memref<!tpu.dma_semaphore, #tpu.memory_space<semaphore_mem>>)
    } else {
    }
    %jit3A_102 = arith.constant 2 : i32
    %div3A_103 = arith.divsi %mul3A_37, %jit3A_102 : i32
    %sign3A_104 = arith.constant 0 : i32
    %sign3A_105 = arith.cmpi sgt, %mul3A_37, %sign3A_104 : i32
    %sign3A_106 = arith.extui %sign3A_105 : i1 to i32
    %sign3A_107 = arith.constant 0 : i32
    %sign3A_108 = arith.cmpi slt, %mul3A_37, %sign3A_107 : i32
    %sign3A_109 = arith.extui %sign3A_108 : i1 to i32
    %sign3A_110 = arith.subi %sign3A_106, %sign3A_109 : i32
    %sign3A_111 = arith.constant 0 : i32
    %sign3A_112 = arith.cmpi sgt, %jit3A_102, %sign3A_111 : i32
    %sign3A_113 = arith.extui %sign3A_112 : i1 to i32
    %sign3A_114 = arith.constant 0 : i32
    %sign3A_115 = arith.cmpi slt, %jit3A_102, %sign3A_114 : i32
    %sign3A_116 = arith.extui %sign3A_115 : i1 to i32
    %sign3A_117 = arith.subi %sign3A_113, %sign3A_116 : i32
    %ne3A_118 = arith.cmpi ne, %sign3A_110, %sign3A_117 : i32
    %rem3A_119 = arith.remsi %mul3A_37, %jit3A_102 : i32
    %ne3A_120 = arith.constant 0 : i32
    %ne3A_121 = arith.cmpi ne, %rem3A_119, %ne3A_120 : i32
    %and3A_122 = arith.andi %ne3A_118, %ne3A_121 : i1
    %sub3A_123 = arith.constant 1 : i32
    %sub3A_124 = arith.subi %div3A_103, %sub3A_123 : i32
    %select_n3A_125 = arith.select %and3A_122, %sub3A_124, %div3A_103 : i32
    %while3A = arith.constant 0 : i32
    %while3A_126 = arith.constant 0 : i32
    %while3A_127 = arith.subi %select_n3A_125, %while3A_126 : i32
    %while3A_128 = arith.addi %while3A_126, %while3A_127 : i32
    %while3A_129 = arith.constant 1 : i32
    %while3A_130 = arith.divsi %while3A_127, %while3A_129 : i32
    %while3A_131 = arith.muli %while3A_130, %while3A_129 : i32
    %while3A_132 = arith.addi %while3A_126, %while3A_131 : i32
    %while3A_133 = arith.constant 1 : i32
    scf.for %while3A_146 = %while3A_126 to %while3A_132 step %while3A_133  : i32 {
      %mul3A_147 = arith.constant 2 : i32
      %mul3A_148 = arith.muli %while3A_146, %mul3A_147 : i32
      %dma_wait3A = arith.constant 0 : i32
      %dma_wait3A_149 = arith.constant 0 : i32
      %dma_wait3A_150 = tpu.memref_slice %arg5[%dma_wait3A, %dma_wait3A_149] : memref<100000x8xf32, #tpu.memory_space<hbm>> -> memref<100000x8xf32, #tpu.memory_space<hbm>>
      tpu.wait_indirect_dma semaphore(%arg20 : memref<!tpu.dma_semaphore, #tpu.memory_space<semaphore_mem>>) src(%dma_wait3A_150 : memref<100000x8xf32, #tpu.memory_space<hbm>>) dst(%arg12 : memref<128x8xf32, #tpu.memory_space<vmem>>)
      %add3A_151 = arith.constant 1 : i32
      %add3A_152 = arith.addi %mul3A_148, %add3A_151 : i32
      %lt3A_153 = arith.cmpi slt, %add3A_152, %mul3A_37 : i32
      %convert_element_type3A_154 = arith.extui %lt3A_153 : i1 to i32
      %cond3A_155 = arith.constant 0 : i32
      %cond3A_156 = arith.cmpi ne, %convert_element_type3A_154, %cond3A_155 : i32
      scf.if %cond3A_156 {
        %dma_wait3A_194 = arith.constant 0 : i32
        %dma_wait3A_195 = tpu.memref_slice %arg3[%dma_wait3A_194] : memref<6400000xi32, #tpu.memory_space<hbm>> -> memref<128xi32, #tpu.memory_space<hbm>>
        %dma_wait3A_196 = arith.constant 0 : i32
        %dma_wait3A_197 = tpu.memref_slice %arg3[%dma_wait3A_196] : memref<6400000xi32, #tpu.memory_space<hbm>> -> memref<128xi32, #tpu.memory_space<hbm>>
        tpu.wait_dma2 semaphore(%arg19 : memref<!tpu.dma_semaphore, #tpu.memory_space<semaphore_mem>>) src(%dma_wait3A_197 : memref<128xi32, #tpu.memory_space<hbm>>) dst(%arg13 : memref<128xi32, #tpu.memory_space<vmem>>)
        %dma_wait3A_198 = arith.constant 0 : i32
        %dma_wait3A_199 = tpu.memref_slice %arg4[%dma_wait3A_198] : memref<6400000xi32, #tpu.memory_space<hbm>> -> memref<128xi32, #tpu.memory_space<hbm>>
        %dma_wait3A_200 = arith.constant 0 : i32
        %dma_wait3A_201 = tpu.memref_slice %arg4[%dma_wait3A_200] : memref<6400000xi32, #tpu.memory_space<hbm>> -> memref<128xi32, #tpu.memory_space<hbm>>
        tpu.wait_dma2 semaphore(%arg19 : memref<!tpu.dma_semaphore, #tpu.memory_space<semaphore_mem>>) src(%dma_wait3A_201 : memref<128xi32, #tpu.memory_space<hbm>>) dst(%arg14 : memref<128xi32, #tpu.memory_space<vmem>>)
        %dma_wait3A_202 = arith.constant 0 : i32
        %dma_wait3A_203 = tpu.memref_slice %arg2[%dma_wait3A_202] : memref<51200000xf32, #tpu.memory_space<hbm>> -> memref<1024xf32, #tpu.memory_space<hbm>>
        %dma_wait3A_204 = arith.constant 0 : i32
        %dma_wait3A_205 = tpu.memref_slice %arg2[%dma_wait3A_204] : memref<51200000xf32, #tpu.memory_space<hbm>> -> memref<1024xf32, #tpu.memory_space<hbm>>
        tpu.wait_dma2 semaphore(%arg19 : memref<!tpu.dma_semaphore, #tpu.memory_space<semaphore_mem>>) src(%dma_wait3A_205 : memref<1024xf32, #tpu.memory_space<hbm>>) dst(%arg15 : memref<1024xf32, #tpu.memory_space<vmem>>)
        %dma_start3A = arith.constant 0 : i32
        %dma_start3A_206 = arith.constant 0 : i32
        %dma_start3A_207 = tpu.memref_slice %arg5[%dma_start3A, %dma_start3A_206] : memref<100000x8xf32, #tpu.memory_space<hbm>> -> memref<100000x8xf32, #tpu.memory_space<hbm>>
        tpu.enqueue_indirect_dma source(%dma_start3A_207 : memref<100000x8xf32, #tpu.memory_space<hbm>>) target(%arg16 : memref<128x8xf32, #tpu.memory_space<vmem>>) offsets(%arg13 : memref<128xi32, #tpu.memory_space<vmem>>) semaphore(%arg21 : memref<!tpu.dma_semaphore, #tpu.memory_space<semaphore_mem>>)
      } else {
      }
      %scan3A_157 = arith.constant 0 : i32
      %scan3A_158 = arith.constant 0 : i32
      %scan3A_159 = arith.constant 64 : i32
      %scan3A_160 = arith.addi %scan3A_158, %scan3A_159 : i32
      %scan3A_161 = arith.constant 8 : i32
      scf.for %scan3A_194 = %scan3A_158 to %scan3A_160 step %scan3A_161  : i32 {
        %mul3A_195 = arith.constant 2 : i32
        %mul3A_196 = arith.muli %mul3A_195, %scan3A_194 : i32
        %add3A_197 = vector.broadcast %mul3A_196 : i32 to vector<16xi32>
        %add3A_198 = arith.addi %add3A_197, %select_n3A_89 : vector<16xi32>
        %mul3A_199 = arith.constant 16 : i32
        %mul3A_200 = arith.muli %scan3A_194, %mul3A_199 : i32
        %get3A = arith.index_cast %mul3A_200 : i32 to index
        %get3A_201 = tpu.vector_load %arg11[%get3A] {strides = array<i32>} : memref<1024xf32, #tpu.memory_space<vmem>>, vector<16xf32>,
        %gather3A = tpu.vector_load_idx %arg12[%add3A_198, %select_n3A_58] : memref<128x8xf32, #tpu.memory_space<vmem>>[vector<16xi32>, vector<16xi32>], vector<16xf32>,
        %add3A_202 = arith.addf %get3A_201, %gather3A : vector<16xf32>
        %max3A = arith.constant 0.000000e+00 : f32
        %max3A_203 = vector.broadcast %max3A : f32 to vector<16xf32>
        %max3A_204 = arith.maximumf %add3A_202, %max3A_203 : vector<16xf32>
        tpu.vector_store_idx %arg12[%add3A_198, %select_n3A_58], %max3A_204 : memref<128x8xf32, #tpu.memory_space<vmem>>[vector<16xi32>, vector<16xi32>], vector<16xf32>,
        %scan3A_205 = arith.constant 1 : i32
        %scan3A_206 = arith.addi %scan3A_194, %scan3A_205 : i32
        %mul3A_207 = arith.constant 2 : i32
        %mul3A_208 = arith.muli %mul3A_207, %scan3A_206 : i32
        %add3A_209 = vector.broadcast %mul3A_208 : i32 to vector<16xi32>
        %add3A_210 = arith.addi %add3A_209, %select_n3A_89 : vector<16xi32>
        %mul3A_211 = arith.constant 16 : i32
        %mul3A_212 = arith.muli %scan3A_206, %mul3A_211 : i32
        %get3A_213 = arith.index_cast %mul3A_212 : i32 to index
        %get3A_214 = tpu.vector_load %arg11[%get3A_213] {strides = array<i32>} : memref<1024xf32, #tpu.memory_space<vmem>>, vector<16xf32>,
        %gather3A_215 = tpu.vector_load_idx %arg12[%add3A_210, %select_n3A_58] : memref<128x8xf32, #tpu.memory_space<vmem>>[vector<16xi32>, vector<16xi32>], vector<16xf32>,
        %add3A_216 = arith.addf %get3A_214, %gather3A_215 : vector<16xf32>
        %max3A_217 = arith.constant 0.000000e+00 : f32
        %max3A_218 = vector.broadcast %max3A_217 : f32 to vector<16xf32>
        %max3A_219 = arith.maximumf %add3A_216, %max3A_218 : vector<16xf32>
        tpu.vector_store_idx %arg12[%add3A_210, %select_n3A_58], %max3A_219 : memref<128x8xf32, #tpu.memory_space<vmem>>[vector<16xi32>, vector<16xi32>], vector<16xf32>,
        %scan3A_220 = arith.constant 2 : i32
        %scan3A_221 = arith.addi %scan3A_194, %scan3A_220 : i32
        %mul3A_222 = arith.constant 2 : i32
        %mul3A_223 = arith.muli %mul3A_222, %scan3A_221 : i32
        %add3A_224 = vector.broadcast %mul3A_223 : i32 to vector<16xi32>
        %add3A_225 = arith.addi %add3A_224, %select_n3A_89 : vector<16xi32>
        %mul3A_226 = arith.constant 16 : i32
        %mul3A_227 = arith.muli %scan3A_221, %mul3A_226 : i32
        %get3A_228 = arith.index_cast %mul3A_227 : i32 to index
        %get3A_229 = tpu.vector_load %arg11[%get3A_228] {strides = array<i32>} : memref<1024xf32, #tpu.memory_space<vmem>>, vector<16xf32>,
        %gather3A_230 = tpu.vector_load_idx %arg12[%add3A_225, %select_n3A_58] : memref<128x8xf32, #tpu.memory_space<vmem>>[vector<16xi32>, vector<16xi32>], vector<16xf32>,
        %add3A_231 = arith.addf %get3A_229, %gather3A_230 : vector<16xf32>
        %max3A_232 = arith.constant 0.000000e+00 : f32
        %max3A_233 = vector.broadcast %max3A_232 : f32 to vector<16xf32>
        %max3A_234 = arith.maximumf %add3A_231, %max3A_233 : vector<16xf32>
        tpu.vector_store_idx %arg12[%add3A_225, %select_n3A_58], %max3A_234 : memref<128x8xf32, #tpu.memory_space<vmem>>[vector<16xi32>, vector<16xi32>], vector<16xf32>,
        %scan3A_235 = arith.constant 3 : i32
        %scan3A_236 = arith.addi %scan3A_194, %scan3A_235 : i32
        %mul3A_237 = arith.constant 2 : i32
        %mul3A_238 = arith.muli %mul3A_237, %scan3A_236 : i32
        %add3A_239 = vector.broadcast %mul3A_238 : i32 to vector<16xi32>
        %add3A_240 = arith.addi %add3A_239, %select_n3A_89 : vector<16xi32>
        %mul3A_241 = arith.constant 16 : i32
        %mul3A_242 = arith.muli %scan3A_236, %mul3A_241 : i32
        %get3A_243 = arith.index_cast %mul3A_242 : i32 to index
        %get3A_244 = tpu.vector_load %arg11[%get3A_243] {strides = array<i32>} : memref<1024xf32, #tpu.memory_space<vmem>>, vector<16xf32>,
        %gather3A_245 = tpu.vector_load_idx %arg12[%add3A_240, %select_n3A_58] : memref<128x8xf32, #tpu.memory_space<vmem>>[vector<16xi32>, vector<16xi32>], vector<16xf32>,
        %add3A_246 = arith.addf %get3A_244, %gather3A_245 : vector<16xf32>
        %max3A_247 = arith.constant 0.000000e+00 : f32
        %max3A_248 = vector.broadcast %max3A_247 : f32 to vector<16xf32>
        %max3A_249 = arith.maximumf %add3A_246, %max3A_248 : vector<16xf32>
        tpu.vector_store_idx %arg12[%add3A_240, %select_n3A_58], %max3A_249 : memref<128x8xf32, #tpu.memory_space<vmem>>[vector<16xi32>, vector<16xi32>], vector<16xf32>,
        %scan3A_250 = arith.constant 4 : i32
        %scan3A_251 = arith.addi %scan3A_194, %scan3A_250 : i32
        %mul3A_252 = arith.constant 2 : i32
        %mul3A_253 = arith.muli %mul3A_252, %scan3A_251 : i32
        %add3A_254 = vector.broadcast %mul3A_253 : i32 to vector<16xi32>
        %add3A_255 = arith.addi %add3A_254, %select_n3A_89 : vector<16xi32>
        %mul3A_256 = arith.constant 16 : i32
        %mul3A_257 = arith.muli %scan3A_251, %mul3A_256 : i32
        %get3A_258 = arith.index_cast %mul3A_257 : i32 to index
        %get3A_259 = tpu.vector_load %arg11[%get3A_258] {strides = array<i32>} : memref<1024xf32, #tpu.memory_space<vmem>>, vector<16xf32>,
        %gather3A_260 = tpu.vector_load_idx %arg12[%add3A_255, %select_n3A_58] : memref<128x8xf32, #tpu.memory_space<vmem>>[vector<16xi32>, vector<16xi32>], vector<16xf32>,
        %add3A_261 = arith.addf %get3A_259, %gather3A_260 : vector<16xf32>
        %max3A_262 = arith.constant 0.000000e+00 : f32
        %max3A_263 = vector.broadcast %max3A_262 : f32 to vector<16xf32>
        %max3A_264 = arith.maximumf %add3A_261, %max3A_263 : vector<16xf32>
        tpu.vector_store_idx %arg12[%add3A_255, %select_n3A_58], %max3A_264 : memref<128x8xf32, #tpu.memory_space<vmem>>[vector<16xi32>, vector<16xi32>], vector<16xf32>,
        %scan3A_265 = arith.constant 5 : i32
        %scan3A_266 = arith.addi %scan3A_194, %scan3A_265 : i32
        %mul3A_267 = arith.constant 2 : i32
        %mul3A_268 = arith.muli %mul3A_267, %scan3A_266 : i32
        %add3A_269 = vector.broadcast %mul3A_268 : i32 to vector<16xi32>
        %add3A_270 = arith.addi %add3A_269, %select_n3A_89 : vector<16xi32>
        %mul3A_271 = arith.constant 16 : i32
        %mul3A_272 = arith.muli %scan3A_266, %mul3A_271 : i32
        %get3A_273 = arith.index_cast %mul3A_272 : i32 to index
        %get3A_274 = tpu.vector_load %arg11[%get3A_273] {strides = array<i32>} : memref<1024xf32, #tpu.memory_space<vmem>>, vector<16xf32>,
        %gather3A_275 = tpu.vector_load_idx %arg12[%add3A_270, %select_n3A_58] : memref<128x8xf32, #tpu.memory_space<vmem>>[vector<16xi32>, vector<16xi32>], vector<16xf32>,
        %add3A_276 = arith.addf %get3A_274, %gather3A_275 : vector<16xf32>
        %max3A_277 = arith.constant 0.000000e+00 : f32
        %max3A_278 = vector.broadcast %max3A_277 : f32 to vector<16xf32>
        %max3A_279 = arith.maximumf %add3A_276, %max3A_278 : vector<16xf32>
        tpu.vector_store_idx %arg12[%add3A_270, %select_n3A_58], %max3A_279 : memref<128x8xf32, #tpu.memory_space<vmem>>[vector<16xi32>, vector<16xi32>], vector<16xf32>,
        %scan3A_280 = arith.constant 6 : i32
        %scan3A_281 = arith.addi %scan3A_194, %scan3A_280 : i32
        %mul3A_282 = arith.constant 2 : i32
        %mul3A_283 = arith.muli %mul3A_282, %scan3A_281 : i32
        %add3A_284 = vector.broadcast %mul3A_283 : i32 to vector<16xi32>
        %add3A_285 = arith.addi %add3A_284, %select_n3A_89 : vector<16xi32>
        %mul3A_286 = arith.constant 16 : i32
        %mul3A_287 = arith.muli %scan3A_281, %mul3A_286 : i32
        %get3A_288 = arith.index_cast %mul3A_287 : i32 to index
        %get3A_289 = tpu.vector_load %arg11[%get3A_288] {strides = array<i32>} : memref<1024xf32, #tpu.memory_space<vmem>>, vector<16xf32>,
        %gather3A_290 = tpu.vector_load_idx %arg12[%add3A_285, %select_n3A_58] : memref<128x8xf32, #tpu.memory_space<vmem>>[vector<16xi32>, vector<16xi32>], vector<16xf32>,
        %add3A_291 = arith.addf %get3A_289, %gather3A_290 : vector<16xf32>
        %max3A_292 = arith.constant 0.000000e+00 : f32
        %max3A_293 = vector.broadcast %max3A_292 : f32 to vector<16xf32>
        %max3A_294 = arith.maximumf %add3A_291, %max3A_293 : vector<16xf32>
        tpu.vector_store_idx %arg12[%add3A_285, %select_n3A_58], %max3A_294 : memref<128x8xf32, #tpu.memory_space<vmem>>[vector<16xi32>, vector<16xi32>], vector<16xf32>,
        %scan3A_295 = arith.constant 7 : i32
        %scan3A_296 = arith.addi %scan3A_194, %scan3A_295 : i32
        %mul3A_297 = arith.constant 2 : i32
        %mul3A_298 = arith.muli %mul3A_297, %scan3A_296 : i32
        %add3A_299 = vector.broadcast %mul3A_298 : i32 to vector<16xi32>
        %add3A_300 = arith.addi %add3A_299, %select_n3A_89 : vector<16xi32>
        %mul3A_301 = arith.constant 16 : i32
        %mul3A_302 = arith.muli %scan3A_296, %mul3A_301 : i32
        %get3A_303 = arith.index_cast %mul3A_302 : i32 to index
        %get3A_304 = tpu.vector_load %arg11[%get3A_303] {strides = array<i32>} : memref<1024xf32, #tpu.memory_space<vmem>>, vector<16xf32>,
        %gather3A_305 = tpu.vector_load_idx %arg12[%add3A_300, %select_n3A_58] : memref<128x8xf32, #tpu.memory_space<vmem>>[vector<16xi32>, vector<16xi32>], vector<16xf32>,
        %add3A_306 = arith.addf %get3A_304, %gather3A_305 : vector<16xf32>
        %max3A_307 = arith.constant 0.000000e+00 : f32
        %max3A_308 = vector.broadcast %max3A_307 : f32 to vector<16xf32>
        %max3A_309 = arith.maximumf %add3A_306, %max3A_308 : vector<16xf32>
        tpu.vector_store_idx %arg12[%add3A_300, %select_n3A_58], %max3A_309 : memref<128x8xf32, #tpu.memory_space<vmem>>[vector<16xi32>, vector<16xi32>], vector<16xf32>,
      }
      %scan3A_162 = arith.constant 64 : i32
      "tpu.region"() ({
        %run_scoped3A = tpu.sem_alloc : memref<!tpu.dma_semaphore, #tpu.memory_space<semaphore_mem>>
        %dma_start3A = arith.constant 0 : i32
        %dma_start3A_194 = arith.constant 0 : i32
        %dma_start3A_195 = tpu.memref_slice %arg8[%dma_start3A, %dma_start3A_194] : memref<100000x8xf32, #tpu.memory_space<vmem_shared>> -> memref<100000x8xf32, #tpu.memory_space<vmem_shared>>
        tpu.enqueue_indirect_dma source(%arg12 : memref<128x8xf32, #tpu.memory_space<vmem>>) target(%dma_start3A_195 : memref<100000x8xf32, #tpu.memory_space<vmem_shared>>) offsets(%arg10 : memref<128xi32, #tpu.memory_space<vmem>>) semaphore(%run_scoped3A : memref<!tpu.dma_semaphore, #tpu.memory_space<semaphore_mem>>) {add = true}
        %dma_wait3A_196 = arith.constant 0 : i32
        %dma_wait3A_197 = arith.constant 0 : i32
        %dma_wait3A_198 = tpu.memref_slice %arg8[%dma_wait3A_196, %dma_wait3A_197] : memref<100000x8xf32, #tpu.memory_space<vmem_shared>> -> memref<100000x8xf32, #tpu.memory_space<vmem_shared>>
        tpu.wait_indirect_dma semaphore(%run_scoped3A : memref<!tpu.dma_semaphore, #tpu.memory_space<semaphore_mem>>) src(%arg12 : memref<128x8xf32, #tpu.memory_space<vmem>>) dst(%dma_wait3A_198 : memref<100000x8xf32, #tpu.memory_space<vmem_shared>>)
        tpu.yield
      }) : () -> ()
      %add3A_163 = arith.constant 2 : i32
      %add3A_164 = arith.addi %mul3A_148, %add3A_163 : i32
      %lt3A_165 = arith.cmpi slt, %add3A_164, %mul3A_37 : i32
      %convert_element_type3A_166 = arith.extui %lt3A_165 : i1 to i32
      %cond3A_167 = arith.constant 0 : i32
      %cond3A_168 = arith.cmpi ne, %convert_element_type3A_166, %cond3A_167 : i32
      scf.if %cond3A_168 {
        %add3A_194 = arith.constant 2 : i32
        %add3A_195 = arith.addi %mul3A_148, %add3A_194 : i32
        %add3A_196 = arith.addi %add3A_17, %add3A_195 : i32
        %mul3A_197 = arith.constant 128 : i32
        %mul3A_198 = arith.muli %add3A_196, %mul3A_197 : i32
        %dma_start3A = tpu.memref_slice %arg3[%mul3A_198] : memref<6400000xi32, #tpu.memory_space<hbm>> -> memref<128xi32, #tpu.memory_space<hbm>>
        %dma_start3A_199 = tpu.memref_slice %arg3[%mul3A_198] : memref<6400000xi32, #tpu.memory_space<hbm>> -> memref<128xi32, #tpu.memory_space<hbm>>
        tpu.enqueue_dma source(%dma_start3A_199 : memref<128xi32, #tpu.memory_space<hbm>>) target(%arg9 : memref<128xi32, #tpu.memory_space<vmem>>) target_semaphore(%arg18 : memref<!tpu.dma_semaphore, #tpu.memory_space<semaphore_mem>>)
        %mul3A_200 = arith.constant 128 : i32
        %mul3A_201 = arith.muli %add3A_196, %mul3A_200 : i32
        %dma_start3A_202 = tpu.memref_slice %arg4[%mul3A_201] : memref<6400000xi32, #tpu.memory_space<hbm>> -> memref<128xi32, #tpu.memory_space<hbm>>
        %dma_start3A_203 = tpu.memref_slice %arg4[%mul3A_201] : memref<6400000xi32, #tpu.memory_space<hbm>> -> memref<128xi32, #tpu.memory_space<hbm>>
        tpu.enqueue_dma source(%dma_start3A_203 : memref<128xi32, #tpu.memory_space<hbm>>) target(%arg10 : memref<128xi32, #tpu.memory_space<vmem>>) target_semaphore(%arg18 : memref<!tpu.dma_semaphore, #tpu.memory_space<semaphore_mem>>)
        %mul3A_204 = arith.constant 1024 : i32
        %mul3A_205 = arith.muli %add3A_196, %mul3A_204 : i32
        %dma_start3A_206 = tpu.memref_slice %arg2[%mul3A_205] : memref<51200000xf32, #tpu.memory_space<hbm>> -> memref<1024xf32, #tpu.memory_space<hbm>>
        %dma_start3A_207 = tpu.memref_slice %arg2[%mul3A_205] : memref<51200000xf32, #tpu.memory_space<hbm>> -> memref<1024xf32, #tpu.memory_space<hbm>>
        tpu.enqueue_dma source(%dma_start3A_207 : memref<1024xf32, #tpu.memory_space<hbm>>) target(%arg11 : memref<1024xf32, #tpu.memory_space<vmem>>) target_semaphore(%arg18 : memref<!tpu.dma_semaphore, #tpu.memory_space<semaphore_mem>>)
      } else {
      }
      %mul3A_169 = arith.constant 2 : i32
      %mul3A_170 = arith.muli %while3A_146, %mul3A_169 : i32
      %add3A_171 = arith.constant 1 : i32
      %add3A_172 = arith.addi %mul3A_170, %add3A_171 : i32
      %dma_wait3A_173 = arith.constant 0 : i32
      %dma_wait3A_174 = arith.constant 0 : i32
      %dma_wait3A_175 = tpu.memref_slice %arg5[%dma_wait3A_173, %dma_wait3A_174] : memref<100000x8xf32, #tpu.memory_space<hbm>> -> memref<100000x8xf32, #tpu.memory_space<hbm>>
      tpu.wait_indirect_dma semaphore(%arg21 : memref<!tpu.dma_semaphore, #tpu.memory_space<semaphore_mem>>) src(%dma_wait3A_175 : memref<100000x8xf32, #tpu.memory_space<hbm>>) dst(%arg16 : memref<128x8xf32, #tpu.memory_space<vmem>>)
      %add3A_176 = arith.constant 1 : i32
      %add3A_177 = arith.addi %add3A_172, %add3A_176 : i32
      %lt3A_178 = arith.cmpi slt, %add3A_177, %mul3A_37 : i32
      %convert_element_type3A_179 = arith.extui %lt3A_178 : i1 to i32
      %cond3A_180 = arith.constant 0 : i32
      %cond3A_181 = arith.cmpi ne, %convert_element_type3A_179, %cond3A_180 : i32
      scf.if %cond3A_181 {
        %dma_wait3A_194 = arith.constant 0 : i32
        %dma_wait3A_195 = tpu.memref_slice %arg3[%dma_wait3A_194] : memref<6400000xi32, #tpu.memory_space<hbm>> -> memref<128xi32, #tpu.memory_space<hbm>>
        %dma_wait3A_196 = arith.constant 0 : i32
        %dma_wait3A_197 = tpu.memref_slice %arg3[%dma_wait3A_196] : memref<6400000xi32, #tpu.memory_space<hbm>> -> memref<128xi32, #tpu.memory_space<hbm>>
        tpu.wait_dma2 semaphore(%arg18 : memref<!tpu.dma_semaphore, #tpu.memory_space<semaphore_mem>>) src(%dma_wait3A_197 : memref<128xi32, #tpu.memory_space<hbm>>) dst(%arg9 : memref<128xi32, #tpu.memory_space<vmem>>)
        %dma_wait3A_198 = arith.constant 0 : i32
        %dma_wait3A_199 = tpu.memref_slice %arg4[%dma_wait3A_198] : memref<6400000xi32, #tpu.memory_space<hbm>> -> memref<128xi32, #tpu.memory_space<hbm>>
        %dma_wait3A_200 = arith.constant 0 : i32
        %dma_wait3A_201 = tpu.memref_slice %arg4[%dma_wait3A_200] : memref<6400000xi32, #tpu.memory_space<hbm>> -> memref<128xi32, #tpu.memory_space<hbm>>
        tpu.wait_dma2 semaphore(%arg18 : memref<!tpu.dma_semaphore, #tpu.memory_space<semaphore_mem>>) src(%dma_wait3A_201 : memref<128xi32, #tpu.memory_space<hbm>>) dst(%arg10 : memref<128xi32, #tpu.memory_space<vmem>>)
        %dma_wait3A_202 = arith.constant 0 : i32
        %dma_wait3A_203 = tpu.memref_slice %arg2[%dma_wait3A_202] : memref<51200000xf32, #tpu.memory_space<hbm>> -> memref<1024xf32, #tpu.memory_space<hbm>>
        %dma_wait3A_204 = arith.constant 0 : i32
        %dma_wait3A_205 = tpu.memref_slice %arg2[%dma_wait3A_204] : memref<51200000xf32, #tpu.memory_space<hbm>> -> memref<1024xf32, #tpu.memory_space<hbm>>
        tpu.wait_dma2 semaphore(%arg18 : memref<!tpu.dma_semaphore, #tpu.memory_space<semaphore_mem>>) src(%dma_wait3A_205 : memref<1024xf32, #tpu.memory_space<hbm>>) dst(%arg11 : memref<1024xf32, #tpu.memory_space<vmem>>)
        %dma_start3A = arith.constant 0 : i32
        %dma_start3A_206 = arith.constant 0 : i32
        %dma_start3A_207 = tpu.memref_slice %arg5[%dma_start3A, %dma_start3A_206] : memref<100000x8xf32, #tpu.memory_space<hbm>> -> memref<100000x8xf32, #tpu.memory_space<hbm>>
        tpu.enqueue_indirect_dma source(%dma_start3A_207 : memref<100000x8xf32, #tpu.memory_space<hbm>>) target(%arg12 : memref<128x8xf32, #tpu.memory_space<vmem>>) offsets(%arg9 : memref<128xi32, #tpu.memory_space<vmem>>) semaphore(%arg20 : memref<!tpu.dma_semaphore, #tpu.memory_space<semaphore_mem>>)
      } else {
      }
      %scan3A_182 = arith.constant 0 : i32
      %scan3A_183 = arith.constant 0 : i32
      %scan3A_184 = arith.constant 64 : i32
      %scan3A_185 = arith.addi %scan3A_183, %scan3A_184 : i32
      %scan3A_186 = arith.constant 8 : i32
      scf.for %scan3A_194 = %scan3A_183 to %scan3A_185 step %scan3A_186  : i32 {
        %mul3A_195 = arith.constant 2 : i32
        %mul3A_196 = arith.muli %mul3A_195, %scan3A_194 : i32
        %add3A_197 = vector.broadcast %mul3A_196 : i32 to vector<16xi32>
        %add3A_198 = arith.addi %add3A_197, %select_n3A_89 : vector<16xi32>
        %mul3A_199 = arith.constant 16 : i32
        %mul3A_200 = arith.muli %scan3A_194, %mul3A_199 : i32
        %get3A = arith.index_cast %mul3A_200 : i32 to index
        %get3A_201 = tpu.vector_load %arg15[%get3A] {strides = array<i32>} : memref<1024xf32, #tpu.memory_space<vmem>>, vector<16xf32>,
        %gather3A = tpu.vector_load_idx %arg16[%add3A_198, %select_n3A_58] : memref<128x8xf32, #tpu.memory_space<vmem>>[vector<16xi32>, vector<16xi32>], vector<16xf32>,
        %add3A_202 = arith.addf %get3A_201, %gather3A : vector<16xf32>
        %max3A = arith.constant 0.000000e+00 : f32
        %max3A_203 = vector.broadcast %max3A : f32 to vector<16xf32>
        %max3A_204 = arith.maximumf %add3A_202, %max3A_203 : vector<16xf32>
        tpu.vector_store_idx %arg16[%add3A_198, %select_n3A_58], %max3A_204 : memref<128x8xf32, #tpu.memory_space<vmem>>[vector<16xi32>, vector<16xi32>], vector<16xf32>,
        %scan3A_205 = arith.constant 1 : i32
        %scan3A_206 = arith.addi %scan3A_194, %scan3A_205 : i32
        %mul3A_207 = arith.constant 2 : i32
        %mul3A_208 = arith.muli %mul3A_207, %scan3A_206 : i32
        %add3A_209 = vector.broadcast %mul3A_208 : i32 to vector<16xi32>
        %add3A_210 = arith.addi %add3A_209, %select_n3A_89 : vector<16xi32>
        %mul3A_211 = arith.constant 16 : i32
        %mul3A_212 = arith.muli %scan3A_206, %mul3A_211 : i32
        %get3A_213 = arith.index_cast %mul3A_212 : i32 to index
        %get3A_214 = tpu.vector_load %arg15[%get3A_213] {strides = array<i32>} : memref<1024xf32, #tpu.memory_space<vmem>>, vector<16xf32>,
        %gather3A_215 = tpu.vector_load_idx %arg16[%add3A_210, %select_n3A_58] : memref<128x8xf32, #tpu.memory_space<vmem>>[vector<16xi32>, vector<16xi32>], vector<16xf32>,
        %add3A_216 = arith.addf %get3A_214, %gather3A_215 : vector<16xf32>
        %max3A_217 = arith.constant 0.000000e+00 : f32
        %max3A_218 = vector.broadcast %max3A_217 : f32 to vector<16xf32>
        %max3A_219 = arith.maximumf %add3A_216, %max3A_218 : vector<16xf32>
        tpu.vector_store_idx %arg16[%add3A_210, %select_n3A_58], %max3A_219 : memref<128x8xf32, #tpu.memory_space<vmem>>[vector<16xi32>, vector<16xi32>], vector<16xf32>,
        %scan3A_220 = arith.constant 2 : i32
        %scan3A_221 = arith.addi %scan3A_194, %scan3A_220 : i32
        %mul3A_222 = arith.constant 2 : i32
        %mul3A_223 = arith.muli %mul3A_222, %scan3A_221 : i32
        %add3A_224 = vector.broadcast %mul3A_223 : i32 to vector<16xi32>
        %add3A_225 = arith.addi %add3A_224, %select_n3A_89 : vector<16xi32>
        %mul3A_226 = arith.constant 16 : i32
        %mul3A_227 = arith.muli %scan3A_221, %mul3A_226 : i32
        %get3A_228 = arith.index_cast %mul3A_227 : i32 to index
        %get3A_229 = tpu.vector_load %arg15[%get3A_228] {strides = array<i32>} : memref<1024xf32, #tpu.memory_space<vmem>>, vector<16xf32>,
        %gather3A_230 = tpu.vector_load_idx %arg16[%add3A_225, %select_n3A_58] : memref<128x8xf32, #tpu.memory_space<vmem>>[vector<16xi32>, vector<16xi32>], vector<16xf32>,
        %add3A_231 = arith.addf %get3A_229, %gather3A_230 : vector<16xf32>
        %max3A_232 = arith.constant 0.000000e+00 : f32
        %max3A_233 = vector.broadcast %max3A_232 : f32 to vector<16xf32>
        %max3A_234 = arith.maximumf %add3A_231, %max3A_233 : vector<16xf32>
        tpu.vector_store_idx %arg16[%add3A_225, %select_n3A_58], %max3A_234 : memref<128x8xf32, #tpu.memory_space<vmem>>[vector<16xi32>, vector<16xi32>], vector<16xf32>,
        %scan3A_235 = arith.constant 3 : i32
        %scan3A_236 = arith.addi %scan3A_194, %scan3A_235 : i32
        %mul3A_237 = arith.constant 2 : i32
        %mul3A_238 = arith.muli %mul3A_237, %scan3A_236 : i32
        %add3A_239 = vector.broadcast %mul3A_238 : i32 to vector<16xi32>
        %add3A_240 = arith.addi %add3A_239, %select_n3A_89 : vector<16xi32>
        %mul3A_241 = arith.constant 16 : i32
        %mul3A_242 = arith.muli %scan3A_236, %mul3A_241 : i32
        %get3A_243 = arith.index_cast %mul3A_242 : i32 to index
        %get3A_244 = tpu.vector_load %arg15[%get3A_243] {strides = array<i32>} : memref<1024xf32, #tpu.memory_space<vmem>>, vector<16xf32>,
        %gather3A_245 = tpu.vector_load_idx %arg16[%add3A_240, %select_n3A_58] : memref<128x8xf32, #tpu.memory_space<vmem>>[vector<16xi32>, vector<16xi32>], vector<16xf32>,
        %add3A_246 = arith.addf %get3A_244, %gather3A_245 : vector<16xf32>
        %max3A_247 = arith.constant 0.000000e+00 : f32
        %max3A_248 = vector.broadcast %max3A_247 : f32 to vector<16xf32>
        %max3A_249 = arith.maximumf %add3A_246, %max3A_248 : vector<16xf32>
        tpu.vector_store_idx %arg16[%add3A_240, %select_n3A_58], %max3A_249 : memref<128x8xf32, #tpu.memory_space<vmem>>[vector<16xi32>, vector<16xi32>], vector<16xf32>,
        %scan3A_250 = arith.constant 4 : i32
        %scan3A_251 = arith.addi %scan3A_194, %scan3A_250 : i32
        %mul3A_252 = arith.constant 2 : i32
        %mul3A_253 = arith.muli %mul3A_252, %scan3A_251 : i32
        %add3A_254 = vector.broadcast %mul3A_253 : i32 to vector<16xi32>
        %add3A_255 = arith.addi %add3A_254, %select_n3A_89 : vector<16xi32>
        %mul3A_256 = arith.constant 16 : i32
        %mul3A_257 = arith.muli %scan3A_251, %mul3A_256 : i32
        %get3A_258 = arith.index_cast %mul3A_257 : i32 to index
        %get3A_259 = tpu.vector_load %arg15[%get3A_258] {strides = array<i32>} : memref<1024xf32, #tpu.memory_space<vmem>>, vector<16xf32>,
        %gather3A_260 = tpu.vector_load_idx %arg16[%add3A_255, %select_n3A_58] : memref<128x8xf32, #tpu.memory_space<vmem>>[vector<16xi32>, vector<16xi32>], vector<16xf32>,
        %add3A_261 = arith.addf %get3A_259, %gather3A_260 : vector<16xf32>
        %max3A_262 = arith.constant 0.000000e+00 : f32
        %max3A_263 = vector.broadcast %max3A_262 : f32 to vector<16xf32>
        %max3A_264 = arith.maximumf %add3A_261, %max3A_263 : vector<16xf32>
        tpu.vector_store_idx %arg16[%add3A_255, %select_n3A_58], %max3A_264 : memref<128x8xf32, #tpu.memory_space<vmem>>[vector<16xi32>, vector<16xi32>], vector<16xf32>,
        %scan3A_265 = arith.constant 5 : i32
        %scan3A_266 = arith.addi %scan3A_194, %scan3A_265 : i32
        %mul3A_267 = arith.constant 2 : i32
        %mul3A_268 = arith.muli %mul3A_267, %scan3A_266 : i32
        %add3A_269 = vector.broadcast %mul3A_268 : i32 to vector<16xi32>
        %add3A_270 = arith.addi %add3A_269, %select_n3A_89 : vector<16xi32>
        %mul3A_271 = arith.constant 16 : i32
        %mul3A_272 = arith.muli %scan3A_266, %mul3A_271 : i32
        %get3A_273 = arith.index_cast %mul3A_272 : i32 to index
        %get3A_274 = tpu.vector_load %arg15[%get3A_273] {strides = array<i32>} : memref<1024xf32, #tpu.memory_space<vmem>>, vector<16xf32>,
        %gather3A_275 = tpu.vector_load_idx %arg16[%add3A_270, %select_n3A_58] : memref<128x8xf32, #tpu.memory_space<vmem>>[vector<16xi32>, vector<16xi32>], vector<16xf32>,
        %add3A_276 = arith.addf %get3A_274, %gather3A_275 : vector<16xf32>
        %max3A_277 = arith.constant 0.000000e+00 : f32
        %max3A_278 = vector.broadcast %max3A_277 : f32 to vector<16xf32>
        %max3A_279 = arith.maximumf %add3A_276, %max3A_278 : vector<16xf32>
        tpu.vector_store_idx %arg16[%add3A_270, %select_n3A_58], %max3A_279 : memref<128x8xf32, #tpu.memory_space<vmem>>[vector<16xi32>, vector<16xi32>], vector<16xf32>,
        %scan3A_280 = arith.constant 6 : i32
        %scan3A_281 = arith.addi %scan3A_194, %scan3A_280 : i32
        %mul3A_282 = arith.constant 2 : i32
        %mul3A_283 = arith.muli %mul3A_282, %scan3A_281 : i32
        %add3A_284 = vector.broadcast %mul3A_283 : i32 to vector<16xi32>
        %add3A_285 = arith.addi %add3A_284, %select_n3A_89 : vector<16xi32>
        %mul3A_286 = arith.constant 16 : i32
        %mul3A_287 = arith.muli %scan3A_281, %mul3A_286 : i32
        %get3A_288 = arith.index_cast %mul3A_287 : i32 to index
        %get3A_289 = tpu.vector_load %arg15[%get3A_288] {strides = array<i32>} : memref<1024xf32, #tpu.memory_space<vmem>>, vector<16xf32>,
        %gather3A_290 = tpu.vector_load_idx %arg16[%add3A_285, %select_n3A_58] : memref<128x8xf32, #tpu.memory_space<vmem>>[vector<16xi32>, vector<16xi32>], vector<16xf32>,
        %add3A_291 = arith.addf %get3A_289, %gather3A_290 : vector<16xf32>
        %max3A_292 = arith.constant 0.000000e+00 : f32
        %max3A_293 = vector.broadcast %max3A_292 : f32 to vector<16xf32>
        %max3A_294 = arith.maximumf %add3A_291, %max3A_293 : vector<16xf32>
        tpu.vector_store_idx %arg16[%add3A_285, %select_n3A_58], %max3A_294 : memref<128x8xf32, #tpu.memory_space<vmem>>[vector<16xi32>, vector<16xi32>], vector<16xf32>,
        %scan3A_295 = arith.constant 7 : i32
        %scan3A_296 = arith.addi %scan3A_194, %scan3A_295 : i32
        %mul3A_297 = arith.constant 2 : i32
        %mul3A_298 = arith.muli %mul3A_297, %scan3A_296 : i32
        %add3A_299 = vector.broadcast %mul3A_298 : i32 to vector<16xi32>
        %add3A_300 = arith.addi %add3A_299, %select_n3A_89 : vector<16xi32>
        %mul3A_301 = arith.constant 16 : i32
        %mul3A_302 = arith.muli %scan3A_296, %mul3A_301 : i32
        %get3A_303 = arith.index_cast %mul3A_302 : i32 to index
        %get3A_304 = tpu.vector_load %arg15[%get3A_303] {strides = array<i32>} : memref<1024xf32, #tpu.memory_space<vmem>>, vector<16xf32>,
        %gather3A_305 = tpu.vector_load_idx %arg16[%add3A_300, %select_n3A_58] : memref<128x8xf32, #tpu.memory_space<vmem>>[vector<16xi32>, vector<16xi32>], vector<16xf32>,
        %add3A_306 = arith.addf %get3A_304, %gather3A_305 : vector<16xf32>
        %max3A_307 = arith.constant 0.000000e+00 : f32
        %max3A_308 = vector.broadcast %max3A_307 : f32 to vector<16xf32>
        %max3A_309 = arith.maximumf %add3A_306, %max3A_308 : vector<16xf32>
        tpu.vector_store_idx %arg16[%add3A_300, %select_n3A_58], %max3A_309 : memref<128x8xf32, #tpu.memory_space<vmem>>[vector<16xi32>, vector<16xi32>], vector<16xf32>,
      }
      %scan3A_187 = arith.constant 64 : i32
      "tpu.region"() ({
        %run_scoped3A = tpu.sem_alloc : memref<!tpu.dma_semaphore, #tpu.memory_space<semaphore_mem>>
        %dma_start3A = arith.constant 0 : i32
        %dma_start3A_194 = arith.constant 0 : i32
        %dma_start3A_195 = tpu.memref_slice %arg8[%dma_start3A, %dma_start3A_194] : memref<100000x8xf32, #tpu.memory_space<vmem_shared>> -> memref<100000x8xf32, #tpu.memory_space<vmem_shared>>
        tpu.enqueue_indirect_dma source(%arg16 : memref<128x8xf32, #tpu.memory_space<vmem>>) target(%dma_start3A_195 : memref<100000x8xf32, #tpu.memory_space<vmem_shared>>) offsets(%arg14 : memref<128xi32, #tpu.memory_space<vmem>>) semaphore(%run_scoped3A : memref<!tpu.dma_semaphore, #tpu.memory_space<semaphore_mem>>) {add = true}
        %dma_wait3A_196 = arith.constant 0 : i32
        %dma_wait3A_197 = arith.constant 0 : i32
        %dma_wait3A_198 = tpu.memref_slice %arg8[%dma_wait3A_196, %dma_wait3A_197] : memref<100000x8xf32, #tpu.memory_space<vmem_shared>> -> memref<100000x8xf32, #tpu.memory_space<vmem_shared>>
        tpu.wait_indirect_dma semaphore(%run_scoped3A : memref<!tpu.dma_semaphore, #tpu.memory_space<semaphore_mem>>) src(%arg16 : memref<128x8xf32, #tpu.memory_space<vmem>>) dst(%dma_wait3A_198 : memref<100000x8xf32, #tpu.memory_space<vmem_shared>>)
        tpu.yield
      }) : () -> ()
      %add3A_188 = arith.constant 2 : i32
      %add3A_189 = arith.addi %add3A_172, %add3A_188 : i32
      %lt3A_190 = arith.cmpi slt, %add3A_189, %mul3A_37 : i32
      %convert_element_type3A_191 = arith.extui %lt3A_190 : i1 to i32
      %cond3A_192 = arith.constant 0 : i32
      %cond3A_193 = arith.cmpi ne, %convert_element_type3A_191, %cond3A_192 : i32
      scf.if %cond3A_193 {
        %add3A_194 = arith.constant 2 : i32
        %add3A_195 = arith.addi %add3A_172, %add3A_194 : i32
        %add3A_196 = arith.addi %add3A_17, %add3A_195 : i32
        %mul3A_197 = arith.constant 128 : i32
        %mul3A_198 = arith.muli %add3A_196, %mul3A_197 : i32
        %dma_start3A = tpu.memref_slice %arg3[%mul3A_198] : memref<6400000xi32, #tpu.memory_space<hbm>> -> memref<128xi32, #tpu.memory_space<hbm>>
        %dma_start3A_199 = tpu.memref_slice %arg3[%mul3A_198] : memref<6400000xi32, #tpu.memory_space<hbm>> -> memref<128xi32, #tpu.memory_space<hbm>>
        tpu.enqueue_dma source(%dma_start3A_199 : memref<128xi32, #tpu.memory_space<hbm>>) target(%arg13 : memref<128xi32, #tpu.memory_space<vmem>>) target_semaphore(%arg19 : memref<!tpu.dma_semaphore, #tpu.memory_space<semaphore_mem>>)
        %mul3A_200 = arith.constant 128 : i32
        %mul3A_201 = arith.muli %add3A_196, %mul3A_200 : i32
        %dma_start3A_202 = tpu.memref_slice %arg4[%mul3A_201] : memref<6400000xi32, #tpu.memory_space<hbm>> -> memref<128xi32, #tpu.memory_space<hbm>>
        %dma_start3A_203 = tpu.memref_slice %arg4[%mul3A_201] : memref<6400000xi32, #tpu.memory_space<hbm>> -> memref<128xi32, #tpu.memory_space<hbm>>
        tpu.enqueue_dma source(%dma_start3A_203 : memref<128xi32, #tpu.memory_space<hbm>>) target(%arg14 : memref<128xi32, #tpu.memory_space<vmem>>) target_semaphore(%arg19 : memref<!tpu.dma_semaphore, #tpu.memory_space<semaphore_mem>>)
        %mul3A_204 = arith.constant 1024 : i32
        %mul3A_205 = arith.muli %add3A_196, %mul3A_204 : i32
        %dma_start3A_206 = tpu.memref_slice %arg2[%mul3A_205] : memref<51200000xf32, #tpu.memory_space<hbm>> -> memref<1024xf32, #tpu.memory_space<hbm>>
        %dma_start3A_207 = tpu.memref_slice %arg2[%mul3A_205] : memref<51200000xf32, #tpu.memory_space<hbm>> -> memref<1024xf32, #tpu.memory_space<hbm>>
        tpu.enqueue_dma source(%dma_start3A_207 : memref<1024xf32, #tpu.memory_space<hbm>>) target(%arg15 : memref<1024xf32, #tpu.memory_space<vmem>>) target_semaphore(%arg19 : memref<!tpu.dma_semaphore, #tpu.memory_space<semaphore_mem>>)
      } else {
      }
    }
    %while3A_134 = arith.constant 1 : i32
    scf.for %while3A_146 = %while3A_132 to %while3A_128 step %while3A_134  : i32 {
      %mul3A_147 = arith.constant 2 : i32
      %mul3A_148 = arith.muli %while3A_146, %mul3A_147 : i32
      %dma_wait3A = arith.constant 0 : i32
      %dma_wait3A_149 = arith.constant 0 : i32
      %dma_wait3A_150 = tpu.memref_slice %arg5[%dma_wait3A, %dma_wait3A_149] : memref<100000x8xf32, #tpu.memory_space<hbm>> -> memref<100000x8xf32, #tpu.memory_space<hbm>>
      tpu.wait_indirect_dma semaphore(%arg20 : memref<!tpu.dma_semaphore, #tpu.memory_space<semaphore_mem>>) src(%dma_wait3A_150 : memref<100000x8xf32, #tpu.memory_space<hbm>>) dst(%arg12 : memref<128x8xf32, #tpu.memory_space<vmem>>)
      %add3A_151 = arith.constant 1 : i32
      %add3A_152 = arith.addi %mul3A_148, %add3A_151 : i32
      %lt3A_153 = arith.cmpi slt, %add3A_152, %mul3A_37 : i32
      %convert_element_type3A_154 = arith.extui %lt3A_153 : i1 to i32
      %cond3A_155 = arith.constant 0 : i32
      %cond3A_156 = arith.cmpi ne, %convert_element_type3A_154, %cond3A_155 : i32
      scf.if %cond3A_156 {
        %dma_wait3A_194 = arith.constant 0 : i32
        %dma_wait3A_195 = tpu.memref_slice %arg3[%dma_wait3A_194] : memref<6400000xi32, #tpu.memory_space<hbm>> -> memref<128xi32, #tpu.memory_space<hbm>>
        %dma_wait3A_196 = arith.constant 0 : i32
        %dma_wait3A_197 = tpu.memref_slice %arg3[%dma_wait3A_196] : memref<6400000xi32, #tpu.memory_space<hbm>> -> memref<128xi32, #tpu.memory_space<hbm>>
        tpu.wait_dma2 semaphore(%arg19 : memref<!tpu.dma_semaphore, #tpu.memory_space<semaphore_mem>>) src(%dma_wait3A_197 : memref<128xi32, #tpu.memory_space<hbm>>) dst(%arg13 : memref<128xi32, #tpu.memory_space<vmem>>)
        %dma_wait3A_198 = arith.constant 0 : i32
        %dma_wait3A_199 = tpu.memref_slice %arg4[%dma_wait3A_198] : memref<6400000xi32, #tpu.memory_space<hbm>> -> memref<128xi32, #tpu.memory_space<hbm>>
        %dma_wait3A_200 = arith.constant 0 : i32
        %dma_wait3A_201 = tpu.memref_slice %arg4[%dma_wait3A_200] : memref<6400000xi32, #tpu.memory_space<hbm>> -> memref<128xi32, #tpu.memory_space<hbm>>
        tpu.wait_dma2 semaphore(%arg19 : memref<!tpu.dma_semaphore, #tpu.memory_space<semaphore_mem>>) src(%dma_wait3A_201 : memref<128xi32, #tpu.memory_space<hbm>>) dst(%arg14 : memref<128xi32, #tpu.memory_space<vmem>>)
        %dma_wait3A_202 = arith.constant 0 : i32
        %dma_wait3A_203 = tpu.memref_slice %arg2[%dma_wait3A_202] : memref<51200000xf32, #tpu.memory_space<hbm>> -> memref<1024xf32, #tpu.memory_space<hbm>>
        %dma_wait3A_204 = arith.constant 0 : i32
        %dma_wait3A_205 = tpu.memref_slice %arg2[%dma_wait3A_204] : memref<51200000xf32, #tpu.memory_space<hbm>> -> memref<1024xf32, #tpu.memory_space<hbm>>
        tpu.wait_dma2 semaphore(%arg19 : memref<!tpu.dma_semaphore, #tpu.memory_space<semaphore_mem>>) src(%dma_wait3A_205 : memref<1024xf32, #tpu.memory_space<hbm>>) dst(%arg15 : memref<1024xf32, #tpu.memory_space<vmem>>)
        %dma_start3A = arith.constant 0 : i32
        %dma_start3A_206 = arith.constant 0 : i32
        %dma_start3A_207 = tpu.memref_slice %arg5[%dma_start3A, %dma_start3A_206] : memref<100000x8xf32, #tpu.memory_space<hbm>> -> memref<100000x8xf32, #tpu.memory_space<hbm>>
        tpu.enqueue_indirect_dma source(%dma_start3A_207 : memref<100000x8xf32, #tpu.memory_space<hbm>>) target(%arg16 : memref<128x8xf32, #tpu.memory_space<vmem>>) offsets(%arg13 : memref<128xi32, #tpu.memory_space<vmem>>) semaphore(%arg21 : memref<!tpu.dma_semaphore, #tpu.memory_space<semaphore_mem>>)
      } else {
      }
      %scan3A_157 = arith.constant 0 : i32
      %scan3A_158 = arith.constant 0 : i32
      %scan3A_159 = arith.constant 64 : i32
      %scan3A_160 = arith.addi %scan3A_158, %scan3A_159 : i32
      %scan3A_161 = arith.constant 8 : i32
      scf.for %scan3A_194 = %scan3A_158 to %scan3A_160 step %scan3A_161  : i32 {
        %mul3A_195 = arith.constant 2 : i32
        %mul3A_196 = arith.muli %mul3A_195, %scan3A_194 : i32
        %add3A_197 = vector.broadcast %mul3A_196 : i32 to vector<16xi32>
        %add3A_198 = arith.addi %add3A_197, %select_n3A_89 : vector<16xi32>
        %mul3A_199 = arith.constant 16 : i32
        %mul3A_200 = arith.muli %scan3A_194, %mul3A_199 : i32
        %get3A = arith.index_cast %mul3A_200 : i32 to index
        %get3A_201 = tpu.vector_load %arg11[%get3A] {strides = array<i32>} : memref<1024xf32, #tpu.memory_space<vmem>>, vector<16xf32>,
        %gather3A = tpu.vector_load_idx %arg12[%add3A_198, %select_n3A_58] : memref<128x8xf32, #tpu.memory_space<vmem>>[vector<16xi32>, vector<16xi32>], vector<16xf32>,
        %add3A_202 = arith.addf %get3A_201, %gather3A : vector<16xf32>
        %max3A = arith.constant 0.000000e+00 : f32
        %max3A_203 = vector.broadcast %max3A : f32 to vector<16xf32>
        %max3A_204 = arith.maximumf %add3A_202, %max3A_203 : vector<16xf32>
        tpu.vector_store_idx %arg12[%add3A_198, %select_n3A_58], %max3A_204 : memref<128x8xf32, #tpu.memory_space<vmem>>[vector<16xi32>, vector<16xi32>], vector<16xf32>,
        %scan3A_205 = arith.constant 1 : i32
        %scan3A_206 = arith.addi %scan3A_194, %scan3A_205 : i32
        %mul3A_207 = arith.constant 2 : i32
        %mul3A_208 = arith.muli %mul3A_207, %scan3A_206 : i32
        %add3A_209 = vector.broadcast %mul3A_208 : i32 to vector<16xi32>
        %add3A_210 = arith.addi %add3A_209, %select_n3A_89 : vector<16xi32>
        %mul3A_211 = arith.constant 16 : i32
        %mul3A_212 = arith.muli %scan3A_206, %mul3A_211 : i32
        %get3A_213 = arith.index_cast %mul3A_212 : i32 to index
        %get3A_214 = tpu.vector_load %arg11[%get3A_213] {strides = array<i32>} : memref<1024xf32, #tpu.memory_space<vmem>>, vector<16xf32>,
        %gather3A_215 = tpu.vector_load_idx %arg12[%add3A_210, %select_n3A_58] : memref<128x8xf32, #tpu.memory_space<vmem>>[vector<16xi32>, vector<16xi32>], vector<16xf32>,
        %add3A_216 = arith.addf %get3A_214, %gather3A_215 : vector<16xf32>
        %max3A_217 = arith.constant 0.000000e+00 : f32
        %max3A_218 = vector.broadcast %max3A_217 : f32 to vector<16xf32>
        %max3A_219 = arith.maximumf %add3A_216, %max3A_218 : vector<16xf32>
        tpu.vector_store_idx %arg12[%add3A_210, %select_n3A_58], %max3A_219 : memref<128x8xf32, #tpu.memory_space<vmem>>[vector<16xi32>, vector<16xi32>], vector<16xf32>,
        %scan3A_220 = arith.constant 2 : i32
        %scan3A_221 = arith.addi %scan3A_194, %scan3A_220 : i32
        %mul3A_222 = arith.constant 2 : i32
        %mul3A_223 = arith.muli %mul3A_222, %scan3A_221 : i32
        %add3A_224 = vector.broadcast %mul3A_223 : i32 to vector<16xi32>
        %add3A_225 = arith.addi %add3A_224, %select_n3A_89 : vector<16xi32>
        %mul3A_226 = arith.constant 16 : i32
        %mul3A_227 = arith.muli %scan3A_221, %mul3A_226 : i32
        %get3A_228 = arith.index_cast %mul3A_227 : i32 to index
        %get3A_229 = tpu.vector_load %arg11[%get3A_228] {strides = array<i32>} : memref<1024xf32, #tpu.memory_space<vmem>>, vector<16xf32>,
        %gather3A_230 = tpu.vector_load_idx %arg12[%add3A_225, %select_n3A_58] : memref<128x8xf32, #tpu.memory_space<vmem>>[vector<16xi32>, vector<16xi32>], vector<16xf32>,
        %add3A_231 = arith.addf %get3A_229, %gather3A_230 : vector<16xf32>
        %max3A_232 = arith.constant 0.000000e+00 : f32
        %max3A_233 = vector.broadcast %max3A_232 : f32 to vector<16xf32>
        %max3A_234 = arith.maximumf %add3A_231, %max3A_233 : vector<16xf32>
        tpu.vector_store_idx %arg12[%add3A_225, %select_n3A_58], %max3A_234 : memref<128x8xf32, #tpu.memory_space<vmem>>[vector<16xi32>, vector<16xi32>], vector<16xf32>,
        %scan3A_235 = arith.constant 3 : i32
        %scan3A_236 = arith.addi %scan3A_194, %scan3A_235 : i32
        %mul3A_237 = arith.constant 2 : i32
        %mul3A_238 = arith.muli %mul3A_237, %scan3A_236 : i32
        %add3A_239 = vector.broadcast %mul3A_238 : i32 to vector<16xi32>
        %add3A_240 = arith.addi %add3A_239, %select_n3A_89 : vector<16xi32>
        %mul3A_241 = arith.constant 16 : i32
        %mul3A_242 = arith.muli %scan3A_236, %mul3A_241 : i32
        %get3A_243 = arith.index_cast %mul3A_242 : i32 to index
        %get3A_244 = tpu.vector_load %arg11[%get3A_243] {strides = array<i32>} : memref<1024xf32, #tpu.memory_space<vmem>>, vector<16xf32>,
        %gather3A_245 = tpu.vector_load_idx %arg12[%add3A_240, %select_n3A_58] : memref<128x8xf32, #tpu.memory_space<vmem>>[vector<16xi32>, vector<16xi32>], vector<16xf32>,
        %add3A_246 = arith.addf %get3A_244, %gather3A_245 : vector<16xf32>
        %max3A_247 = arith.constant 0.000000e+00 : f32
        %max3A_248 = vector.broadcast %max3A_247 : f32 to vector<16xf32>
        %max3A_249 = arith.maximumf %add3A_246, %max3A_248 : vector<16xf32>
        tpu.vector_store_idx %arg12[%add3A_240, %select_n3A_58], %max3A_249 : memref<128x8xf32, #tpu.memory_space<vmem>>[vector<16xi32>, vector<16xi32>], vector<16xf32>,
        %scan3A_250 = arith.constant 4 : i32
        %scan3A_251 = arith.addi %scan3A_194, %scan3A_250 : i32
        %mul3A_252 = arith.constant 2 : i32
        %mul3A_253 = arith.muli %mul3A_252, %scan3A_251 : i32
        %add3A_254 = vector.broadcast %mul3A_253 : i32 to vector<16xi32>
        %add3A_255 = arith.addi %add3A_254, %select_n3A_89 : vector<16xi32>
        %mul3A_256 = arith.constant 16 : i32
        %mul3A_257 = arith.muli %scan3A_251, %mul3A_256 : i32
        %get3A_258 = arith.index_cast %mul3A_257 : i32 to index
        %get3A_259 = tpu.vector_load %arg11[%get3A_258] {strides = array<i32>} : memref<1024xf32, #tpu.memory_space<vmem>>, vector<16xf32>,
        %gather3A_260 = tpu.vector_load_idx %arg12[%add3A_255, %select_n3A_58] : memref<128x8xf32, #tpu.memory_space<vmem>>[vector<16xi32>, vector<16xi32>], vector<16xf32>,
        %add3A_261 = arith.addf %get3A_259, %gather3A_260 : vector<16xf32>
        %max3A_262 = arith.constant 0.000000e+00 : f32
        %max3A_263 = vector.broadcast %max3A_262 : f32 to vector<16xf32>
        %max3A_264 = arith.maximumf %add3A_261, %max3A_263 : vector<16xf32>
        tpu.vector_store_idx %arg12[%add3A_255, %select_n3A_58], %max3A_264 : memref<128x8xf32, #tpu.memory_space<vmem>>[vector<16xi32>, vector<16xi32>], vector<16xf32>,
        %scan3A_265 = arith.constant 5 : i32
        %scan3A_266 = arith.addi %scan3A_194, %scan3A_265 : i32
        %mul3A_267 = arith.constant 2 : i32
        %mul3A_268 = arith.muli %mul3A_267, %scan3A_266 : i32
        %add3A_269 = vector.broadcast %mul3A_268 : i32 to vector<16xi32>
        %add3A_270 = arith.addi %add3A_269, %select_n3A_89 : vector<16xi32>
        %mul3A_271 = arith.constant 16 : i32
        %mul3A_272 = arith.muli %scan3A_266, %mul3A_271 : i32
        %get3A_273 = arith.index_cast %mul3A_272 : i32 to index
        %get3A_274 = tpu.vector_load %arg11[%get3A_273] {strides = array<i32>} : memref<1024xf32, #tpu.memory_space<vmem>>, vector<16xf32>,
        %gather3A_275 = tpu.vector_load_idx %arg12[%add3A_270, %select_n3A_58] : memref<128x8xf32, #tpu.memory_space<vmem>>[vector<16xi32>, vector<16xi32>], vector<16xf32>,
        %add3A_276 = arith.addf %get3A_274, %gather3A_275 : vector<16xf32>
        %max3A_277 = arith.constant 0.000000e+00 : f32
        %max3A_278 = vector.broadcast %max3A_277 : f32 to vector<16xf32>
        %max3A_279 = arith.maximumf %add3A_276, %max3A_278 : vector<16xf32>
        tpu.vector_store_idx %arg12[%add3A_270, %select_n3A_58], %max3A_279 : memref<128x8xf32, #tpu.memory_space<vmem>>[vector<16xi32>, vector<16xi32>], vector<16xf32>,
        %scan3A_280 = arith.constant 6 : i32
        %scan3A_281 = arith.addi %scan3A_194, %scan3A_280 : i32
        %mul3A_282 = arith.constant 2 : i32
        %mul3A_283 = arith.muli %mul3A_282, %scan3A_281 : i32
        %add3A_284 = vector.broadcast %mul3A_283 : i32 to vector<16xi32>
        %add3A_285 = arith.addi %add3A_284, %select_n3A_89 : vector<16xi32>
        %mul3A_286 = arith.constant 16 : i32
        %mul3A_287 = arith.muli %scan3A_281, %mul3A_286 : i32
        %get3A_288 = arith.index_cast %mul3A_287 : i32 to index
        %get3A_289 = tpu.vector_load %arg11[%get3A_288] {strides = array<i32>} : memref<1024xf32, #tpu.memory_space<vmem>>, vector<16xf32>,
        %gather3A_290 = tpu.vector_load_idx %arg12[%add3A_285, %select_n3A_58] : memref<128x8xf32, #tpu.memory_space<vmem>>[vector<16xi32>, vector<16xi32>], vector<16xf32>,
        %add3A_291 = arith.addf %get3A_289, %gather3A_290 : vector<16xf32>
        %max3A_292 = arith.constant 0.000000e+00 : f32
        %max3A_293 = vector.broadcast %max3A_292 : f32 to vector<16xf32>
        %max3A_294 = arith.maximumf %add3A_291, %max3A_293 : vector<16xf32>
        tpu.vector_store_idx %arg12[%add3A_285, %select_n3A_58], %max3A_294 : memref<128x8xf32, #tpu.memory_space<vmem>>[vector<16xi32>, vector<16xi32>], vector<16xf32>,
        %scan3A_295 = arith.constant 7 : i32
        %scan3A_296 = arith.addi %scan3A_194, %scan3A_295 : i32
        %mul3A_297 = arith.constant 2 : i32
        %mul3A_298 = arith.muli %mul3A_297, %scan3A_296 : i32
        %add3A_299 = vector.broadcast %mul3A_298 : i32 to vector<16xi32>
        %add3A_300 = arith.addi %add3A_299, %select_n3A_89 : vector<16xi32>
        %mul3A_301 = arith.constant 16 : i32
        %mul3A_302 = arith.muli %scan3A_296, %mul3A_301 : i32
        %get3A_303 = arith.index_cast %mul3A_302 : i32 to index
        %get3A_304 = tpu.vector_load %arg11[%get3A_303] {strides = array<i32>} : memref<1024xf32, #tpu.memory_space<vmem>>, vector<16xf32>,
        %gather3A_305 = tpu.vector_load_idx %arg12[%add3A_300, %select_n3A_58] : memref<128x8xf32, #tpu.memory_space<vmem>>[vector<16xi32>, vector<16xi32>], vector<16xf32>,
        %add3A_306 = arith.addf %get3A_304, %gather3A_305 : vector<16xf32>
        %max3A_307 = arith.constant 0.000000e+00 : f32
        %max3A_308 = vector.broadcast %max3A_307 : f32 to vector<16xf32>
        %max3A_309 = arith.maximumf %add3A_306, %max3A_308 : vector<16xf32>
        tpu.vector_store_idx %arg12[%add3A_300, %select_n3A_58], %max3A_309 : memref<128x8xf32, #tpu.memory_space<vmem>>[vector<16xi32>, vector<16xi32>], vector<16xf32>,
      }
      %scan3A_162 = arith.constant 64 : i32
      "tpu.region"() ({
        %run_scoped3A = tpu.sem_alloc : memref<!tpu.dma_semaphore, #tpu.memory_space<semaphore_mem>>
        %dma_start3A = arith.constant 0 : i32
        %dma_start3A_194 = arith.constant 0 : i32
        %dma_start3A_195 = tpu.memref_slice %arg8[%dma_start3A, %dma_start3A_194] : memref<100000x8xf32, #tpu.memory_space<vmem_shared>> -> memref<100000x8xf32, #tpu.memory_space<vmem_shared>>
        tpu.enqueue_indirect_dma source(%arg12 : memref<128x8xf32, #tpu.memory_space<vmem>>) target(%dma_start3A_195 : memref<100000x8xf32, #tpu.memory_space<vmem_shared>>) offsets(%arg10 : memref<128xi32, #tpu.memory_space<vmem>>) semaphore(%run_scoped3A : memref<!tpu.dma_semaphore, #tpu.memory_space<semaphore_mem>>) {add = true}
        %dma_wait3A_196 = arith.constant 0 : i32
        %dma_wait3A_197 = arith.constant 0 : i32
        %dma_wait3A_198 = tpu.memref_slice %arg8[%dma_wait3A_196, %dma_wait3A_197] : memref<100000x8xf32, #tpu.memory_space<vmem_shared>> -> memref<100000x8xf32, #tpu.memory_space<vmem_shared>>
        tpu.wait_indirect_dma semaphore(%run_scoped3A : memref<!tpu.dma_semaphore, #tpu.memory_space<semaphore_mem>>) src(%arg12 : memref<128x8xf32, #tpu.memory_space<vmem>>) dst(%dma_wait3A_198 : memref<100000x8xf32, #tpu.memory_space<vmem_shared>>)
        tpu.yield
      }) : () -> ()
      %add3A_163 = arith.constant 2 : i32
      %add3A_164 = arith.addi %mul3A_148, %add3A_163 : i32
      %lt3A_165 = arith.cmpi slt, %add3A_164, %mul3A_37 : i32
      %convert_element_type3A_166 = arith.extui %lt3A_165 : i1 to i32
      %cond3A_167 = arith.constant 0 : i32
      %cond3A_168 = arith.cmpi ne, %convert_element_type3A_166, %cond3A_167 : i32
      scf.if %cond3A_168 {
        %add3A_194 = arith.constant 2 : i32
        %add3A_195 = arith.addi %mul3A_148, %add3A_194 : i32
        %add3A_196 = arith.addi %add3A_17, %add3A_195 : i32
        %mul3A_197 = arith.constant 128 : i32
        %mul3A_198 = arith.muli %add3A_196, %mul3A_197 : i32
        %dma_start3A = tpu.memref_slice %arg3[%mul3A_198] : memref<6400000xi32, #tpu.memory_space<hbm>> -> memref<128xi32, #tpu.memory_space<hbm>>
        %dma_start3A_199 = tpu.memref_slice %arg3[%mul3A_198] : memref<6400000xi32, #tpu.memory_space<hbm>> -> memref<128xi32, #tpu.memory_space<hbm>>
        tpu.enqueue_dma source(%dma_start3A_199 : memref<128xi32, #tpu.memory_space<hbm>>) target(%arg9 : memref<128xi32, #tpu.memory_space<vmem>>) target_semaphore(%arg18 : memref<!tpu.dma_semaphore, #tpu.memory_space<semaphore_mem>>)
        %mul3A_200 = arith.constant 128 : i32
        %mul3A_201 = arith.muli %add3A_196, %mul3A_200 : i32
        %dma_start3A_202 = tpu.memref_slice %arg4[%mul3A_201] : memref<6400000xi32, #tpu.memory_space<hbm>> -> memref<128xi32, #tpu.memory_space<hbm>>
        %dma_start3A_203 = tpu.memref_slice %arg4[%mul3A_201] : memref<6400000xi32, #tpu.memory_space<hbm>> -> memref<128xi32, #tpu.memory_space<hbm>>
        tpu.enqueue_dma source(%dma_start3A_203 : memref<128xi32, #tpu.memory_space<hbm>>) target(%arg10 : memref<128xi32, #tpu.memory_space<vmem>>) target_semaphore(%arg18 : memref<!tpu.dma_semaphore, #tpu.memory_space<semaphore_mem>>)
        %mul3A_204 = arith.constant 1024 : i32
        %mul3A_205 = arith.muli %add3A_196, %mul3A_204 : i32
        %dma_start3A_206 = tpu.memref_slice %arg2[%mul3A_205] : memref<51200000xf32, #tpu.memory_space<hbm>> -> memref<1024xf32, #tpu.memory_space<hbm>>
        %dma_start3A_207 = tpu.memref_slice %arg2[%mul3A_205] : memref<51200000xf32, #tpu.memory_space<hbm>> -> memref<1024xf32, #tpu.memory_space<hbm>>
        tpu.enqueue_dma source(%dma_start3A_207 : memref<1024xf32, #tpu.memory_space<hbm>>) target(%arg11 : memref<1024xf32, #tpu.memory_space<vmem>>) target_semaphore(%arg18 : memref<!tpu.dma_semaphore, #tpu.memory_space<semaphore_mem>>)
      } else {
      }
      %mul3A_169 = arith.constant 2 : i32
      %mul3A_170 = arith.muli %while3A_146, %mul3A_169 : i32
      %add3A_171 = arith.constant 1 : i32
      %add3A_172 = arith.addi %mul3A_170, %add3A_171 : i32
      %dma_wait3A_173 = arith.constant 0 : i32
      %dma_wait3A_174 = arith.constant 0 : i32
      %dma_wait3A_175 = tpu.memref_slice %arg5[%dma_wait3A_173, %dma_wait3A_174] : memref<100000x8xf32, #tpu.memory_space<hbm>> -> memref<100000x8xf32, #tpu.memory_space<hbm>>
      tpu.wait_indirect_dma semaphore(%arg21 : memref<!tpu.dma_semaphore, #tpu.memory_space<semaphore_mem>>) src(%dma_wait3A_175 : memref<100000x8xf32, #tpu.memory_space<hbm>>) dst(%arg16 : memref<128x8xf32, #tpu.memory_space<vmem>>)
      %add3A_176 = arith.constant 1 : i32
      %add3A_177 = arith.addi %add3A_172, %add3A_176 : i32
      %lt3A_178 = arith.cmpi slt, %add3A_177, %mul3A_37 : i32
      %convert_element_type3A_179 = arith.extui %lt3A_178 : i1 to i32
      %cond3A_180 = arith.constant 0 : i32
      %cond3A_181 = arith.cmpi ne, %convert_element_type3A_179, %cond3A_180 : i32
      scf.if %cond3A_181 {
        %dma_wait3A_194 = arith.constant 0 : i32
        %dma_wait3A_195 = tpu.memref_slice %arg3[%dma_wait3A_194] : memref<6400000xi32, #tpu.memory_space<hbm>> -> memref<128xi32, #tpu.memory_space<hbm>>
        %dma_wait3A_196 = arith.constant 0 : i32
        %dma_wait3A_197 = tpu.memref_slice %arg3[%dma_wait3A_196] : memref<6400000xi32, #tpu.memory_space<hbm>> -> memref<128xi32, #tpu.memory_space<hbm>>
        tpu.wait_dma2 semaphore(%arg18 : memref<!tpu.dma_semaphore, #tpu.memory_space<semaphore_mem>>) src(%dma_wait3A_197 : memref<128xi32, #tpu.memory_space<hbm>>) dst(%arg9 : memref<128xi32, #tpu.memory_space<vmem>>)
        %dma_wait3A_198 = arith.constant 0 : i32
        %dma_wait3A_199 = tpu.memref_slice %arg4[%dma_wait3A_198] : memref<6400000xi32, #tpu.memory_space<hbm>> -> memref<128xi32, #tpu.memory_space<hbm>>
        %dma_wait3A_200 = arith.constant 0 : i32
        %dma_wait3A_201 = tpu.memref_slice %arg4[%dma_wait3A_200] : memref<6400000xi32, #tpu.memory_space<hbm>> -> memref<128xi32, #tpu.memory_space<hbm>>
        tpu.wait_dma2 semaphore(%arg18 : memref<!tpu.dma_semaphore, #tpu.memory_space<semaphore_mem>>) src(%dma_wait3A_201 : memref<128xi32, #tpu.memory_space<hbm>>) dst(%arg10 : memref<128xi32, #tpu.memory_space<vmem>>)
        %dma_wait3A_202 = arith.constant 0 : i32
        %dma_wait3A_203 = tpu.memref_slice %arg2[%dma_wait3A_202] : memref<51200000xf32, #tpu.memory_space<hbm>> -> memref<1024xf32, #tpu.memory_space<hbm>>
        %dma_wait3A_204 = arith.constant 0 : i32
        %dma_wait3A_205 = tpu.memref_slice %arg2[%dma_wait3A_204] : memref<51200000xf32, #tpu.memory_space<hbm>> -> memref<1024xf32, #tpu.memory_space<hbm>>
        tpu.wait_dma2 semaphore(%arg18 : memref<!tpu.dma_semaphore, #tpu.memory_space<semaphore_mem>>) src(%dma_wait3A_205 : memref<1024xf32, #tpu.memory_space<hbm>>) dst(%arg11 : memref<1024xf32, #tpu.memory_space<vmem>>)
        %dma_start3A = arith.constant 0 : i32
        %dma_start3A_206 = arith.constant 0 : i32
        %dma_start3A_207 = tpu.memref_slice %arg5[%dma_start3A, %dma_start3A_206] : memref<100000x8xf32, #tpu.memory_space<hbm>> -> memref<100000x8xf32, #tpu.memory_space<hbm>>
        tpu.enqueue_indirect_dma source(%dma_start3A_207 : memref<100000x8xf32, #tpu.memory_space<hbm>>) target(%arg12 : memref<128x8xf32, #tpu.memory_space<vmem>>) offsets(%arg9 : memref<128xi32, #tpu.memory_space<vmem>>) semaphore(%arg20 : memref<!tpu.dma_semaphore, #tpu.memory_space<semaphore_mem>>)
      } else {
      }
      %scan3A_182 = arith.constant 0 : i32
      %scan3A_183 = arith.constant 0 : i32
      %scan3A_184 = arith.constant 64 : i32
      %scan3A_185 = arith.addi %scan3A_183, %scan3A_184 : i32
      %scan3A_186 = arith.constant 8 : i32
      scf.for %scan3A_194 = %scan3A_183 to %scan3A_185 step %scan3A_186  : i32 {
        %mul3A_195 = arith.constant 2 : i32
        %mul3A_196 = arith.muli %mul3A_195, %scan3A_194 : i32
        %add3A_197 = vector.broadcast %mul3A_196 : i32 to vector<16xi32>
        %add3A_198 = arith.addi %add3A_197, %select_n3A_89 : vector<16xi32>
        %mul3A_199 = arith.constant 16 : i32
        %mul3A_200 = arith.muli %scan3A_194, %mul3A_199 : i32
        %get3A = arith.index_cast %mul3A_200 : i32 to index
        %get3A_201 = tpu.vector_load %arg15[%get3A] {strides = array<i32>} : memref<1024xf32, #tpu.memory_space<vmem>>, vector<16xf32>,
        %gather3A = tpu.vector_load_idx %arg16[%add3A_198, %select_n3A_58] : memref<128x8xf32, #tpu.memory_space<vmem>>[vector<16xi32>, vector<16xi32>], vector<16xf32>,
        %add3A_202 = arith.addf %get3A_201, %gather3A : vector<16xf32>
        %max3A = arith.constant 0.000000e+00 : f32
        %max3A_203 = vector.broadcast %max3A : f32 to vector<16xf32>
        %max3A_204 = arith.maximumf %add3A_202, %max3A_203 : vector<16xf32>
        tpu.vector_store_idx %arg16[%add3A_198, %select_n3A_58], %max3A_204 : memref<128x8xf32, #tpu.memory_space<vmem>>[vector<16xi32>, vector<16xi32>], vector<16xf32>,
        %scan3A_205 = arith.constant 1 : i32
        %scan3A_206 = arith.addi %scan3A_194, %scan3A_205 : i32
        %mul3A_207 = arith.constant 2 : i32
        %mul3A_208 = arith.muli %mul3A_207, %scan3A_206 : i32
        %add3A_209 = vector.broadcast %mul3A_208 : i32 to vector<16xi32>
        %add3A_210 = arith.addi %add3A_209, %select_n3A_89 : vector<16xi32>
        %mul3A_211 = arith.constant 16 : i32
        %mul3A_212 = arith.muli %scan3A_206, %mul3A_211 : i32
        %get3A_213 = arith.index_cast %mul3A_212 : i32 to index
        %get3A_214 = tpu.vector_load %arg15[%get3A_213] {strides = array<i32>} : memref<1024xf32, #tpu.memory_space<vmem>>, vector<16xf32>,
        %gather3A_215 = tpu.vector_load_idx %arg16[%add3A_210, %select_n3A_58] : memref<128x8xf32, #tpu.memory_space<vmem>>[vector<16xi32>, vector<16xi32>], vector<16xf32>,
        %add3A_216 = arith.addf %get3A_214, %gather3A_215 : vector<16xf32>
        %max3A_217 = arith.constant 0.000000e+00 : f32
        %max3A_218 = vector.broadcast %max3A_217 : f32 to vector<16xf32>
        %max3A_219 = arith.maximumf %add3A_216, %max3A_218 : vector<16xf32>
        tpu.vector_store_idx %arg16[%add3A_210, %select_n3A_58], %max3A_219 : memref<128x8xf32, #tpu.memory_space<vmem>>[vector<16xi32>, vector<16xi32>], vector<16xf32>,
        %scan3A_220 = arith.constant 2 : i32
        %scan3A_221 = arith.addi %scan3A_194, %scan3A_220 : i32
        %mul3A_222 = arith.constant 2 : i32
        %mul3A_223 = arith.muli %mul3A_222, %scan3A_221 : i32
        %add3A_224 = vector.broadcast %mul3A_223 : i32 to vector<16xi32>
        %add3A_225 = arith.addi %add3A_224, %select_n3A_89 : vector<16xi32>
        %mul3A_226 = arith.constant 16 : i32
        %mul3A_227 = arith.muli %scan3A_221, %mul3A_226 : i32
        %get3A_228 = arith.index_cast %mul3A_227 : i32 to index
        %get3A_229 = tpu.vector_load %arg15[%get3A_228] {strides = array<i32>} : memref<1024xf32, #tpu.memory_space<vmem>>, vector<16xf32>,
        %gather3A_230 = tpu.vector_load_idx %arg16[%add3A_225, %select_n3A_58] : memref<128x8xf32, #tpu.memory_space<vmem>>[vector<16xi32>, vector<16xi32>], vector<16xf32>,
        %add3A_231 = arith.addf %get3A_229, %gather3A_230 : vector<16xf32>
        %max3A_232 = arith.constant 0.000000e+00 : f32
        %max3A_233 = vector.broadcast %max3A_232 : f32 to vector<16xf32>
        %max3A_234 = arith.maximumf %add3A_231, %max3A_233 : vector<16xf32>
        tpu.vector_store_idx %arg16[%add3A_225, %select_n3A_58], %max3A_234 : memref<128x8xf32, #tpu.memory_space<vmem>>[vector<16xi32>, vector<16xi32>], vector<16xf32>,
        %scan3A_235 = arith.constant 3 : i32
        %scan3A_236 = arith.addi %scan3A_194, %scan3A_235 : i32
        %mul3A_237 = arith.constant 2 : i32
        %mul3A_238 = arith.muli %mul3A_237, %scan3A_236 : i32
        %add3A_239 = vector.broadcast %mul3A_238 : i32 to vector<16xi32>
        %add3A_240 = arith.addi %add3A_239, %select_n3A_89 : vector<16xi32>
        %mul3A_241 = arith.constant 16 : i32
        %mul3A_242 = arith.muli %scan3A_236, %mul3A_241 : i32
        %get3A_243 = arith.index_cast %mul3A_242 : i32 to index
        %get3A_244 = tpu.vector_load %arg15[%get3A_243] {strides = array<i32>} : memref<1024xf32, #tpu.memory_space<vmem>>, vector<16xf32>,
        %gather3A_245 = tpu.vector_load_idx %arg16[%add3A_240, %select_n3A_58] : memref<128x8xf32, #tpu.memory_space<vmem>>[vector<16xi32>, vector<16xi32>], vector<16xf32>,
        %add3A_246 = arith.addf %get3A_244, %gather3A_245 : vector<16xf32>
        %max3A_247 = arith.constant 0.000000e+00 : f32
        %max3A_248 = vector.broadcast %max3A_247 : f32 to vector<16xf32>
        %max3A_249 = arith.maximumf %add3A_246, %max3A_248 : vector<16xf32>
        tpu.vector_store_idx %arg16[%add3A_240, %select_n3A_58], %max3A_249 : memref<128x8xf32, #tpu.memory_space<vmem>>[vector<16xi32>, vector<16xi32>], vector<16xf32>,
        %scan3A_250 = arith.constant 4 : i32
        %scan3A_251 = arith.addi %scan3A_194, %scan3A_250 : i32
        %mul3A_252 = arith.constant 2 : i32
        %mul3A_253 = arith.muli %mul3A_252, %scan3A_251 : i32
        %add3A_254 = vector.broadcast %mul3A_253 : i32 to vector<16xi32>
        %add3A_255 = arith.addi %add3A_254, %select_n3A_89 : vector<16xi32>
        %mul3A_256 = arith.constant 16 : i32
        %mul3A_257 = arith.muli %scan3A_251, %mul3A_256 : i32
        %get3A_258 = arith.index_cast %mul3A_257 : i32 to index
        %get3A_259 = tpu.vector_load %arg15[%get3A_258] {strides = array<i32>} : memref<1024xf32, #tpu.memory_space<vmem>>, vector<16xf32>,
        %gather3A_260 = tpu.vector_load_idx %arg16[%add3A_255, %select_n3A_58] : memref<128x8xf32, #tpu.memory_space<vmem>>[vector<16xi32>, vector<16xi32>], vector<16xf32>,
        %add3A_261 = arith.addf %get3A_259, %gather3A_260 : vector<16xf32>
        %max3A_262 = arith.constant 0.000000e+00 : f32
        %max3A_263 = vector.broadcast %max3A_262 : f32 to vector<16xf32>
        %max3A_264 = arith.maximumf %add3A_261, %max3A_263 : vector<16xf32>
        tpu.vector_store_idx %arg16[%add3A_255, %select_n3A_58], %max3A_264 : memref<128x8xf32, #tpu.memory_space<vmem>>[vector<16xi32>, vector<16xi32>], vector<16xf32>,
        %scan3A_265 = arith.constant 5 : i32
        %scan3A_266 = arith.addi %scan3A_194, %scan3A_265 : i32
        %mul3A_267 = arith.constant 2 : i32
        %mul3A_268 = arith.muli %mul3A_267, %scan3A_266 : i32
        %add3A_269 = vector.broadcast %mul3A_268 : i32 to vector<16xi32>
        %add3A_270 = arith.addi %add3A_269, %select_n3A_89 : vector<16xi32>
        %mul3A_271 = arith.constant 16 : i32
        %mul3A_272 = arith.muli %scan3A_266, %mul3A_271 : i32
        %get3A_273 = arith.index_cast %mul3A_272 : i32 to index
        %get3A_274 = tpu.vector_load %arg15[%get3A_273] {strides = array<i32>} : memref<1024xf32, #tpu.memory_space<vmem>>, vector<16xf32>,
        %gather3A_275 = tpu.vector_load_idx %arg16[%add3A_270, %select_n3A_58] : memref<128x8xf32, #tpu.memory_space<vmem>>[vector<16xi32>, vector<16xi32>], vector<16xf32>,
        %add3A_276 = arith.addf %get3A_274, %gather3A_275 : vector<16xf32>
        %max3A_277 = arith.constant 0.000000e+00 : f32
        %max3A_278 = vector.broadcast %max3A_277 : f32 to vector<16xf32>
        %max3A_279 = arith.maximumf %add3A_276, %max3A_278 : vector<16xf32>
        tpu.vector_store_idx %arg16[%add3A_270, %select_n3A_58], %max3A_279 : memref<128x8xf32, #tpu.memory_space<vmem>>[vector<16xi32>, vector<16xi32>], vector<16xf32>,
        %scan3A_280 = arith.constant 6 : i32
        %scan3A_281 = arith.addi %scan3A_194, %scan3A_280 : i32
        %mul3A_282 = arith.constant 2 : i32
        %mul3A_283 = arith.muli %mul3A_282, %scan3A_281 : i32
        %add3A_284 = vector.broadcast %mul3A_283 : i32 to vector<16xi32>
        %add3A_285 = arith.addi %add3A_284, %select_n3A_89 : vector<16xi32>
        %mul3A_286 = arith.constant 16 : i32
        %mul3A_287 = arith.muli %scan3A_281, %mul3A_286 : i32
        %get3A_288 = arith.index_cast %mul3A_287 : i32 to index
        %get3A_289 = tpu.vector_load %arg15[%get3A_288] {strides = array<i32>} : memref<1024xf32, #tpu.memory_space<vmem>>, vector<16xf32>,
        %gather3A_290 = tpu.vector_load_idx %arg16[%add3A_285, %select_n3A_58] : memref<128x8xf32, #tpu.memory_space<vmem>>[vector<16xi32>, vector<16xi32>], vector<16xf32>,
        %add3A_291 = arith.addf %get3A_289, %gather3A_290 : vector<16xf32>
        %max3A_292 = arith.constant 0.000000e+00 : f32
        %max3A_293 = vector.broadcast %max3A_292 : f32 to vector<16xf32>
        %max3A_294 = arith.maximumf %add3A_291, %max3A_293 : vector<16xf32>
        tpu.vector_store_idx %arg16[%add3A_285, %select_n3A_58], %max3A_294 : memref<128x8xf32, #tpu.memory_space<vmem>>[vector<16xi32>, vector<16xi32>], vector<16xf32>,
        %scan3A_295 = arith.constant 7 : i32
        %scan3A_296 = arith.addi %scan3A_194, %scan3A_295 : i32
        %mul3A_297 = arith.constant 2 : i32
        %mul3A_298 = arith.muli %mul3A_297, %scan3A_296 : i32
        %add3A_299 = vector.broadcast %mul3A_298 : i32 to vector<16xi32>
        %add3A_300 = arith.addi %add3A_299, %select_n3A_89 : vector<16xi32>
        %mul3A_301 = arith.constant 16 : i32
        %mul3A_302 = arith.muli %scan3A_296, %mul3A_301 : i32
        %get3A_303 = arith.index_cast %mul3A_302 : i32 to index
        %get3A_304 = tpu.vector_load %arg15[%get3A_303] {strides = array<i32>} : memref<1024xf32, #tpu.memory_space<vmem>>, vector<16xf32>,
        %gather3A_305 = tpu.vector_load_idx %arg16[%add3A_300, %select_n3A_58] : memref<128x8xf32, #tpu.memory_space<vmem>>[vector<16xi32>, vector<16xi32>], vector<16xf32>,
        %add3A_306 = arith.addf %get3A_304, %gather3A_305 : vector<16xf32>
        %max3A_307 = arith.constant 0.000000e+00 : f32
        %max3A_308 = vector.broadcast %max3A_307 : f32 to vector<16xf32>
        %max3A_309 = arith.maximumf %add3A_306, %max3A_308 : vector<16xf32>
        tpu.vector_store_idx %arg16[%add3A_300, %select_n3A_58], %max3A_309 : memref<128x8xf32, #tpu.memory_space<vmem>>[vector<16xi32>, vector<16xi32>], vector<16xf32>,
      }
      %scan3A_187 = arith.constant 64 : i32
      "tpu.region"() ({
        %run_scoped3A = tpu.sem_alloc : memref<!tpu.dma_semaphore, #tpu.memory_space<semaphore_mem>>
        %dma_start3A = arith.constant 0 : i32
        %dma_start3A_194 = arith.constant 0 : i32
        %dma_start3A_195 = tpu.memref_slice %arg8[%dma_start3A, %dma_start3A_194] : memref<100000x8xf32, #tpu.memory_space<vmem_shared>> -> memref<100000x8xf32, #tpu.memory_space<vmem_shared>>
        tpu.enqueue_indirect_dma source(%arg16 : memref<128x8xf32, #tpu.memory_space<vmem>>) target(%dma_start3A_195 : memref<100000x8xf32, #tpu.memory_space<vmem_shared>>) offsets(%arg14 : memref<128xi32, #tpu.memory_space<vmem>>) semaphore(%run_scoped3A : memref<!tpu.dma_semaphore, #tpu.memory_space<semaphore_mem>>) {add = true}
        %dma_wait3A_196 = arith.constant 0 : i32
        %dma_wait3A_197 = arith.constant 0 : i32
        %dma_wait3A_198 = tpu.memref_slice %arg8[%dma_wait3A_196, %dma_wait3A_197] : memref<100000x8xf32, #tpu.memory_space<vmem_shared>> -> memref<100000x8xf32, #tpu.memory_space<vmem_shared>>
        tpu.wait_indirect_dma semaphore(%run_scoped3A : memref<!tpu.dma_semaphore, #tpu.memory_space<semaphore_mem>>) src(%arg16 : memref<128x8xf32, #tpu.memory_space<vmem>>) dst(%dma_wait3A_198 : memref<100000x8xf32, #tpu.memory_space<vmem_shared>>)
        tpu.yield
      }) : () -> ()
      %add3A_188 = arith.constant 2 : i32
      %add3A_189 = arith.addi %add3A_172, %add3A_188 : i32
      %lt3A_190 = arith.cmpi slt, %add3A_189, %mul3A_37 : i32
      %convert_element_type3A_191 = arith.extui %lt3A_190 : i1 to i32
      %cond3A_192 = arith.constant 0 : i32
      %cond3A_193 = arith.cmpi ne, %convert_element_type3A_191, %cond3A_192 : i32
      scf.if %cond3A_193 {
        %add3A_194 = arith.constant 2 : i32
        %add3A_195 = arith.addi %add3A_172, %add3A_194 : i32
        %add3A_196 = arith.addi %add3A_17, %add3A_195 : i32
        %mul3A_197 = arith.constant 128 : i32
        %mul3A_198 = arith.muli %add3A_196, %mul3A_197 : i32
        %dma_start3A = tpu.memref_slice %arg3[%mul3A_198] : memref<6400000xi32, #tpu.memory_space<hbm>> -> memref<128xi32, #tpu.memory_space<hbm>>
        %dma_start3A_199 = tpu.memref_slice %arg3[%mul3A_198] : memref<6400000xi32, #tpu.memory_space<hbm>> -> memref<128xi32, #tpu.memory_space<hbm>>
        tpu.enqueue_dma source(%dma_start3A_199 : memref<128xi32, #tpu.memory_space<hbm>>) target(%arg13 : memref<128xi32, #tpu.memory_space<vmem>>) target_semaphore(%arg19 : memref<!tpu.dma_semaphore, #tpu.memory_space<semaphore_mem>>)
        %mul3A_200 = arith.constant 128 : i32
        %mul3A_201 = arith.muli %add3A_196, %mul3A_200 : i32
        %dma_start3A_202 = tpu.memref_slice %arg4[%mul3A_201] : memref<6400000xi32, #tpu.memory_space<hbm>> -> memref<128xi32, #tpu.memory_space<hbm>>
        %dma_start3A_203 = tpu.memref_slice %arg4[%mul3A_201] : memref<6400000xi32, #tpu.memory_space<hbm>> -> memref<128xi32, #tpu.memory_space<hbm>>
        tpu.enqueue_dma source(%dma_start3A_203 : memref<128xi32, #tpu.memory_space<hbm>>) target(%arg14 : memref<128xi32, #tpu.memory_space<vmem>>) target_semaphore(%arg19 : memref<!tpu.dma_semaphore, #tpu.memory_space<semaphore_mem>>)
        %mul3A_204 = arith.constant 1024 : i32
        %mul3A_205 = arith.muli %add3A_196, %mul3A_204 : i32
        %dma_start3A_206 = tpu.memref_slice %arg2[%mul3A_205] : memref<51200000xf32, #tpu.memory_space<hbm>> -> memref<1024xf32, #tpu.memory_space<hbm>>
        %dma_start3A_207 = tpu.memref_slice %arg2[%mul3A_205] : memref<51200000xf32, #tpu.memory_space<hbm>> -> memref<1024xf32, #tpu.memory_space<hbm>>
        tpu.enqueue_dma source(%dma_start3A_207 : memref<1024xf32, #tpu.memory_space<hbm>>) target(%arg15 : memref<1024xf32, #tpu.memory_space<vmem>>) target_semaphore(%arg19 : memref<!tpu.dma_semaphore, #tpu.memory_space<semaphore_mem>>)
      } else {
      }
    }
    %gt3A_135 = arith.cmpi sgt, %add3A_12, %mul3A_37 : i32
    %convert_element_type3A_136 = arith.extui %gt3A_135 : i1 to i32
    %cond3A_137 = arith.constant 0 : i32
    %cond3A_138 = arith.cmpi ne, %convert_element_type3A_136, %cond3A_137 : i32
    scf.if %cond3A_138 {
      %add3A_146 = arith.addi %add3A_17, %mul3A_37 : i32
      %mul3A_147 = arith.constant 128 : i32
      %mul3A_148 = arith.muli %add3A_146, %mul3A_147 : i32
      "tpu.region"() ({
        %run_scoped3A = tpu.sem_alloc : memref<!tpu.dma_semaphore, #tpu.memory_space<semaphore_mem>>
        %dma_start3A_163 = tpu.memref_slice %arg3[%mul3A_148] : memref<6400000xi32, #tpu.memory_space<hbm>> -> memref<128xi32, #tpu.memory_space<hbm>>
        %dma_start3A_164 = tpu.memref_slice %arg3[%mul3A_148] : memref<6400000xi32, #tpu.memory_space<hbm>> -> memref<128xi32, #tpu.memory_space<hbm>>
        tpu.enqueue_dma source(%dma_start3A_164 : memref<128xi32, #tpu.memory_space<hbm>>) target(%arg9 : memref<128xi32, #tpu.memory_space<vmem>>) target_semaphore(%run_scoped3A : memref<!tpu.dma_semaphore, #tpu.memory_space<semaphore_mem>>)
        %dma_wait3A_165 = tpu.memref_slice %arg3[%mul3A_148] : memref<6400000xi32, #tpu.memory_space<hbm>> -> memref<128xi32, #tpu.memory_space<hbm>>
        %dma_wait3A_166 = tpu.memref_slice %arg3[%mul3A_148] : memref<6400000xi32, #tpu.memory_space<hbm>> -> memref<128xi32, #tpu.memory_space<hbm>>
        tpu.wait_dma2 semaphore(%run_scoped3A : memref<!tpu.dma_semaphore, #tpu.memory_space<semaphore_mem>>) src(%dma_wait3A_166 : memref<128xi32, #tpu.memory_space<hbm>>) dst(%arg9 : memref<128xi32, #tpu.memory_space<vmem>>)
        tpu.yield
      }) : () -> ()
      %mul3A_149 = arith.constant 128 : i32
      %mul3A_150 = arith.muli %add3A_146, %mul3A_149 : i32
      "tpu.region"() ({
        %run_scoped3A = tpu.sem_alloc : memref<!tpu.dma_semaphore, #tpu.memory_space<semaphore_mem>>
        %dma_start3A_163 = tpu.memref_slice %arg4[%mul3A_150] : memref<6400000xi32, #tpu.memory_space<hbm>> -> memref<128xi32, #tpu.memory_space<hbm>>
        %dma_start3A_164 = tpu.memref_slice %arg4[%mul3A_150] : memref<6400000xi32, #tpu.memory_space<hbm>> -> memref<128xi32, #tpu.memory_space<hbm>>
        tpu.enqueue_dma source(%dma_start3A_164 : memref<128xi32, #tpu.memory_space<hbm>>) target(%arg10 : memref<128xi32, #tpu.memory_space<vmem>>) target_semaphore(%run_scoped3A : memref<!tpu.dma_semaphore, #tpu.memory_space<semaphore_mem>>)
        %dma_wait3A_165 = tpu.memref_slice %arg4[%mul3A_150] : memref<6400000xi32, #tpu.memory_space<hbm>> -> memref<128xi32, #tpu.memory_space<hbm>>
        %dma_wait3A_166 = tpu.memref_slice %arg4[%mul3A_150] : memref<6400000xi32, #tpu.memory_space<hbm>> -> memref<128xi32, #tpu.memory_space<hbm>>
        tpu.wait_dma2 semaphore(%run_scoped3A : memref<!tpu.dma_semaphore, #tpu.memory_space<semaphore_mem>>) src(%dma_wait3A_166 : memref<128xi32, #tpu.memory_space<hbm>>) dst(%arg10 : memref<128xi32, #tpu.memory_space<vmem>>)
        tpu.yield
      }) : () -> ()
      %mul3A_151 = arith.constant 1024 : i32
      %mul3A_152 = arith.muli %add3A_146, %mul3A_151 : i32
      "tpu.region"() ({
        %run_scoped3A = tpu.sem_alloc : memref<!tpu.dma_semaphore, #tpu.memory_space<semaphore_mem>>
        %dma_start3A_163 = tpu.memref_slice %arg2[%mul3A_152] : memref<51200000xf32, #tpu.memory_space<hbm>> -> memref<1024xf32, #tpu.memory_space<hbm>>
        %dma_start3A_164 = tpu.memref_slice %arg2[%mul3A_152] : memref<51200000xf32, #tpu.memory_space<hbm>> -> memref<1024xf32, #tpu.memory_space<hbm>>
        tpu.enqueue_dma source(%dma_start3A_164 : memref<1024xf32, #tpu.memory_space<hbm>>) target(%arg11 : memref<1024xf32, #tpu.memory_space<vmem>>) target_semaphore(%run_scoped3A : memref<!tpu.dma_semaphore, #tpu.memory_space<semaphore_mem>>)
        %dma_wait3A_165 = tpu.memref_slice %arg2[%mul3A_152] : memref<51200000xf32, #tpu.memory_space<hbm>> -> memref<1024xf32, #tpu.memory_space<hbm>>
        %dma_wait3A_166 = tpu.memref_slice %arg2[%mul3A_152] : memref<51200000xf32, #tpu.memory_space<hbm>> -> memref<1024xf32, #tpu.memory_space<hbm>>
        tpu.wait_dma2 semaphore(%run_scoped3A : memref<!tpu.dma_semaphore, #tpu.memory_space<semaphore_mem>>) src(%dma_wait3A_166 : memref<1024xf32, #tpu.memory_space<hbm>>) dst(%arg11 : memref<1024xf32, #tpu.memory_space<vmem>>)
        tpu.yield
      }) : () -> ()
      %dma_start3A = arith.constant 0 : i32
      %dma_start3A_153 = arith.constant 0 : i32
      %dma_start3A_154 = tpu.memref_slice %arg5[%dma_start3A, %dma_start3A_153] : memref<100000x8xf32, #tpu.memory_space<hbm>> -> memref<100000x8xf32, #tpu.memory_space<hbm>>
      tpu.enqueue_indirect_dma source(%dma_start3A_154 : memref<100000x8xf32, #tpu.memory_space<hbm>>) target(%arg12 : memref<128x8xf32, #tpu.memory_space<vmem>>) offsets(%arg9 : memref<128xi32, #tpu.memory_space<vmem>>) semaphore(%arg20 : memref<!tpu.dma_semaphore, #tpu.memory_space<semaphore_mem>>)
      %dma_wait3A = arith.constant 0 : i32
      %dma_wait3A_155 = arith.constant 0 : i32
      %dma_wait3A_156 = tpu.memref_slice %arg5[%dma_wait3A, %dma_wait3A_155] : memref<100000x8xf32, #tpu.memory_space<hbm>> -> memref<100000x8xf32, #tpu.memory_space<hbm>>
      tpu.wait_indirect_dma semaphore(%arg20 : memref<!tpu.dma_semaphore, #tpu.memory_space<semaphore_mem>>) src(%dma_wait3A_156 : memref<100000x8xf32, #tpu.memory_space<hbm>>) dst(%arg12 : memref<128x8xf32, #tpu.memory_space<vmem>>)
      %scan3A_157 = arith.constant 0 : i32
      %scan3A_158 = arith.constant 0 : i32
      %scan3A_159 = arith.constant 64 : i32
      %scan3A_160 = arith.addi %scan3A_158, %scan3A_159 : i32
      %scan3A_161 = arith.constant 8 : i32
      scf.for %scan3A_163 = %scan3A_158 to %scan3A_160 step %scan3A_161  : i32 {
        %mul3A_164 = arith.constant 2 : i32
        %mul3A_165 = arith.muli %mul3A_164, %scan3A_163 : i32
        %add3A_166 = vector.broadcast %mul3A_165 : i32 to vector<16xi32>
        %add3A_167 = arith.addi %add3A_166, %select_n3A_89 : vector<16xi32>
        %mul3A_168 = arith.constant 16 : i32
        %mul3A_169 = arith.muli %scan3A_163, %mul3A_168 : i32
        %get3A = arith.index_cast %mul3A_169 : i32 to index
        %get3A_170 = tpu.vector_load %arg11[%get3A] {strides = array<i32>} : memref<1024xf32, #tpu.memory_space<vmem>>, vector<16xf32>,
        %gather3A = tpu.vector_load_idx %arg12[%add3A_167, %select_n3A_58] : memref<128x8xf32, #tpu.memory_space<vmem>>[vector<16xi32>, vector<16xi32>], vector<16xf32>,
        %add3A_171 = arith.addf %get3A_170, %gather3A : vector<16xf32>
        %max3A = arith.constant 0.000000e+00 : f32
        %max3A_172 = vector.broadcast %max3A : f32 to vector<16xf32>
        %max3A_173 = arith.maximumf %add3A_171, %max3A_172 : vector<16xf32>
        tpu.vector_store_idx %arg12[%add3A_167, %select_n3A_58], %max3A_173 : memref<128x8xf32, #tpu.memory_space<vmem>>[vector<16xi32>, vector<16xi32>], vector<16xf32>,
        %scan3A_174 = arith.constant 1 : i32
        %scan3A_175 = arith.addi %scan3A_163, %scan3A_174 : i32
        %mul3A_176 = arith.constant 2 : i32
        %mul3A_177 = arith.muli %mul3A_176, %scan3A_175 : i32
        %add3A_178 = vector.broadcast %mul3A_177 : i32 to vector<16xi32>
        %add3A_179 = arith.addi %add3A_178, %select_n3A_89 : vector<16xi32>
        %mul3A_180 = arith.constant 16 : i32
        %mul3A_181 = arith.muli %scan3A_175, %mul3A_180 : i32
        %get3A_182 = arith.index_cast %mul3A_181 : i32 to index
        %get3A_183 = tpu.vector_load %arg11[%get3A_182] {strides = array<i32>} : memref<1024xf32, #tpu.memory_space<vmem>>, vector<16xf32>,
        %gather3A_184 = tpu.vector_load_idx %arg12[%add3A_179, %select_n3A_58] : memref<128x8xf32, #tpu.memory_space<vmem>>[vector<16xi32>, vector<16xi32>], vector<16xf32>,
        %add3A_185 = arith.addf %get3A_183, %gather3A_184 : vector<16xf32>
        %max3A_186 = arith.constant 0.000000e+00 : f32
        %max3A_187 = vector.broadcast %max3A_186 : f32 to vector<16xf32>
        %max3A_188 = arith.maximumf %add3A_185, %max3A_187 : vector<16xf32>
        tpu.vector_store_idx %arg12[%add3A_179, %select_n3A_58], %max3A_188 : memref<128x8xf32, #tpu.memory_space<vmem>>[vector<16xi32>, vector<16xi32>], vector<16xf32>,
        %scan3A_189 = arith.constant 2 : i32
        %scan3A_190 = arith.addi %scan3A_163, %scan3A_189 : i32
        %mul3A_191 = arith.constant 2 : i32
        %mul3A_192 = arith.muli %mul3A_191, %scan3A_190 : i32
        %add3A_193 = vector.broadcast %mul3A_192 : i32 to vector<16xi32>
        %add3A_194 = arith.addi %add3A_193, %select_n3A_89 : vector<16xi32>
        %mul3A_195 = arith.constant 16 : i32
        %mul3A_196 = arith.muli %scan3A_190, %mul3A_195 : i32
        %get3A_197 = arith.index_cast %mul3A_196 : i32 to index
        %get3A_198 = tpu.vector_load %arg11[%get3A_197] {strides = array<i32>} : memref<1024xf32, #tpu.memory_space<vmem>>, vector<16xf32>,
        %gather3A_199 = tpu.vector_load_idx %arg12[%add3A_194, %select_n3A_58] : memref<128x8xf32, #tpu.memory_space<vmem>>[vector<16xi32>, vector<16xi32>], vector<16xf32>,
        %add3A_200 = arith.addf %get3A_198, %gather3A_199 : vector<16xf32>
        %max3A_201 = arith.constant 0.000000e+00 : f32
        %max3A_202 = vector.broadcast %max3A_201 : f32 to vector<16xf32>
        %max3A_203 = arith.maximumf %add3A_200, %max3A_202 : vector<16xf32>
        tpu.vector_store_idx %arg12[%add3A_194, %select_n3A_58], %max3A_203 : memref<128x8xf32, #tpu.memory_space<vmem>>[vector<16xi32>, vector<16xi32>], vector<16xf32>,
        %scan3A_204 = arith.constant 3 : i32
        %scan3A_205 = arith.addi %scan3A_163, %scan3A_204 : i32
        %mul3A_206 = arith.constant 2 : i32
        %mul3A_207 = arith.muli %mul3A_206, %scan3A_205 : i32
        %add3A_208 = vector.broadcast %mul3A_207 : i32 to vector<16xi32>
        %add3A_209 = arith.addi %add3A_208, %select_n3A_89 : vector<16xi32>
        %mul3A_210 = arith.constant 16 : i32
        %mul3A_211 = arith.muli %scan3A_205, %mul3A_210 : i32
        %get3A_212 = arith.index_cast %mul3A_211 : i32 to index
        %get3A_213 = tpu.vector_load %arg11[%get3A_212] {strides = array<i32>} : memref<1024xf32, #tpu.memory_space<vmem>>, vector<16xf32>,
        %gather3A_214 = tpu.vector_load_idx %arg12[%add3A_209, %select_n3A_58] : memref<128x8xf32, #tpu.memory_space<vmem>>[vector<16xi32>, vector<16xi32>], vector<16xf32>,
        %add3A_215 = arith.addf %get3A_213, %gather3A_214 : vector<16xf32>
        %max3A_216 = arith.constant 0.000000e+00 : f32
        %max3A_217 = vector.broadcast %max3A_216 : f32 to vector<16xf32>
        %max3A_218 = arith.maximumf %add3A_215, %max3A_217 : vector<16xf32>
        tpu.vector_store_idx %arg12[%add3A_209, %select_n3A_58], %max3A_218 : memref<128x8xf32, #tpu.memory_space<vmem>>[vector<16xi32>, vector<16xi32>], vector<16xf32>,
        %scan3A_219 = arith.constant 4 : i32
        %scan3A_220 = arith.addi %scan3A_163, %scan3A_219 : i32
        %mul3A_221 = arith.constant 2 : i32
        %mul3A_222 = arith.muli %mul3A_221, %scan3A_220 : i32
        %add3A_223 = vector.broadcast %mul3A_222 : i32 to vector<16xi32>
        %add3A_224 = arith.addi %add3A_223, %select_n3A_89 : vector<16xi32>
        %mul3A_225 = arith.constant 16 : i32
        %mul3A_226 = arith.muli %scan3A_220, %mul3A_225 : i32
        %get3A_227 = arith.index_cast %mul3A_226 : i32 to index
        %get3A_228 = tpu.vector_load %arg11[%get3A_227] {strides = array<i32>} : memref<1024xf32, #tpu.memory_space<vmem>>, vector<16xf32>,
        %gather3A_229 = tpu.vector_load_idx %arg12[%add3A_224, %select_n3A_58] : memref<128x8xf32, #tpu.memory_space<vmem>>[vector<16xi32>, vector<16xi32>], vector<16xf32>,
        %add3A_230 = arith.addf %get3A_228, %gather3A_229 : vector<16xf32>
        %max3A_231 = arith.constant 0.000000e+00 : f32
        %max3A_232 = vector.broadcast %max3A_231 : f32 to vector<16xf32>
        %max3A_233 = arith.maximumf %add3A_230, %max3A_232 : vector<16xf32>
        tpu.vector_store_idx %arg12[%add3A_224, %select_n3A_58], %max3A_233 : memref<128x8xf32, #tpu.memory_space<vmem>>[vector<16xi32>, vector<16xi32>], vector<16xf32>,
        %scan3A_234 = arith.constant 5 : i32
        %scan3A_235 = arith.addi %scan3A_163, %scan3A_234 : i32
        %mul3A_236 = arith.constant 2 : i32
        %mul3A_237 = arith.muli %mul3A_236, %scan3A_235 : i32
        %add3A_238 = vector.broadcast %mul3A_237 : i32 to vector<16xi32>
        %add3A_239 = arith.addi %add3A_238, %select_n3A_89 : vector<16xi32>
        %mul3A_240 = arith.constant 16 : i32
        %mul3A_241 = arith.muli %scan3A_235, %mul3A_240 : i32
        %get3A_242 = arith.index_cast %mul3A_241 : i32 to index
        %get3A_243 = tpu.vector_load %arg11[%get3A_242] {strides = array<i32>} : memref<1024xf32, #tpu.memory_space<vmem>>, vector<16xf32>,
        %gather3A_244 = tpu.vector_load_idx %arg12[%add3A_239, %select_n3A_58] : memref<128x8xf32, #tpu.memory_space<vmem>>[vector<16xi32>, vector<16xi32>], vector<16xf32>,
        %add3A_245 = arith.addf %get3A_243, %gather3A_244 : vector<16xf32>
        %max3A_246 = arith.constant 0.000000e+00 : f32
        %max3A_247 = vector.broadcast %max3A_246 : f32 to vector<16xf32>
        %max3A_248 = arith.maximumf %add3A_245, %max3A_247 : vector<16xf32>
        tpu.vector_store_idx %arg12[%add3A_239, %select_n3A_58], %max3A_248 : memref<128x8xf32, #tpu.memory_space<vmem>>[vector<16xi32>, vector<16xi32>], vector<16xf32>,
        %scan3A_249 = arith.constant 6 : i32
        %scan3A_250 = arith.addi %scan3A_163, %scan3A_249 : i32
        %mul3A_251 = arith.constant 2 : i32
        %mul3A_252 = arith.muli %mul3A_251, %scan3A_250 : i32
        %add3A_253 = vector.broadcast %mul3A_252 : i32 to vector<16xi32>
        %add3A_254 = arith.addi %add3A_253, %select_n3A_89 : vector<16xi32>
        %mul3A_255 = arith.constant 16 : i32
        %mul3A_256 = arith.muli %scan3A_250, %mul3A_255 : i32
        %get3A_257 = arith.index_cast %mul3A_256 : i32 to index
        %get3A_258 = tpu.vector_load %arg11[%get3A_257] {strides = array<i32>} : memref<1024xf32, #tpu.memory_space<vmem>>, vector<16xf32>,
        %gather3A_259 = tpu.vector_load_idx %arg12[%add3A_254, %select_n3A_58] : memref<128x8xf32, #tpu.memory_space<vmem>>[vector<16xi32>, vector<16xi32>], vector<16xf32>,
        %add3A_260 = arith.addf %get3A_258, %gather3A_259 : vector<16xf32>
        %max3A_261 = arith.constant 0.000000e+00 : f32
        %max3A_262 = vector.broadcast %max3A_261 : f32 to vector<16xf32>
        %max3A_263 = arith.maximumf %add3A_260, %max3A_262 : vector<16xf32>
        tpu.vector_store_idx %arg12[%add3A_254, %select_n3A_58], %max3A_263 : memref<128x8xf32, #tpu.memory_space<vmem>>[vector<16xi32>, vector<16xi32>], vector<16xf32>,
        %scan3A_264 = arith.constant 7 : i32
        %scan3A_265 = arith.addi %scan3A_163, %scan3A_264 : i32
        %mul3A_266 = arith.constant 2 : i32
        %mul3A_267 = arith.muli %mul3A_266, %scan3A_265 : i32
        %add3A_268 = vector.broadcast %mul3A_267 : i32 to vector<16xi32>
        %add3A_269 = arith.addi %add3A_268, %select_n3A_89 : vector<16xi32>
        %mul3A_270 = arith.constant 16 : i32
        %mul3A_271 = arith.muli %scan3A_265, %mul3A_270 : i32
        %get3A_272 = arith.index_cast %mul3A_271 : i32 to index
        %get3A_273 = tpu.vector_load %arg11[%get3A_272] {strides = array<i32>} : memref<1024xf32, #tpu.memory_space<vmem>>, vector<16xf32>,
        %gather3A_274 = tpu.vector_load_idx %arg12[%add3A_269, %select_n3A_58] : memref<128x8xf32, #tpu.memory_space<vmem>>[vector<16xi32>, vector<16xi32>], vector<16xf32>,
        %add3A_275 = arith.addf %get3A_273, %gather3A_274 : vector<16xf32>
        %max3A_276 = arith.constant 0.000000e+00 : f32
        %max3A_277 = vector.broadcast %max3A_276 : f32 to vector<16xf32>
        %max3A_278 = arith.maximumf %add3A_275, %max3A_277 : vector<16xf32>
        tpu.vector_store_idx %arg12[%add3A_269, %select_n3A_58], %max3A_278 : memref<128x8xf32, #tpu.memory_space<vmem>>[vector<16xi32>, vector<16xi32>], vector<16xf32>,
      }
      %scan3A_162 = arith.constant 64 : i32
      "tpu.region"() ({
        %run_scoped3A = tpu.sem_alloc : memref<!tpu.dma_semaphore, #tpu.memory_space<semaphore_mem>>
        %dma_start3A_163 = arith.constant 0 : i32
        %dma_start3A_164 = arith.constant 0 : i32
        %dma_start3A_165 = tpu.memref_slice %arg8[%dma_start3A_163, %dma_start3A_164] : memref<100000x8xf32, #tpu.memory_space<vmem_shared>> -> memref<100000x8xf32, #tpu.memory_space<vmem_shared>>
        tpu.enqueue_indirect_dma source(%arg12 : memref<128x8xf32, #tpu.memory_space<vmem>>) target(%dma_start3A_165 : memref<100000x8xf32, #tpu.memory_space<vmem_shared>>) offsets(%arg10 : memref<128xi32, #tpu.memory_space<vmem>>) semaphore(%run_scoped3A : memref<!tpu.dma_semaphore, #tpu.memory_space<semaphore_mem>>) {add = true}
        %dma_wait3A_166 = arith.constant 0 : i32
        %dma_wait3A_167 = arith.constant 0 : i32
        %dma_wait3A_168 = tpu.memref_slice %arg8[%dma_wait3A_166, %dma_wait3A_167] : memref<100000x8xf32, #tpu.memory_space<vmem_shared>> -> memref<100000x8xf32, #tpu.memory_space<vmem_shared>>
        tpu.wait_indirect_dma semaphore(%run_scoped3A : memref<!tpu.dma_semaphore, #tpu.memory_space<semaphore_mem>>) src(%arg12 : memref<128x8xf32, #tpu.memory_space<vmem>>) dst(%dma_wait3A_168 : memref<100000x8xf32, #tpu.memory_space<vmem_shared>>)
        tpu.yield
      }) : () -> ()
    } else {
    }
    %barrier3A_139 = arith.constant 0 : index
    tpu.barrier barrier_id(%barrier3A_139)
    %scan3A_140 = arith.constant 0 : i32
    %scan3A_141 = arith.constant 0 : i32
    %scan3A_142 = arith.constant 8 : i32
    %scan3A_143 = arith.addi %scan3A_141, %scan3A_142 : i32
    %scan3A_144 = arith.constant 1 : i32
    scf.for %scan3A_146 = %scan3A_141 to %scan3A_143 step %scan3A_144  : i32 {
      %mul3A_147 = arith.constant 800 : i32
      %mul3A_148 = arith.muli %scan3A_146, %mul3A_147 : i32
      %add3A_149 = arith.addi %multiple_of3A, %mul3A_148 : i32
      %multiple_of3A_150 = tpu.assume_multiple %add3A_149, 8 : i32
      "tpu.region"() ({
        %run_scoped3A = tpu.sem_alloc : memref<!tpu.dma_semaphore, #tpu.memory_space<semaphore_mem>>
        %dma_start3A = arith.constant 0 : i32
        %dma_start3A_154 = tpu.memref_slice %arg8[%multiple_of3A_150, %dma_start3A] : memref<100000x8xf32, #tpu.memory_space<vmem_shared>> -> memref<800x8xf32, #tpu.memory_space<vmem_shared>>
        %dma_start3A_155 = arith.constant 0 : i32
        %dma_start3A_156 = tpu.memref_slice %arg8[%multiple_of3A_150, %dma_start3A_155] : memref<100000x8xf32, #tpu.memory_space<vmem_shared>> -> memref<800x8xf32, #tpu.memory_space<vmem_shared>>
        tpu.enqueue_dma source(%dma_start3A_156 : memref<800x8xf32, #tpu.memory_space<vmem_shared>>) target(%arg17 : memref<800x8xf32, #tpu.memory_space<vmem>>) target_semaphore(%run_scoped3A : memref<!tpu.dma_semaphore, #tpu.memory_space<semaphore_mem>>)
        %dma_wait3A = arith.constant 0 : i32
        %dma_wait3A_157 = tpu.memref_slice %arg8[%multiple_of3A_150, %dma_wait3A] : memref<100000x8xf32, #tpu.memory_space<vmem_shared>> -> memref<800x8xf32, #tpu.memory_space<vmem_shared>>
        %dma_wait3A_158 = arith.constant 0 : i32
        %dma_wait3A_159 = tpu.memref_slice %arg8[%multiple_of3A_150, %dma_wait3A_158] : memref<100000x8xf32, #tpu.memory_space<vmem_shared>> -> memref<800x8xf32, #tpu.memory_space<vmem_shared>>
        tpu.wait_dma2 semaphore(%run_scoped3A : memref<!tpu.dma_semaphore, #tpu.memory_space<semaphore_mem>>) src(%dma_wait3A_159 : memref<800x8xf32, #tpu.memory_space<vmem_shared>>) dst(%arg17 : memref<800x8xf32, #tpu.memory_space<vmem>>)
        tpu.yield
      }) : () -> ()
      %mul3A_151 = arith.constant 100000 : i32
      %mul3A_152 = arith.muli %arg0, %mul3A_151 : i32
      %add3A_153 = arith.addi %mul3A_152, %multiple_of3A_150 : i32
      "tpu.region"() ({
        %run_scoped3A = tpu.sem_alloc : memref<!tpu.dma_semaphore, #tpu.memory_space<semaphore_mem>>
        %dma_start3A = arith.constant 0 : i32
        %dma_start3A_154 = tpu.memref_slice %arg7[%add3A_153, %dma_start3A] : memref<200000x8xf32, #tpu.memory_space<hbm>> -> memref<800x8xf32, #tpu.memory_space<hbm>>
        %dma_start3A_155 = arith.constant 0 : i32
        %dma_start3A_156 = tpu.memref_slice %arg7[%add3A_153, %dma_start3A_155] : memref<200000x8xf32, #tpu.memory_space<hbm>> -> memref<800x8xf32, #tpu.memory_space<hbm>>
        tpu.enqueue_dma source(%arg17 : memref<800x8xf32, #tpu.memory_space<vmem>>) target(%dma_start3A_156 : memref<800x8xf32, #tpu.memory_space<hbm>>) target_semaphore(%run_scoped3A : memref<!tpu.dma_semaphore, #tpu.memory_space<semaphore_mem>>)
        %dma_wait3A = arith.constant 0 : i32
        %dma_wait3A_157 = tpu.memref_slice %arg7[%add3A_153, %dma_wait3A] : memref<200000x8xf32, #tpu.memory_space<hbm>> -> memref<800x8xf32, #tpu.memory_space<hbm>>
        %dma_wait3A_158 = arith.constant 0 : i32
        %dma_wait3A_159 = tpu.memref_slice %arg7[%add3A_153, %dma_wait3A_158] : memref<200000x8xf32, #tpu.memory_space<hbm>> -> memref<800x8xf32, #tpu.memory_space<hbm>>
        tpu.wait_dma2 semaphore(%run_scoped3A : memref<!tpu.dma_semaphore, #tpu.memory_space<semaphore_mem>>) src(%arg17 : memref<800x8xf32, #tpu.memory_space<vmem>>) dst(%dma_wait3A_159 : memref<800x8xf32, #tpu.memory_space<hbm>>)
        tpu.yield
      }) : () -> ()
    }
    %scan3A_145 = arith.constant 8 : i32
    return
  }
}

module attributes {stable_mosaic.version = 14 : i64} {
  func.func @_node_enc_kernel(%arg0: i32, %arg1: memref<4000x4xf32, #tpu.memory_space<vmem>>, %arg2: memref<4x8xf32, #tpu.memory_space<vmem>>, %arg3: memref<1x8xf32, #tpu.memory_space<vmem>>, %arg4: memref<8x8xf32, #tpu.memory_space<vmem>>, %arg5: memref<1x8xf32, #tpu.memory_space<vmem>>, %arg6: memref<4000x8xf32, #tpu.memory_space<vmem>>, %arg7: memref<4000x8xf32, #tpu.memory_space<vmem>>) attributes {dimension_semantics = [#tpu.dimension_semantics<arbitrary>], iteration_bounds = array<i64: 25>, scalar_prefetch = 0 : i64, scratch_operands = 0 : i64, tpu.core_type = #tpu.core_type<tc>, window_params = [{transform_indices = @transform_0, window_bounds = array<i64: 4000, 4>}, {pipeline_mode = #tpu.pipeline_mode<synchronous>, transform_indices = @transform_1, window_bounds = array<i64: 4, 8>}, {pipeline_mode = #tpu.pipeline_mode<synchronous>, transform_indices = @transform_2, window_bounds = array<i64: 1, 8>}, {pipeline_mode = #tpu.pipeline_mode<synchronous>, transform_indices = @transform_3, window_bounds = array<i64: 8, 8>}, {pipeline_mode = #tpu.pipeline_mode<synchronous>, transform_indices = @transform_4, window_bounds = array<i64: 1, 8>}, {transform_indices = @transform_5, window_bounds = array<i64: 4000, 8>}, {transform_indices = @transform_6, window_bounds = array<i64: 4000, 8>}]} {
    %get3A = arith.constant 0 : index
    %get3A_0 = arith.constant 0 : index
    %get3A_1 = vector.load %arg1[%get3A, %get3A_0] : memref<4000x4xf32, #tpu.memory_space<vmem>>, vector<4000x4xf32>
    %get3A_2 = arith.constant 0 : index
    %get3A_3 = arith.constant 0 : index
    %get3A_4 = vector.load %arg2[%get3A_2, %get3A_3] : memref<4x8xf32, #tpu.memory_space<vmem>>, vector<4x8xf32>
    %dot_general3A = arith.constant dense<0.000000e+00> : vector<4000x8xf32>
    %dot_general3A_5 = tpu.matmul %get3A_1, %get3A_4, %dot_general3A {dimension_numbers = #tpu.dot_dimension_numbers<[1], [0], [0], [1], [0, 0, 1, 1], [], []>, transpose_lhs_hint = false} : vector<4000x4xf32>, vector<4x8xf32>, vector<4000x8xf32> -> vector<4000x8xf32>
    %get3A_6 = arith.constant 0 : index
    %get3A_7 = arith.constant 0 : index
    %get3A_8 = vector.load %arg3[%get3A_6, %get3A_7] : memref<1x8xf32, #tpu.memory_space<vmem>>, vector<1x8xf32>
    %add3A = vector.broadcast %get3A_8 : vector<1x8xf32> to vector<4000x8xf32>
    %add3A_9 = arith.addf %dot_general3A_5, %add3A : vector<4000x8xf32>
    %max3A = arith.constant 0.000000e+00 : f32
    %max3A_10 = vector.broadcast %max3A : f32 to vector<4000x8xf32>
    %max3A_11 = arith.maximumf %add3A_9, %max3A_10 : vector<4000x8xf32>
    %swap3A = arith.constant 0 : index
    %swap3A_12 = arith.constant 0 : index
    %swap3A_13 = vector.load %arg6[%swap3A, %swap3A_12] : memref<4000x8xf32, #tpu.memory_space<vmem>>, vector<4000x8xf32>
    tpu.vector_store %arg6[%swap3A, %swap3A_12], %max3A_11 {strides = array<i32>} : memref<4000x8xf32, #tpu.memory_space<vmem>>, vector<4000x8xf32>,
    %get3A_14 = arith.constant 0 : index
    %get3A_15 = arith.constant 0 : index
    %get3A_16 = vector.load %arg4[%get3A_14, %get3A_15] : memref<8x8xf32, #tpu.memory_space<vmem>>, vector<8x8xf32>
    %dot_general3A_17 = arith.constant dense<0.000000e+00> : vector<4000x8xf32>
    %dot_general3A_18 = tpu.matmul %max3A_11, %get3A_16, %dot_general3A_17 {dimension_numbers = #tpu.dot_dimension_numbers<[1], [0], [0], [1], [0, 0, 1, 1], [], []>, transpose_lhs_hint = false} : vector<4000x8xf32>, vector<8x8xf32>, vector<4000x8xf32> -> vector<4000x8xf32>
    %get3A_19 = arith.constant 0 : index
    %get3A_20 = arith.constant 0 : index
    %get3A_21 = vector.load %arg5[%get3A_19, %get3A_20] : memref<1x8xf32, #tpu.memory_space<vmem>>, vector<1x8xf32>
    %add3A_22 = vector.broadcast %get3A_21 : vector<1x8xf32> to vector<4000x8xf32>
    %add3A_23 = arith.addf %dot_general3A_18, %add3A_22 : vector<4000x8xf32>
    %swap3A_24 = arith.constant 0 : index
    %swap3A_25 = arith.constant 0 : index
    %swap3A_26 = vector.load %arg7[%swap3A_24, %swap3A_25] : memref<4000x8xf32, #tpu.memory_space<vmem>>, vector<4000x8xf32>
    tpu.vector_store %arg7[%swap3A_24, %swap3A_25], %add3A_23 {strides = array<i32>} : memref<4000x8xf32, #tpu.memory_space<vmem>>, vector<4000x8xf32>,
    return
  }
  func.func @transform_0(%arg0: i32) -> (i32, i32) {
    %c0_i32 = arith.constant 0 : i32
    %c0_i32_0 = arith.constant 0 : i32
    return %arg0, %c0_i32 : i32, i32
  }
  func.func @transform_1(%arg0: i32) -> (i32, i32) {
    %c0_i32 = arith.constant 0 : i32
    %c0_i32_0 = arith.constant 0 : i32
    %c0_i32_1 = arith.constant 0 : i32
    return %c0_i32, %c0_i32_0 : i32, i32
  }
  func.func @transform_2(%arg0: i32) -> (i32, i32) {
    %c0_i32 = arith.constant 0 : i32
    %c0_i32_0 = arith.constant 0 : i32
    %c0_i32_1 = arith.constant 0 : i32
    return %c0_i32, %c0_i32_0 : i32, i32
  }
  func.func @transform_3(%arg0: i32) -> (i32, i32) {
    %c0_i32 = arith.constant 0 : i32
    %c0_i32_0 = arith.constant 0 : i32
    %c0_i32_1 = arith.constant 0 : i32
    return %c0_i32, %c0_i32_0 : i32, i32
  }
  func.func @transform_4(%arg0: i32) -> (i32, i32) {
    %c0_i32 = arith.constant 0 : i32
    %c0_i32_0 = arith.constant 0 : i32
    %c0_i32_1 = arith.constant 0 : i32
    return %c0_i32, %c0_i32_0 : i32, i32
  }
  func.func @transform_5(%arg0: i32) -> (i32, i32) {
    %c0_i32 = arith.constant 0 : i32
    %c0_i32_0 = arith.constant 0 : i32
    return %arg0, %c0_i32 : i32, i32
  }
  func.func @transform_6(%arg0: i32) -> (i32, i32) {
    %c0_i32 = arith.constant 0 : i32
    %c0_i32_0 = arith.constant 0 : i32
    return %arg0, %c0_i32 : i32, i32
  }
}

module attributes {stable_mosaic.version = 14 : i64} {
  func.func @_edge_enc_kernel(%arg0: i32, %arg1: memref<6400x2xf32, #tpu.memory_space<vmem>>, %arg2: memref<2x4xf32, #tpu.memory_space<vmem>>, %arg3: memref<1x4xf32, #tpu.memory_space<vmem>>, %arg4: memref<4x8xf32, #tpu.memory_space<vmem>>, %arg5: memref<6400x8xf32, #tpu.memory_space<vmem>>) attributes {dimension_semantics = [#tpu.dimension_semantics<arbitrary>], iteration_bounds = array<i64: 1000>, scalar_prefetch = 0 : i64, scratch_operands = 0 : i64, tpu.core_type = #tpu.core_type<tc>, window_params = [{transform_indices = @transform_0, window_bounds = array<i64: 6400, 2>}, {pipeline_mode = #tpu.pipeline_mode<synchronous>, transform_indices = @transform_1, window_bounds = array<i64: 2, 4>}, {pipeline_mode = #tpu.pipeline_mode<synchronous>, transform_indices = @transform_2, window_bounds = array<i64: 1, 4>}, {pipeline_mode = #tpu.pipeline_mode<synchronous>, transform_indices = @transform_3, window_bounds = array<i64: 4, 8>}, {transform_indices = @transform_4, window_bounds = array<i64: 6400, 8>}]} {
    %get3A = arith.constant 0 : index
    %get3A_0 = arith.constant 0 : index
    %get3A_1 = vector.load %arg1[%get3A, %get3A_0] : memref<6400x2xf32, #tpu.memory_space<vmem>>, vector<6400x2xf32>
    %get3A_2 = arith.constant 0 : index
    %get3A_3 = arith.constant 0 : index
    %get3A_4 = vector.load %arg2[%get3A_2, %get3A_3] : memref<2x4xf32, #tpu.memory_space<vmem>>, vector<2x4xf32>
    %dot_general3A = arith.constant dense<0.000000e+00> : vector<6400x4xf32>
    %dot_general3A_5 = tpu.matmul %get3A_1, %get3A_4, %dot_general3A {dimension_numbers = #tpu.dot_dimension_numbers<[1], [0], [0], [1], [0, 0, 1, 1], [], []>, transpose_lhs_hint = false} : vector<6400x2xf32>, vector<2x4xf32>, vector<6400x4xf32> -> vector<6400x4xf32>
    %get3A_6 = arith.constant 0 : index
    %get3A_7 = arith.constant 0 : index
    %get3A_8 = vector.load %arg3[%get3A_6, %get3A_7] : memref<1x4xf32, #tpu.memory_space<vmem>>, vector<1x4xf32>
    %add3A = vector.broadcast %get3A_8 : vector<1x4xf32> to vector<6400x4xf32>
    %add3A_9 = arith.addf %dot_general3A_5, %add3A : vector<6400x4xf32>
    %max3A = arith.constant 0.000000e+00 : f32
    %max3A_10 = vector.broadcast %max3A : f32 to vector<6400x4xf32>
    %max3A_11 = arith.maximumf %add3A_9, %max3A_10 : vector<6400x4xf32>
    %get3A_12 = arith.constant 0 : index
    %get3A_13 = arith.constant 0 : index
    %get3A_14 = vector.load %arg4[%get3A_12, %get3A_13] : memref<4x8xf32, #tpu.memory_space<vmem>>, vector<4x8xf32>
    %dot_general3A_15 = arith.constant dense<0.000000e+00> : vector<6400x8xf32>
    %dot_general3A_16 = tpu.matmul %max3A_11, %get3A_14, %dot_general3A_15 {dimension_numbers = #tpu.dot_dimension_numbers<[1], [0], [0], [1], [0, 0, 1, 1], [], []>, transpose_lhs_hint = false} : vector<6400x4xf32>, vector<4x8xf32>, vector<6400x8xf32> -> vector<6400x8xf32>
    %swap3A = arith.constant 0 : index
    %swap3A_17 = arith.constant 0 : index
    %swap3A_18 = vector.load %arg5[%swap3A, %swap3A_17] : memref<6400x8xf32, #tpu.memory_space<vmem>>, vector<6400x8xf32>
    tpu.vector_store %arg5[%swap3A, %swap3A_17], %dot_general3A_16 {strides = array<i32>} : memref<6400x8xf32, #tpu.memory_space<vmem>>, vector<6400x8xf32>,
    return
  }
  func.func @transform_0(%arg0: i32) -> (i32, i32) {
    %c0_i32 = arith.constant 0 : i32
    %c0_i32_0 = arith.constant 0 : i32
    return %arg0, %c0_i32 : i32, i32
  }
  func.func @transform_1(%arg0: i32) -> (i32, i32) {
    %c0_i32 = arith.constant 0 : i32
    %c0_i32_0 = arith.constant 0 : i32
    %c0_i32_1 = arith.constant 0 : i32
    return %c0_i32, %c0_i32_0 : i32, i32
  }
  func.func @transform_2(%arg0: i32) -> (i32, i32) {
    %c0_i32 = arith.constant 0 : i32
    %c0_i32_0 = arith.constant 0 : i32
    %c0_i32_1 = arith.constant 0 : i32
    return %c0_i32, %c0_i32_0 : i32, i32
  }
  func.func @transform_3(%arg0: i32) -> (i32, i32) {
    %c0_i32 = arith.constant 0 : i32
    %c0_i32_0 = arith.constant 0 : i32
    %c0_i32_1 = arith.constant 0 : i32
    return %c0_i32, %c0_i32_0 : i32, i32
  }
  func.func @transform_4(%arg0: i32) -> (i32, i32) {
    %c0_i32 = arith.constant 0 : i32
    %c0_i32_0 = arith.constant 0 : i32
    return %arg0, %c0_i32 : i32, i32
  }
}

module attributes {stable_mosaic.version = 14 : i64} {
  func.func @_node_out_kernel(%arg0: i32, %arg1: memref<4000x8xf32, #tpu.memory_space<vmem>>, %arg2: memref<4000x8xf32, #tpu.memory_space<vmem>>, %arg3: memref<4000x8xf32, #tpu.memory_space<vmem>>, %arg4: memref<8x8xf32, #tpu.memory_space<vmem>>, %arg5: memref<8x8xf32, #tpu.memory_space<vmem>>, %arg6: memref<1x8xf32, #tpu.memory_space<vmem>>, %arg7: memref<8x1xf32, #tpu.memory_space<vmem>>, %arg8: memref<1x1xf32, #tpu.memory_space<vmem>>, %arg9: memref<8x1xf32, #tpu.memory_space<vmem>>, %arg10: memref<1x1xf32, #tpu.memory_space<vmem>>, %arg11: memref<4000x1xf32, #tpu.memory_space<vmem>>, %arg12: memref<1x1xf32, #tpu.memory_space<vmem>>, %arg13: memref<1x8xf32, #tpu.memory_space<vmem>>) attributes {dimension_semantics = [#tpu.dimension_semantics<arbitrary>], iteration_bounds = array<i64: 25>, scalar_prefetch = 0 : i64, scratch_operands = 1 : i64, tpu.core_type = #tpu.core_type<tc>, window_params = [{transform_indices = @transform_0, window_bounds = array<i64: 4000, 8>}, {transform_indices = @transform_1, window_bounds = array<i64: 4000, 8>}, {transform_indices = @transform_2, window_bounds = array<i64: 4000, 8>}, {pipeline_mode = #tpu.pipeline_mode<synchronous>, transform_indices = @transform_3, window_bounds = array<i64: 8, 8>}, {pipeline_mode = #tpu.pipeline_mode<synchronous>, transform_indices = @transform_4, window_bounds = array<i64: 8, 8>}, {pipeline_mode = #tpu.pipeline_mode<synchronous>, transform_indices = @transform_5, window_bounds = array<i64: 1, 8>}, {pipeline_mode = #tpu.pipeline_mode<synchronous>, transform_indices = @transform_6, window_bounds = array<i64: 8, 1>}, {pipeline_mode = #tpu.pipeline_mode<synchronous>, transform_indices = @transform_7, window_bounds = array<i64: 1, 1>}, {pipeline_mode = #tpu.pipeline_mode<synchronous>, transform_indices = @transform_8, window_bounds = array<i64: 8, 1>}, {pipeline_mode = #tpu.pipeline_mode<synchronous>, transform_indices = @transform_9, window_bounds = array<i64: 1, 1>}, {transform_indices = @transform_10, window_bounds = array<i64: 4000, 1>}, {pipeline_mode = #tpu.pipeline_mode<synchronous>, transform_indices = @transform_11, window_bounds = array<i64: 1, 1>}]} {
    %get3A = arith.constant 0 : index
    %get3A_0 = arith.constant 0 : index
    %get3A_1 = vector.load %arg1[%get3A, %get3A_0] : memref<4000x8xf32, #tpu.memory_space<vmem>>, vector<4000x8xf32>
    %get3A_2 = arith.constant 0 : index
    %get3A_3 = arith.constant 0 : index
    %get3A_4 = vector.load %arg2[%get3A_2, %get3A_3] : memref<4000x8xf32, #tpu.memory_space<vmem>>, vector<4000x8xf32>
    %get3A_5 = arith.constant 0 : index
    %get3A_6 = arith.constant 0 : index
    %get3A_7 = vector.load %arg3[%get3A_5, %get3A_6] : memref<4000x8xf32, #tpu.memory_space<vmem>>, vector<4000x8xf32>
    %add3A = arith.addf %get3A_4, %get3A_7 : vector<4000x8xf32>
    %get3A_8 = arith.constant 0 : index
    %get3A_9 = arith.constant 0 : index
    %get3A_10 = vector.load %arg4[%get3A_8, %get3A_9] : memref<8x8xf32, #tpu.memory_space<vmem>>, vector<8x8xf32>
    %dot_general3A = arith.constant dense<0.000000e+00> : vector<4000x8xf32>
    %dot_general3A_11 = tpu.matmul %get3A_1, %get3A_10, %dot_general3A {dimension_numbers = #tpu.dot_dimension_numbers<[1], [0], [0], [1], [0, 0, 1, 1], [], []>, transpose_lhs_hint = false} : vector<4000x8xf32>, vector<8x8xf32>, vector<4000x8xf32> -> vector<4000x8xf32>
    %get3A_12 = arith.constant 0 : index
    %get3A_13 = arith.constant 0 : index
    %get3A_14 = vector.load %arg5[%get3A_12, %get3A_13] : memref<8x8xf32, #tpu.memory_space<vmem>>, vector<8x8xf32>
    %dot_general3A_15 = arith.constant dense<0.000000e+00> : vector<4000x8xf32>
    %dot_general3A_16 = tpu.matmul %add3A, %get3A_14, %dot_general3A_15 {dimension_numbers = #tpu.dot_dimension_numbers<[1], [0], [0], [1], [0, 0, 1, 1], [], []>, transpose_lhs_hint = false} : vector<4000x8xf32>, vector<8x8xf32>, vector<4000x8xf32> -> vector<4000x8xf32>
    %add3A_17 = arith.addf %dot_general3A_11, %dot_general3A_16 : vector<4000x8xf32>
    %get3A_18 = arith.constant 0 : index
    %get3A_19 = arith.constant 0 : index
    %get3A_20 = vector.load %arg6[%get3A_18, %get3A_19] : memref<1x8xf32, #tpu.memory_space<vmem>>, vector<1x8xf32>
    %add3A_21 = vector.broadcast %get3A_20 : vector<1x8xf32> to vector<4000x8xf32>
    %add3A_22 = arith.addf %add3A_17, %add3A_21 : vector<4000x8xf32>
    %max3A = arith.constant 0.000000e+00 : f32
    %max3A_23 = vector.broadcast %max3A : f32 to vector<4000x8xf32>
    %max3A_24 = arith.maximumf %add3A_22, %max3A_23 : vector<4000x8xf32>
    %get3A_25 = arith.constant 0 : index
    %get3A_26 = arith.constant 0 : index
    %get3A_27 = vector.load %arg7[%get3A_25, %get3A_26] : memref<8x1xf32, #tpu.memory_space<vmem>>, vector<8x1xf32>
    %dot_general3A_28 = arith.constant dense<0.000000e+00> : vector<4000x1xf32>
    %dot_general3A_29 = tpu.matmul %max3A_24, %get3A_27, %dot_general3A_28 {dimension_numbers = #tpu.dot_dimension_numbers<[1], [0], [0], [1], [0, 0, 1, 1], [], []>, transpose_lhs_hint = false} : vector<4000x8xf32>, vector<8x1xf32>, vector<4000x1xf32> -> vector<4000x1xf32>
    %get3A_30 = arith.constant 0 : index
    %get3A_31 = arith.constant 0 : index
    %get3A_32 = vector.load %arg8[%get3A_30, %get3A_31] : memref<1x1xf32, #tpu.memory_space<vmem>>, vector<1x1xf32>
    %add3A_33 = vector.broadcast %get3A_32 : vector<1x1xf32> to vector<4000x1xf32>
    %add3A_34 = arith.addf %dot_general3A_29, %add3A_33 : vector<4000x1xf32>
    %swap3A = arith.constant 0 : index
    %swap3A_35 = arith.constant 0 : index
    %swap3A_36 = vector.load %arg11[%swap3A, %swap3A_35] : memref<4000x1xf32, #tpu.memory_space<vmem>>, vector<4000x1xf32>
    tpu.vector_store %arg11[%swap3A, %swap3A_35], %add3A_34 {strides = array<i32>} : memref<4000x1xf32, #tpu.memory_space<vmem>>, vector<4000x1xf32>,
    %reduce_sum3A = arith.constant dense<0.000000e+00> : vector<8xf32>
    %reduce_sum3A_37 = vector.multi_reduction <add>, %max3A_24, %reduce_sum3A [0] : vector<4000x8xf32> to vector<8xf32>
    %broadcast_in_dim3A = vector.shape_cast %reduce_sum3A_37 : vector<8xf32> to vector<1x8xf32>
    %eq3A = arith.constant 0 : i32
    %eq3A_38 = arith.cmpi eq, %arg0, %eq3A : i32
    %convert_element_type3A = arith.extui %eq3A_38 : i1 to i32
    %cond3A = arith.constant 0 : i32
    %cond3A_39 = arith.cmpi ne, %convert_element_type3A, %cond3A : i32
    scf.if %cond3A_39 {
      %swap3A_49 = arith.constant 0 : index
      %swap3A_50 = arith.constant 0 : index
      %swap3A_51 = vector.load %arg13[%swap3A_49, %swap3A_50] : memref<1x8xf32, #tpu.memory_space<vmem>>, vector<1x8xf32>
      tpu.vector_store %arg13[%swap3A_49, %swap3A_50], %broadcast_in_dim3A {strides = array<i32>} : memref<1x8xf32, #tpu.memory_space<vmem>>, vector<1x8xf32>,
    } else {
    }
    %gt3A = arith.constant 0 : i32
    %gt3A_40 = arith.cmpi sgt, %arg0, %gt3A : i32
    %convert_element_type3A_41 = arith.extui %gt3A_40 : i1 to i32
    %cond3A_42 = arith.constant 0 : i32
    %cond3A_43 = arith.cmpi ne, %convert_element_type3A_41, %cond3A_42 : i32
    scf.if %cond3A_43 {
      %get3A_49 = arith.constant 0 : index
      %get3A_50 = arith.constant 0 : index
      %get3A_51 = vector.load %arg13[%get3A_49, %get3A_50] : memref<1x8xf32, #tpu.memory_space<vmem>>, vector<1x8xf32>
      %add3A_52 = arith.addf %get3A_51, %broadcast_in_dim3A : vector<1x8xf32>
      %swap3A_53 = arith.constant 0 : index
      %swap3A_54 = arith.constant 0 : index
      %swap3A_55 = vector.load %arg13[%swap3A_53, %swap3A_54] : memref<1x8xf32, #tpu.memory_space<vmem>>, vector<1x8xf32>
      tpu.vector_store %arg13[%swap3A_53, %swap3A_54], %add3A_52 {strides = array<i32>} : memref<1x8xf32, #tpu.memory_space<vmem>>, vector<1x8xf32>,
    } else {
    }
    %eq3A_44 = arith.constant 24 : i32
    %eq3A_45 = arith.cmpi eq, %arg0, %eq3A_44 : i32
    %convert_element_type3A_46 = arith.extui %eq3A_45 : i1 to i32
    %cond3A_47 = arith.constant 0 : i32
    %cond3A_48 = arith.cmpi ne, %convert_element_type3A_46, %cond3A_47 : i32
    scf.if %cond3A_48 {
      %get3A_49 = arith.constant 0 : index
      %get3A_50 = arith.constant 0 : index
      %get3A_51 = vector.load %arg13[%get3A_49, %get3A_50] : memref<1x8xf32, #tpu.memory_space<vmem>>, vector<1x8xf32>
      %get3A_52 = arith.constant 0 : index
      %get3A_53 = arith.constant 0 : index
      %get3A_54 = vector.load %arg9[%get3A_52, %get3A_53] : memref<8x1xf32, #tpu.memory_space<vmem>>, vector<8x1xf32>
      %dot_general3A_55 = arith.constant dense<0.000000e+00> : vector<1x1xf32>
      %dot_general3A_56 = tpu.matmul %get3A_51, %get3A_54, %dot_general3A_55 {dimension_numbers = #tpu.dot_dimension_numbers<[1], [0], [0], [1], [0, 0, 1, 1], [], []>, transpose_lhs_hint = false} : vector<1x8xf32>, vector<8x1xf32>, vector<1x1xf32> -> vector<1x1xf32>
      %get3A_57 = arith.constant 0 : index
      %get3A_58 = arith.constant 0 : index
      %get3A_59 = vector.load %arg10[%get3A_57, %get3A_58] : memref<1x1xf32, #tpu.memory_space<vmem>>, vector<1x1xf32>
      %add3A_60 = arith.addf %dot_general3A_56, %get3A_59 : vector<1x1xf32>
      %swap3A_61 = arith.constant 0 : index
      %swap3A_62 = arith.constant 0 : index
      %swap3A_63 = vector.load %arg12[%swap3A_61, %swap3A_62] : memref<1x1xf32, #tpu.memory_space<vmem>>, vector<1x1xf32>
      tpu.vector_store %arg12[%swap3A_61, %swap3A_62], %add3A_60 {strides = array<i32>} : memref<1x1xf32, #tpu.memory_space<vmem>>, vector<1x1xf32>,
    } else {
    }
    return
  }
  func.func @transform_0(%arg0: i32) -> (i32, i32) {
    %c0_i32 = arith.constant 0 : i32
    %c0_i32_0 = arith.constant 0 : i32
    return %arg0, %c0_i32 : i32, i32
  }
  func.func @transform_1(%arg0: i32) -> (i32, i32) {
    %c0_i32 = arith.constant 0 : i32
    %c0_i32_0 = arith.constant 0 : i32
    return %arg0, %c0_i32 : i32, i32
  }
  func.func @transform_2(%arg0: i32) -> (i32, i32) {
    %add3A = arith.constant 25 : i32
    %add3A_0 = arith.addi %arg0, %add3A : i32
    %c0_i32 = arith.constant 0 : i32
    %c0_i32_1 = arith.constant 0 : i32
    return %add3A_0, %c0_i32 : i32, i32
  }
  func.func @transform_3(%arg0: i32) -> (i32, i32) {
    %c0_i32 = arith.constant 0 : i32
    %c0_i32_0 = arith.constant 0 : i32
    %c0_i32_1 = arith.constant 0 : i32
    return %c0_i32, %c0_i32_0 : i32, i32
  }
  func.func @transform_4(%arg0: i32) -> (i32, i32) {
    %c0_i32 = arith.constant 0 : i32
    %c0_i32_0 = arith.constant 0 : i32
    %c0_i32_1 = arith.constant 0 : i32
    return %c0_i32, %c0_i32_0 : i32, i32
  }
  func.func @transform_5(%arg0: i32) -> (i32, i32) {
    %c0_i32 = arith.constant 0 : i32
    %c0_i32_0 = arith.constant 0 : i32
    %c0_i32_1 = arith.constant 0 : i32
    return %c0_i32, %c0_i32_0 : i32, i32
  }
  func.func @transform_6(%arg0: i32) -> (i32, i32) {
    %c0_i32 = arith.constant 0 : i32
    %c0_i32_0 = arith.constant 0 : i32
    %c0_i32_1 = arith.constant 0 : i32
    return %c0_i32, %c0_i32_0 : i32, i32
  }
  func.func @transform_7(%arg0: i32) -> (i32, i32) {
    %c0_i32 = arith.constant 0 : i32
    %c0_i32_0 = arith.constant 0 : i32
    %c0_i32_1 = arith.constant 0 : i32
    return %c0_i32, %c0_i32_0 : i32, i32
  }
  func.func @transform_8(%arg0: i32) -> (i32, i32) {
    %c0_i32 = arith.constant 0 : i32
    %c0_i32_0 = arith.constant 0 : i32
    %c0_i32_1 = arith.constant 0 : i32
    return %c0_i32, %c0_i32_0 : i32, i32
  }
  func.func @transform_9(%arg0: i32) -> (i32, i32) {
    %c0_i32 = arith.constant 0 : i32
    %c0_i32_0 = arith.constant 0 : i32
    %c0_i32_1 = arith.constant 0 : i32
    return %c0_i32, %c0_i32_0 : i32, i32
  }
  func.func @transform_10(%arg0: i32) -> (i32, i32) {
    %c0_i32 = arith.constant 0 : i32
    %c0_i32_0 = arith.constant 0 : i32
    return %arg0, %c0_i32 : i32, i32
  }
  func.func @transform_11(%arg0: i32) -> (i32, i32) {
    %c0_i32 = arith.constant 0 : i32
    %c0_i32_0 = arith.constant 0 : i32
    %c0_i32_1 = arith.constant 0 : i32
    return %c0_i32, %c0_i32_0 : i32, i32
  }
}

</mosaic_0001>

<sc_bundles>
// kernel: kernel.6.cloned.1.call-start
scs
__scs_entry_jumppad:
0x0: {  	(pc) =	sbr.rel $0x88, $3  }
0x1: {  	(tag) =	ssettag $0x0;
	lr =	simm.s32 $0x1  }
0x2: {  	[smem:$0x3F8F] =	sst lr;
	_ =	strace $0xD0000000  }
0x3: {  	_ = 	snop  }
0x4: {  	_ = 	snop  }
0x5: {  	_ = 	snop  }
0x6: {  	_ = 	snop  }
0x7: {  	_ = 	snop  }
__scs_overlays_trampoline_lowered:
0x8: {  	[smem:$0x3F9E] =	sst s0  }
0x9: {  	[smem:$0x3F9F] =	sst s1  }
0xa: {  	[smem:$0x3FA0] =	sst s2  }
0xb: {  	[smem:$0x3FA1] =	sst s3  }
0xc: {  	[smem:$0x3FA2] =	sst s4  }
0xd: {  	[smem:$0x3FA3] =	sst s5  }
0xe: {  	[smem:$0x3FA4] =	sst s6  }
0xf: {  	[smem:$0x3FA5] =	sst s7  }
0x10: {  	[smem:$0x3FA6] =	sst s8  }
0x11: {  	[smem:$0x3FA7] =	sst s9;
	s0 =	simm.s32 @!p0 $0x0  }
0x12: {  	s1 =	sld [smem:$0x3F8D];
	s0 =	simm.s32 @p0 $0x1  }
0x13: {  	[smem:$0x3FA8] =	sst s0;
	s0 =	simm.s32 @!p1 $0x0  }
0x14: {  	s2 =	sld [smem:$0x3F8C];
	s0 =	simm.s32 @p1 $0x1  }
0x15: {  	[smem:$0x3FA9] =	sst s0;
	s0 =	simm.s32 @!p2 $0x0  }
0x16: {  	s3 =	sld [smem:$0x3FDB];
	s0 =	simm.s32 @p2 $0x1  }
0x17: {  	s4 =	simm.s32 $0x1BF5;
	[smem:$0x3FAB] =	sst s0  }
0x18: {  	s0 =	sld [smem:$0x3F8E];
	_ =	swait.ge [sflag:s4], $0x0  }
0x19: {  	s7 =	sld [smem:$0x3F8F]  }
0x1a: {  	s8 =	sadd.s32 $0xFFFFE003, lr  }
0x1b: {  	s9 =	sadd.s32 $0xFFFFFEF7, lr;
	s5 =	simm.s32 $0xFFFFFFFF;
	p2 =	slt.u32 s8, $0xFFFFF086  }
0x1c: {  	p1 =	slt.u32 s9, $0xF7A;
	s5 =	simm.s32 @!p2 $0x0  }
0x1d: {  	s5 =	simm.s32 @p1 $0x1;
	p0 =	seq.s32 s7, s2  }
0x1e: {  	s7 =	smul.u32 @!p0 $0xF7A, s2;
	p2 =	seq.s32 @!p0 s5, $0x0  }
0x1f: {  	s9 =	smul.u32 $0xF7A, s1;
	s8 =	simm.s32 @!p0 $0x1BF5;
	p2 =	por !p2, p0  }
0x20: {  	[sflag:s8] =	ssyncset.s32 @!p0 $0xFFFFF086;
	s6 =	sadd.s32 @!p0 s3, s7;
	s7 =	simm.s32 @!p0 $0x108  }
0x21: {  	s3 =	sadd.s32 s3, s9;
	s6 =	sadd.s32 @!p0 $0x88, s6;
	s7 =	simm.s32 @p2 $0x1082  }
0x22: {  	[simem:s7], [sflag:s8] =	dma.local @!p0 [hbm:s6], $0xF7A  }
0x23: {  	s9 =	sor.u32 $0xD0000000, s2;
	s6 =	simm.s32 $0x108;
	_ =	swait.ge @!p0 [sflag:s8], $0x0  }
0x24: {  	s3 =	sadd.s32 $0x88, s3;
	s6 =	simm.s32 @!p1 $0x1082;
	[sflag:s4] =	ssyncset.s32 $0xFFFFF086  }
0x25: {  	[simem:s6], [sflag:s4] =	dma.local [hbm:s3], $0xF7A  }
0x26: {  	[smem:$0x3F8F] =	sst s1;
	(tag) =	ssettag s2;
	_ =	strace s9  }
0x27: {  	s1 =	sld [smem:$0x3F9F]  }
0x28: {  	s2 =	sld [smem:$0x3FA0]  }
0x29: {  	s4 =	sld [smem:$0x3FA2]  }
0x2a: {  	p0 =	seq.s32 s5, $0x0;
	s5 =	sld [smem:$0x3FA3]  }
0x2b: {  	s6 =	sld [smem:$0x3FA4]  }
0x2c: {  	s7 =	sld [smem:$0x3FA5]  }
0x2d: {  	s3 =	simm.s32 $0x108;
	s8 =	sld [smem:$0x3FA6]  }
0x2e: {  	s3 =	simm.s32 @!p0 $0x1082;
	s9 =	sld [smem:$0x3FA7]  }
0x2f: {  	lr =	sadd.s32 s0, s3;
	s0 =	sld [smem:$0x3F9E]  }
0x30: {  	s3 =	sld [smem:$0x3FA1]  }
0x31: {  	[smem:$0x3FAA] =	sst s10  }
0x32: {  	s10 =	sld [smem:$0x3FA8];
	_ =	sdelay $0x3  }
0x33: {  	p0 =	seq.s32 s10, $0x1;
	s10 =	sld [smem:$0x3FAA];
	_ =	sdelay $0x3  }
0x34: {  	[smem:$0x3FAA] =	sst s10  }
0x35: {  	s10 =	sld [smem:$0x3FA9];
	_ =	sdelay $0x3  }
0x36: {  	p1 =	seq.s32 s10, $0x1;
	s10 =	sld [smem:$0x3FAA];
	_ =	sdelay $0x3  }
0x37: {  	[smem:$0x3FAA] =	sst s10  }
0x38: {  	s10 =	sld [smem:$0x3FAB]  }
0x39: {  	_ = 	snop;
	(pc) =	sbr.ind lr, $3  }
0x3a: {  	_ = 	snop  }
0x3b: {  	_ = 	snop  }
0x3c: {  	p2 =	seq.s32 s10, $0x1;
	s10 =	sld [smem:$0x3FAA]  }
0x3d: {  	_ =	shalt  }
0x3e: {  	_ =	shalt  }
0x3f: {  	_ =	shalt  }
0x40: {  	_ =	shalt  }
0x41: {  	_ =	shalt  }
0x42: {  	_ =	shalt  }
0x43: {  	_ =	shalt  }
0x44: {  	_ =	shalt  }
0x45: {  	_ =	shalt  }
0x46: {  	_ =	shalt  }
0x47: {  	_ =	shalt  }
0x48: {  	_ =	shalt  }
0x49: {  	_ =	shalt  }
0x4a: {  	_ =	shalt  }
0x4b: {  	_ =	shalt  }
0x4c: {  	_ =	shalt  }
0x4d: {  	_ =	shalt  }
0x4e: {  	_ =	shalt  }
0x4f: {  	_ =	shalt  }
0x50: {  	_ =	shalt  }
0x51: {  	_ =	shalt  }
0x52: {  	_ =	shalt  }
0x53: {  	_ =	shalt  }
0x54: {  	_ =	shalt  }
0x55: {  	_ =	shalt  }
0x56: {  	_ =	shalt  }
0x57: {  	_ =	shalt  }
0x58: {  	_ =	shalt  }
0x59: {  	_ =	shalt  }
0x5a: {  	_ =	shalt  }
0x5b: {  	_ =	shalt  }
0x5c: {  	_ =	shalt  }
0x5d: {  	_ =	shalt  }
0x5e: {  	_ =	shalt  }
0x5f: {  	_ =	shalt  }
0x60: {  	_ =	shalt  }
0x61: {  	_ =	shalt  }
0x62: {  	_ =	shalt  }
0x63: {  	_ =	shalt  }
0x64: {  	_ =	shalt  }
0x65: {  	_ =	shalt  }
0x66: {  	_ =	shalt  }
0x67: {  	_ =	shalt  }
0x68: {  	_ =	shalt  }
0x69: {  	_ =	shalt  }
0x6a: {  	_ =	shalt  }
0x6b: {  	_ =	shalt  }
0x6c: {  	_ =	shalt  }
0x6d: {  	_ =	shalt  }
0x6e: {  	_ =	shalt  }
0x6f: {  	_ =	shalt  }
0x70: {  	_ =	shalt  }
0x71: {  	_ =	shalt  }
0x72: {  	_ =	shalt  }
0x73: {  	_ =	shalt  }
0x74: {  	_ =	shalt  }
0x75: {  	_ =	shalt  }
0x76: {  	_ =	shalt  }
0x77: {  	_ =	shalt  }
0x78: {  	_ =	shalt  }
0x79: {  	_ =	shalt  }
0x7a: {  	_ =	shalt  }
0x7b: {  	_ =	shalt  }
0x7c: {  	_ =	shalt  }
0x7d: {  	_ =	shalt  }
0x7e: {  	_ =	shalt  }
0x7f: {  	_ =	shalt  }
0x80: {  	_ =	shalt  }
0x81: {  	_ =	shalt  }
0x82: {  	_ =	shalt  }
0x83: {  	_ =	shalt  }
0x84: {  	_ =	shalt  }
0x85: {  	_ =	shalt  }
0x86: {  	_ =	shalt  }
0x87: {  	_ =	shalt  }
.Lfunc_end0:
.L_simem_size_0:
called_computation_lowered:
.L_overlay_start_0:
0x88: {  	s2 =	sld [smem:$0x3FD9]  }
0x89: {  	s3 =	sld [smem:$0x3FFE];
	_ =	sdelay $0x1  }
0x8a: {  	s1 =	srdreg.scid  }
0x8b: {  	s0 =	sand.u32 $0x1, s1  }
0x8c: {  	s17 =	sshll.u32 s0, $0xA;
	s2 =	sadd.s32 s3, s2  }
0x8d: {  	s2 =	sadd.s32 s2, s17  }
0x8e: {  	[smem:$0x3FB6] =	sst s2  }
0x8f: {  	_ = 	snop  }
0x90: {  	s2 =	sld [smem:$0x3FC7]  }
0x91: {  	s18 =	sld [smem:$0x3FC6];
	(tm) =	ssettm $0x1  }
0x92: {  	s4 =	sld [smem:$0x3FFB];
	_ =	sdelay $0x3  }
0x93: {  	_ =	strace s4  }
0x94: {  	s4 =	sld [smem:$0x3FFC];
	_ =	sdelay $0x3  }
0x95: {  	_ =	strace s4  }
0x96: {  	s4 =	sld [smem:$0x3FFD];
	_ =	sdelay $0x3  }
0x97: {  	_ =	strace s4  }
0x98: {  	_ =	strace $0x8FFFFFFF  }
0x99: {  	s19 =	sld [smem:$0x3FDB];
	_ =	sdelay $0x1  }
0x9a: {  	s5 =	simm.s32 $_scs_section_size  }
0x9b: {  	s6 =	simm.s32 $_size__tile_overlayer_lowered;
	s7 =	simm.s32 $_tile_overlayer_lowered  }
0x9c: {  	s22 =	simm.s32 $0x1BFF;
	s21 =	sshll.u32 s7, $0x1;
	s4 =	sadd.s32 s5, s19  }
0x9d: {  	s8 =	simm.s32 $0x0;
	s20 =	sshll.u32 s6, $0x1;
	s6 =	sadd.s32 s21, s4  }
0x9e: {  	[timem:s8], [sflag:s22] =	dma.local [hbm:s6], s20  }
0x9f: {  	_ =	swait.ge [sflag:s22], s20  }
0xa0: {  	s5 =	ssub.s32 $0x0, s20;
	[sflag:s22] =	ssyncset.done $0x0  }
0xa1: {  	[sflag:s22] =	ssyncadd.s32 s5;
	_ =	sdelay $0x1  }
0xa2: {  	s23 =	simm.s32 $0x1B8B  }
0xa3: {  	_ =	swait.ge [sflag:s23], $0x1  }
0xa4: {  	[sflag:s23] =	ssyncset.done $0x0  }
0xa5: {  	s25 =	simm.s32 $0x1B8E;
	s24 =	sld [smem:$0x3FFE];
	[sflag:s23] =	ssyncadd.s32 $0xFFFFFFFF  }
0xa6: {  	s26 =	simm.s32 $execute0_lowered;
	[smem:$0x3FD2] =	sst s25  }
0xa7: {  	s6 =	sshll.u32 s26, $0x1;
	_ =	strace $0x80000046;
	[dreg:$0x1] =	wrdreg $0xFFFFFFFF  }
0xa8: {  	s28 =	simm.s32 $_size_execute0_lowered;
	s4 =	sadd.s32 s4, s6;
	[dreg:$0x0] =	wrdreg $0x0  }
0xa9: {  	s6 =	sshll.u32 s28, $0x1;
	[dreg:$0x2] =	wrdreg s4  }
0xaa: {  	[dreg:$0x3] =	wrdreg s6  }
0xab: {  	[dreg:$0x4] =	wrdreg $0xC0  }
0xac: {  	_ =	task [dreg:s8], $0x5FFFF  }
0xad: {  	[dreg:$0x1] =	wrdreg $0xFFFFFFFF  }
0xae: {  	[dreg:$0x0] =	wrdreg $0x60  }
0xaf: {  	[dreg:$0x2] =	wrdreg s24  }
0xb0: {  	[dreg:$0x3] =	wrdreg s2  }
0xb1: {  	[dreg:$0x4] =	wrdreg s18  }
0xb2: {  	[dreg:$0x5] =	wrdreg $0x0  }
0xb3: {  	[dreg:$0x6] =	wrdreg $0x9  }
0xb4: {  	_ =	task.clear_ibuf [dreg:s8], $0x7FFFF;
	_ =	strace $0x90000046  }
0xb5: {  	s29 =	simm.s32 $0x9;
	_ =	strace $0x80000048  }
0xb6: {  	_ =	swait.ge [sflag:s29], $0x1  }
0xb7: {  	[sflag:s29] =	ssyncadd.s32 $0xFFFFFFFF  }
0xb8: {  	_ =	strace $0x90000048  }
0xb9: {  	_ =	sfence  }
0xba: {  	s30 =	sld [smem:$0x0];
	_ =	sdelay $0x2  }
0xbb: {  	s31 =	sshll.u32 s1, $0xD;
	s1 =	sshrl.u32 s1, $0x2  }
0xbc: {  	s3 =	sand.u32 $0x4000, s31;
	s1 =	sadd.s32 s1, s30  }
0xbd: {  	s0 =	sor.u32 s3, s0;
	s1 =	sshll.u32 s1, $0x11  }
0xbe: {  	s0 =	sor.u32 s1, s0  }
0xbf: {  	s0 =	sadd.s32 $0x8F2B, s0  }
0xc0: {  	[sflag:s0] =	ssyncadd.remote.s32 $0x1  }
0xc1: {  	_ =	sfence.sel $0xFFFF  }
0xc2: {  	[dreg:$0x0] =	wrdreg $0xFFFFFFFF;
	(pc) =	sbr.abs _section_cstart, $3  }
0xc3: {  	[dreg:$0x1] =	wrdreg $0xFFFFFFFF  }
0xc4: {  	_ =	task.clear_ibuf [dreg:s8], $0x2FFFF;
	_ =	strace $0x9FFFFFFF  }
0xc5: {  	(tm) =	ssettm $0x7FFFFFFF  }
tec
execute0_lowered:
.L_overlay_start_1:
0x0: {  	(tag) =	ssettag $0x1  }
0x1: {  	s0 =	rddreg [dreg:$0x0]  }
0x2: {  	s1 =	rddreg [dreg:$0x1]  }
0x3: {  	s2 =	rddreg [dreg:$0x2]  }
0x4: {  	s4 =	rddreg [dreg:$0x3]  }
0x5: {  	s5 =	simm.s32 $0x0;
	s3 =	srdreg.scid;
	s18 =	stileid.u32  }
0x6: {  	s28 =	simm.s32 $0x1;
	s29 =	simm.s32 $0x80;
	s30 =	simm.s32 $0xC850  }
0x7: {  	s31 =	simm.s32 $0x3;
	[smem:$0x7FF] =	sst s5;
	s3 =	sand.u32 $0x1, s3  }
0x8: {  	s7 =	sshll.u32 s18, $0x1;
	s6 =	sadd.s32 $0x495E00, s0;
	s9 =	sadd.s32 $0x1A800, s0  }
0x9: {  	s12 =	smul.u32 $0x1900, s18;
	p0 =	sgt.u32 s18, $0x7;
	_ =	strace $0x80000047  }
0xa: {  	s8 =	sor.u32 s3, s7;
	s7 =	sadd.s32 $0x2000, s0;
	s10 =	smul.u32 $0x186A0, s3  }
0xb: {  	[dreg:$0x5] =	wrdreg s9;
	s3 =	ssub.s32 $0x2, s3;
	s14 =	smul.u32 $0x61A, s8  }
0xc: {  	s8 =	smin.u32 s8, $0x10;
	s11 =	sshrl.u32 s3, $0x1;
	s0 =	sadd.s32 s10, s0  }
0xd: {  	s3 =	ssub.s32 s3, s11;
	s10 =	smin.u32 s12, $0x16DA0;
	s8 =	sadd.s32 s8, s14  }
0xe: {  	s0 =	sadd.s32 $0x33000, s0;
	s3 =	smax.u32 s3, $0x1;
	s9 =	sshll.u32 s8, $0x4  }
0xf: {  	s16 =	sadd.s32 $0x1, s8;
	s17 =	sshll.u32 s8, $0x7;
	s21 =	sadd.s32 $0x61A, s8  }
0x10: {  	[dreg:$0xf] =	wrdreg s3;
	s3 =	sadd.s32 $0x960, s10;
	s15 =	sadd.s32 s1, s9  }
0x11: {  	s9 =	sadd.s32 s2, s9;
	s19 =	sshll.u32 s16, $0x4;
	s11 =	sshll.u32 s16, $0x7  }
0x12: {  	s23 =	sshll.u32 s21, $0x4;
	s24 =	sshll.u32 s21, $0x7;
	[dreg:$0x6] =	wrdreg s15  }
0x13: {  	s16 =	sadd.s32 $0x3, s8;
	[dreg:$0x7] =	wrdreg s9;
	s9 =	sadd.s32 s6, s17  }
0x14: {  	s20 =	sand.u32 $0x1FFFFFF0, s19;
	s11 =	sand.u32 $0x1FFFFF80, s11;
	s15 =	sadd.s32 $0x2, s8  }
0x15: {  	s26 =	sand.u32 $0x1FFFFF80, s24;
	[dreg:$0x8] =	wrdreg s9;
	s12 =	sadd.s32 s1, s20  }
0x16: {  	s19 =	sadd.s32 $0x15E0, s10;
	s9 =	sadd.s32 s2, s20;
	[dreg:$0x9] =	wrdreg s12  }
0x17: {  	s22 =	sadd.s32 s6, s11;
	s8 =	sadd.s32 s6, s26;
	[dreg:$0xa] =	wrdreg s9  }
0x18: {  	s11 =	sadd.s32 $0x320, s10;
	s26 =	sadd.s32 $0x640, s10;
	[dreg:$0xb] =	wrdreg s22  }
0x19: {  	s9 =	sand.u32 $0x1FFFFFF0, s23;
	[dreg:$0xe] =	wrdreg s8;
	s13 =	sshll.u32 s11, $0x3  }
0x1a: {  	s14 =	sshll.u32 s26, $0x3;
	s8 =	sadd.s32 $0xC80, s10;
	s12 =	sadd.s32 $0xFA0, s10  }
0x1b: {  	s26 =	sadd.s32 s26, s0;
	s25 =	sadd.s32 s1, s9;
	s9 =	sadd.s32 s2, s9  }
0x1c: {  	s22 =	sadd.s32 s13, s4;
	s23 =	sadd.s32 s14, s4;
	[dreg:$0x15] =	wrdreg s26  }
0x1d: {  	s13 =	sshll.u32 s3, $0x3;
	s14 =	sshll.u32 s8, $0x3;
	[dreg:$0xc] =	wrdreg s25  }
0x1e: {  	s17 =	sshll.u32 s12, $0x3;
	s3 =	sadd.s32 s3, s0;
	[dreg:$0xd] =	wrdreg s9  }
0x1f: {  	s9 =	sshll.u32 s10, $0x3;
	s25 =	sadd.s32 s17, s4;
	[dreg:$0x16] =	wrdreg s3  }
0x20: {  	s17 =	sadd.s32 $0x12C0, s10;
	s10 =	sadd.s32 s10, s0;
	[dreg:$0x1c] =	wrdreg s22  }
0x21: {  	s21 =	sadd.s32 s13, s4;
	s24 =	sadd.s32 s14, s4;
	[dreg:$0x13] =	wrdreg s10  }
0x22: {  	s13 =	simm.s32 $0xCC50;
	s14 =	simm.s32 $0xCCD0;
	[dreg:$0x11] =	wrdreg s24  }
0x23: {  	s20 =	sadd.s32 s9, s4;
	s9 =	sadd.s32 s11, s0;
	[dreg:$0x12] =	wrdreg s25  }
0x24: {  	s3 =	simm.s32 $0xD150;
	s10 =	sadd.s32 s8, s0;
	[dreg:$0x14] =	wrdreg s9  }
0x25: {  	s11 =	sadd.s32 s12, s0;
	s12 =	sshll.u32 s17, $0x3;
	[dreg:$0x17] =	wrdreg s10  }
0x26: {  	s17 =	sadd.s32 s17, s0;
	s0 =	sadd.s32 s19, s0;
	[dreg:$0x18] =	wrdreg s11  }
.Ltmp0:
0x27: {  	s19 =	sshll.u32 s19, $0x3;
	[dreg:$0x19] =	wrdreg s17;
	(pc) =	sbr.rel .LBB2_1-.Ltmp0, $4  }
0x28: {  	s18 =	smov.u32 s21;
	s21 =	simm.s32 $0xCD50;
	[dreg:$0x1a] =	wrdreg s0  }
0x29: {  	v1 =	vlaneseq.u32;
	s26 =	sadd.s32 s12, s4;
	s19 =	sadd.s32 s19, s4;
	s9 =	simm.s32 $0xD550  }
0x2a: {  	v0 =	vshrl.u32 v1, $0x3;
	s10 =	simm.s32 $0x5;
	s12 =	simm.s32 $0xC3D0;
	[dreg:$0x10] =	wrdreg s18  }
0x2b: {  	v1 =	vand.u32 $0x7, v1;
	v0 =	vmul.u32 $0x8, v0;
	s0 =	simm.s32 $0x2;
	s17 =	simm.s32 $0x0;
	[dreg:$0x1b] =	wrdreg s26  }
.LBB2_12:
0x2c: {  	[bflag:$0x0] =	sbarrier.arrive $0xFFFF  }
0x2d: {  	[tilespmem:s9], [sflag:$0x5] =	stream.linear.gather [spmem:s26], $0x1900, $0x38;
	[tilespmem:$0xEE50] =	vst v63  }
0x2e: {  	_ =	swait.ge [sflag:s10], $0x1900  }
0x2f: {  	[sflag:s10] =	ssyncset.done $0x0  }
0x30: {  	s8 =	rddreg [dreg:$0x13];
	[sflag:s10] =	ssyncadd.s32 $0xFFFFE700  }
0x31: {  	[hbm4b:s8+s5] =	stream.linear.scatter [tilespmem:s9], [sflag:$0x5], $0x1900, $0x38;
	[tilespmem:$0xEE50] =	vst v63  }
0x32: {  	_ =	swait.ge [sflag:s10], $0x1900  }
0x33: {  	[sflag:s10] =	ssyncset.done $0x0  }
0x34: {  	s22 =	rddreg [dreg:$0x1c];
	[sflag:s10] =	ssyncadd.s32 $0xFFFFE700  }
0x35: {  	[tilespmem:s9], [sflag:$0x5] =	stream.linear.gather [spmem:s22], $0x1900, $0x38;
	[tilespmem:$0xEE50] =	vst v63  }
0x36: {  	_ =	swait.ge [sflag:s10], $0x1900  }
0x37: {  	[sflag:s10] =	ssyncset.done $0x0  }
0x38: {  	s11 =	rddreg [dreg:$0x14];
	[sflag:s10] =	ssyncadd.s32 $0xFFFFE700  }
0x39: {  	[hbm4b:s11+s5] =	stream.linear.scatter [tilespmem:s9], [sflag:$0x5], $0x1900, $0x38;
	[tilespmem:$0xEE50] =	vst v63  }
0x3a: {  	_ =	swait.ge [sflag:s10], $0x1900  }
0x3b: {  	[sflag:s10] =	ssyncset.done $0x0  }
0x3c: {  	[sflag:s10] =	ssyncadd.s32 $0xFFFFE700  }
0x3d: {  	[tilespmem:s9], [sflag:$0x5] =	stream.linear.gather [spmem:s23], $0x1900, $0x38;
	[tilespmem:$0xEE50] =	vst v63  }
0x3e: {  	_ =	swait.ge [sflag:s10], $0x1900  }
0x3f: {  	[sflag:s10] =	ssyncset.done $0x0  }
0x40: {  	s18 =	rddreg [dreg:$0x15];
	[sflag:s10] =	ssyncadd.s32 $0xFFFFE700  }
0x41: {  	[hbm4b:s18+s5] =	stream.linear.scatter [tilespmem:s9], [sflag:$0x5], $0x1900, $0x38;
	[tilespmem:$0xEE50] =	vst v63  }
0x42: {  	_ =	swait.ge [sflag:s10], $0x1900  }
0x43: {  	[sflag:s10] =	ssyncset.done $0x0  }
0x44: {  	s18 =	rddreg [dreg:$0x10];
	[sflag:s10] =	ssyncadd.s32 $0xFFFFE700  }
0x45: {  	[tilespmem:s9], [sflag:$0x5] =	stream.linear.gather [spmem:s18], $0x1900, $0x38;
	[tilespmem:$0xEE50] =	vst v63  }
0x46: {  	_ =	swait.ge [sflag:s10], $0x1900  }
0x47: {  	[sflag:s10] =	ssyncset.done $0x0  }
0x48: {  	s24 =	rddreg [dreg:$0x16];
	[sflag:s10] =	ssyncadd.s32 $0xFFFFE700  }
0x49: {  	[hbm4b:s24+s5] =	stream.linear.scatter [tilespmem:s9], [sflag:$0x5], $0x1900, $0x38;
	[tilespmem:$0xEE50] =	vst v63  }
0x4a: {  	_ =	swait.ge [sflag:s10], $0x1900  }
0x4b: {  	[sflag:s10] =	ssyncset.done $0x0  }
0x4c: {  	s24 =	rddreg [dreg:$0x11];
	[sflag:s10] =	ssyncadd.s32 $0xFFFFE700  }
0x4d: {  	[tilespmem:s9], [sflag:$0x5] =	stream.linear.gather [spmem:s24], $0x1900, $0x38;
	[tilespmem:$0xEE50] =	vst v63  }
0x4e: {  	_ =	swait.ge [sflag:s10], $0x1900  }
0x4f: {  	[sflag:s10] =	ssyncset.done $0x0  }
0x50: {  	s25 =	rddreg [dreg:$0x17];
	[sflag:s10] =	ssyncadd.s32 $0xFFFFE700  }
0x51: {  	[hbm4b:s25+s5] =	stream.linear.scatter [tilespmem:s9], [sflag:$0x5], $0x1900, $0x38;
	[tilespmem:$0xEE50] =	vst v63  }
0x52: {  	_ =	swait.ge [sflag:s10], $0x1900  }
0x53: {  	[sflag:s10] =	ssyncset.done $0x0  }
0x54: {  	s25 =	rddreg [dreg:$0x12];
	[sflag:s10] =	ssyncadd.s32 $0xFFFFE700  }
0x55: {  	[tilespmem:s9], [sflag:$0x5] =	stream.linear.gather [spmem:s25], $0x1900, $0x38;
	[tilespmem:$0xEE50] =	vst v63  }
0x56: {  	_ =	swait.ge [sflag:s10], $0x1900  }
0x57: {  	[sflag:s10] =	ssyncset.done $0x0  }
0x58: {  	s20 =	smov.u32 s26;
	s26 =	rddreg [dreg:$0x18];
	[sflag:s10] =	ssyncadd.s32 $0xFFFFE700  }
0x59: {  	[hbm4b:s26+s5] =	stream.linear.scatter [tilespmem:s9], [sflag:$0x5], $0x1900, $0x38;
	[tilespmem:$0xEE50] =	vst v63  }
0x5a: {  	_ =	swait.ge [sflag:s10], $0x1900  }
0x5b: {  	[sflag:s10] =	ssyncset.done $0x0  }
0x5c: {  	s26 =	rddreg [dreg:$0x1b];
	[sflag:s10] =	ssyncadd.s32 $0xFFFFE700  }
0x5d: {  	[tilespmem:s9], [sflag:$0x5] =	stream.linear.gather [spmem:s26], $0x1900, $0x38;
	[tilespmem:$0xEE50] =	vst v63  }
0x5e: {  	_ =	swait.ge [sflag:s10], $0x1900  }
0x5f: {  	[sflag:s10] =	ssyncset.done $0x0  }
0x60: {  	s11 =	rddreg [dreg:$0x19];
	[sflag:s10] =	ssyncadd.s32 $0xFFFFE700  }
0x61: {  	[hbm4b:s11+s5] =	stream.linear.scatter [tilespmem:s9], [sflag:$0x5], $0x1900, $0x38;
	[tilespmem:$0xEE50] =	vst v63  }
0x62: {  	_ =	swait.ge [sflag:s10], $0x1900  }
0x63: {  	[sflag:s10] =	ssyncset.done $0x0  }
0x64: {  	[sflag:s10] =	ssyncadd.s32 $0xFFFFE700  }
0x65: {  	[tilespmem:s9], [sflag:$0x5] =	stream.linear.gather [spmem:s19], $0x1900, $0x38;
	[tilespmem:$0xEE50] =	vst v63  }
0x66: {  	_ =	swait.ge [sflag:s10], $0x1900  }
0x67: {  	[sflag:s10] =	ssyncset.done $0x0  }
0x68: {  	s11 =	rddreg [dreg:$0x1a];
	[sflag:s10] =	ssyncadd.s32 $0xFFFFE700  }
0x69: {  	[hbm4b:s11+s5] =	stream.linear.scatter [tilespmem:s9], [sflag:$0x5], $0x1900, $0x38;
	[tilespmem:$0xEE50] =	vst v63  }
0x6a: {  	_ =	swait.ge [sflag:s10], $0x1900  }
0x6b: {  	s17 =	sadd.s32 $0x1, s17;
	s11 =	rddreg [dreg:$0xf]  }
0x6c: {  	p1 =	sne.s32 s17, s11  }
.Ltmp1:
0x6d: {  	_ = 	snop;
	(pc) =	sbr.rel @!p1 .LBB2_13-.Ltmp1, $3  }
0x6e: {  	_ =	sdelay $0x1  }
0x6f: {  	[sflag:s10] =	ssyncset.done $0x0  }
0x70: {  	[sflag:s10] =	ssyncadd.s32 $0xFFFFE700  }
.LBB2_1:
0x71: {  	s11 =	rddreg [dreg:$0x5]  }
0x72: {  	[tilespmem:s9], [sflag:$0x5] =	stream.linear.gather [hbm4b:s11+s5], $0x1900, $0x38;
	[tilespmem:$0xEE50] =	vst v63  }
0x73: {  	_ =	swait.ge [sflag:s10], $0x1900  }
0x74: {  	[sflag:s10] =	ssyncset.done $0x0  }
0x75: {  	[sflag:s10] =	ssyncadd.s32 $0xFFFFE700  }
0x76: {  	[spmem:s20] =	stream.linear.scatter [tilespmem:s9], [sflag:$0x5], $0x1900, $0x38;
	[tilespmem:$0xEE50] =	vst v63  }
0x77: {  	_ =	swait.ge [sflag:s10], $0x1900  }
0x78: {  	[sflag:s10] =	ssyncset.done $0x0  }
0x79: {  	[sflag:s10] =	ssyncadd.s32 $0xFFFFE700  }
0x7a: {  	[spmem:s22] =	stream.linear.scatter [tilespmem:s9], [sflag:$0x5], $0x1900, $0x38;
	[tilespmem:$0xEE50] =	vst v63  }
0x7b: {  	_ =	swait.ge [sflag:s10], $0x1900  }
0x7c: {  	[sflag:s10] =	ssyncset.done $0x0  }
0x7d: {  	[sflag:s10] =	ssyncadd.s32 $0xFFFFE700  }
0x7e: {  	[spmem:s23] =	stream.linear.scatter [tilespmem:s9], [sflag:$0x5], $0x1900, $0x38;
	[tilespmem:$0xEE50] =	vst v63  }
0x7f: {  	_ =	swait.ge [sflag:s10], $0x1900  }
0x80: {  	[sflag:s10] =	ssyncset.done $0x0  }
0x81: {  	[sflag:s10] =	ssyncadd.s32 $0xFFFFE700  }
0x82: {  	[spmem:s18] =	stream.linear.scatter [tilespmem:s9], [sflag:$0x5], $0x1900, $0x38;
	[tilespmem:$0xEE50] =	vst v63  }
0x83: {  	_ =	swait.ge [sflag:s10], $0x1900  }
0x84: {  	[sflag:s10] =	ssyncset.done $0x0  }
0x85: {  	[sflag:s10] =	ssyncadd.s32 $0xFFFFE700  }
0x86: {  	[spmem:s24] =	stream.linear.scatter [tilespmem:s9], [sflag:$0x5], $0x1900, $0x38;
	[tilespmem:$0xEE50] =	vst v63  }
0x87: {  	_ =	swait.ge [sflag:s10], $0x1900  }
0x88: {  	[sflag:s10] =	ssyncset.done $0x0  }
0x89: {  	[sflag:s10] =	ssyncadd.s32 $0xFFFFE700  }
0x8a: {  	[spmem:s25] =	stream.linear.scatter [tilespmem:s9], [sflag:$0x5], $0x1900, $0x38;
	[tilespmem:$0xEE50] =	vst v63  }
0x8b: {  	_ =	swait.ge [sflag:s10], $0x1900  }
0x8c: {  	[sflag:s10] =	ssyncset.done $0x0  }
0x8d: {  	s11 =	smov.u32 s26;
	[sflag:s10] =	ssyncadd.s32 $0xFFFFE700  }
0x8e: {  	[spmem:s11] =	stream.linear.scatter [tilespmem:s9], [sflag:$0x5], $0x1900, $0x38;
	[tilespmem:$0xEE50] =	vst v63  }
0x8f: {  	_ =	swait.ge [sflag:s10], $0x1900  }
0x90: {  	[sflag:s10] =	ssyncset.done $0x0  }
0x91: {  	[sflag:s10] =	ssyncadd.s32 $0xFFFFE700  }
0x92: {  	[spmem:s19] =	stream.linear.scatter [tilespmem:s9], [sflag:$0x5], $0x1900, $0x38;
	[tilespmem:$0xEE50] =	vst v63  }
0x93: {  	_ =	swait.ge [sflag:s10], $0x1900  }
0x94: {  	[sflag:s10] =	ssyncset.done $0x0  }
0x95: {  	[sflag:s10] =	ssyncadd.s32 $0xFFFFE700  }
0x96: {  	[bflag:$0x0] =	sbarrier.arrive $0xFFFF  }
0x97: {  	s18 =	simm.s32 $0xC350;
	s24 =	rddreg [dreg:$0x6]  }
0x98: {  	[tilespmem:s18], [sflag:$0x1] =	stream.linear.gather [hbm4b:s24+s5], $0x80, $0x38;
	[tilespmem:$0xEE50] =	vst v63  }
0x99: {  	s25 =	rddreg [dreg:$0x7]  }
0x9a: {  	[tilespmem:s12], [sflag:$0x1] =	stream.linear.gather [hbm4b:s25+s5], $0x80, $0x38;
	[tilespmem:$0xEE50] =	vst v63  }
0x9b: {  	s26 =	smov.u32 s20;
	s22 =	simm.s32 $0xC450;
	s20 =	rddreg [dreg:$0x8]  }
0x9c: {  	[tilespmem:s22], [sflag:$0x1] =	stream.linear.gather [hbm4b:s20+s5], $0x400, $0x38;
	[tilespmem:$0xEE50] =	vst v63  }
0x9d: {  	s8 =	smov.u32 s23;
	s23 =	rddreg [dreg:$0x9]  }
0x9e: {  	[tilespmem:s13], [sflag:$0x2] =	stream.linear.gather [hbm4b:s23+s5], $0x80, $0x38;
	[tilespmem:$0xEE50] =	vst v63  }
0x9f: {  	s24 =	rddreg [dreg:$0xa]  }
0xa0: {  	[tilespmem:s14], [sflag:$0x2] =	stream.linear.gather [hbm4b:s24+s5], $0x80, $0x38;
	[tilespmem:$0xEE50] =	vst v63  }
0xa1: {  	s25 =	rddreg [dreg:$0xb]  }
0xa2: {  	[tilespmem:s21], [sflag:$0x2] =	stream.linear.gather [hbm4b:s25+s5], $0x400, $0x38;
	[tilespmem:$0xEE50] =	vst v63  }
0xa3: {  	_ =	swait.ge [sflag:s28], $0x80  }
0xa4: {  	[sflag:s28] =	ssyncset.done $0x0  }
0xa5: {  	[sflag:s28] =	ssyncadd.s32 $0xFFFFFF80  }
0xa6: {  	_ =	swait.ge [sflag:s28], $0x80  }
0xa7: {  	[sflag:s28] =	ssyncset.done $0x0  }
0xa8: {  	[sflag:s28] =	ssyncadd.s32 $0xFFFFFF80  }
0xa9: {  	_ =	swait.ge [sflag:s28], $0x400  }
0xaa: {  	[sflag:s28] =	ssyncset.done $0x0  }
0xab: {  	[sflag:s28] =	ssyncadd.s32 $0xFFFFFC00  }
0xac: {  	[tilespmem:s30], [sflag:$0x3] =	stream.indirect.gather [hbm4b:s7+s29], $0x8, s18, s29, $0xb8;
	[tilespmem:$0xEE50] =	vst v63  }
0xad: {  	s23 =	smov.u32 s19;
	s18 =	simm.s32 $0x0  }
.LBB2_2:
0xae: {  	_ =	swait.ge [sflag:s31], $0x400  }
0xaf: {  	[sflag:s31] =	ssyncset.done $0x0  }
0xb0: {  	[sflag:s31] =	ssyncadd.s32 $0xFFFFFC00  }
0xb1: {  	_ =	swait.ge [sflag:s0], $0x80  }
0xb2: {  	s11 =	simm.s32 $0x0;
	[sflag:s0] =	ssyncset.done $0x0  }
0xb3: {  	v2 =	vmov s11;
	[sflag:s0] =	ssyncadd.s32 $0xFFFFFF80  }
0xb4: {  	v2 =	vshll.u32 v2, $0x3;
	_ =	swait.ge [sflag:s0], $0x80  }
0xb5: {  	v2 =	vor.u32 v0, v2;
	[sflag:s0] =	ssyncset.done $0x0  }
0xb6: {  	v2 =	vor.u32 v1, v2;
	[sflag:s0] =	ssyncadd.s32 $0xFFFFFF80  }
0xb7: {  	_ =	swait.ge [sflag:s0], $0x400  }
0xb8: {  	[sflag:s0] =	ssyncset.done $0x0  }
0xb9: {  	[sflag:s0] =	ssyncadd.s32 $0xFFFFFC00  }
0xba: {  	[tilespmem:s3], [sflag:$0x4] =	stream.indirect.gather [hbm4b:s7+s29], $0x8, s13, s29, $0xb8;
	[tilespmem:$0xEE50] =	vst v63  }
0xbb: {  	s11 =	simm.s32 $0xC490;
	v3 =	vld.idx.msk [tilespmem:v2+s30+$0x0], $0xffff  }
0xbc: {  	s20 =	simm.s32 $0x2;
	v4 =	vld [tilespmem:s11+$0xFFFFFFC0]  }
0xbd: {  	v5 =	vmov s20  }
0xbe: {  	v5 =	vshll.u32 v5, $0x3  }
0xbf: {  	v5 =	vor.u32 v0, v5  }
0xc0: {  	v5 =	vor.u32 v1, v5  }
0xc1: {  	v3 =	vadd.f32 v3, v4;
	_ =	sdelay $0x1  }
0xc2: {  	v3 =	vmax.f32 v3, $0.0e+00  }
0xc3: {  	[tilespmem:v2+s30+$0x0] =	vst.idx.msk $0xffff, v3  }
0xc4: {  	v2 =	vld.idx.msk [tilespmem:v5+s30+$0x0], $0xffff  }
0xc5: {  	s24 =	simm.s32 $0x4;
	v3 =	vld [tilespmem:s11+$0xFFFFFFD0]  }
0xc6: {  	v4 =	vmov s24  }
0xc7: {  	v4 =	vshll.u32 v4, $0x3  }
0xc8: {  	v4 =	vor.u32 v0, v4  }
0xc9: {  	v4 =	vor.u32 v1, v4  }
0xca: {  	v2 =	vadd.f32 v2, v3;
	_ =	sdelay $0x1  }
0xcb: {  	v2 =	vmax.f32 v2, $0.0e+00  }
0xcc: {  	[tilespmem:v5+s30+$0x0] =	vst.idx.msk $0xffff, v2  }
0xcd: {  	v2 =	vld.idx.msk [tilespmem:v4+s30+$0x0], $0xffff  }
0xce: {  	s25 =	simm.s32 $0x6;
	v3 =	vld [tilespmem:s11+$0xFFFFFFE0]  }
0xcf: {  	v5 =	vmov s25  }
0xd0: {  	v5 =	vshll.u32 v5, $0x3  }
0xd1: {  	v5 =	vor.u32 v0, v5  }
0xd2: {  	v5 =	vor.u32 v1, v5  }
0xd3: {  	v2 =	vadd.f32 v2, v3;
	_ =	sdelay $0x1  }
0xd4: {  	v2 =	vmax.f32 v2, $0.0e+00  }
0xd5: {  	[tilespmem:v4+s30+$0x0] =	vst.idx.msk $0xffff, v2  }
0xd6: {  	v2 =	vld.idx.msk [tilespmem:v5+s30+$0x0], $0xffff  }
0xd7: {  	s22 =	simm.s32 $0x8;
	v3 =	vld [tilespmem:s11+$0xFFFFFFF0]  }
0xd8: {  	v4 =	vmov s22  }
0xd9: {  	v4 =	vshll.u32 v4, $0x3  }
0xda: {  	v4 =	vor.u32 v0, v4  }
0xdb: {  	v4 =	vor.u32 v1, v4  }
0xdc: {  	v2 =	vadd.f32 v2, v3;
	_ =	sdelay $0x1  }
0xdd: {  	v2 =	vmax.f32 v2, $0.0e+00  }
0xde: {  	[tilespmem:v5+s30+$0x0] =	vst.idx.msk $0xffff, v2  }
0xdf: {  	v2 =	vld.idx.msk [tilespmem:v4+s30+$0x0], $0xffff  }
0xe0: {  	s19 =	smov.u32 s23;
	s23 =	simm.s32 $0xA;
	v3 =	vld [tilespmem:s11+$0x0]  }
0xe1: {  	v5 =	vmov s23  }
0xe2: {  	v5 =	vshll.u32 v5, $0x3  }
0xe3: {  	v5 =	vor.u32 v0, v5  }
0xe4: {  	v5 =	vor.u32 v1, v5  }
0xe5: {  	v2 =	vadd.f32 v2, v3;
	_ =	sdelay $0x1  }
0xe6: {  	v2 =	vmax.f32 v2, $0.0e+00  }
0xe7: {  	[tilespmem:v4+s30+$0x0] =	vst.idx.msk $0xffff, v2  }
0xe8: {  	v2 =	vld.idx.msk [tilespmem:v5+s30+$0x0], $0xffff  }
0xe9: {  	s24 =	simm.s32 $0xC;
	v3 =	vld [tilespmem:s11+$0x10]  }
0xea: {  	v4 =	vmov s24  }
0xeb: {  	v4 =	vshll.u32 v4, $0x3  }
0xec: {  	v4 =	vor.u32 v0, v4  }
0xed: {  	v4 =	vor.u32 v1, v4  }
0xee: {  	v2 =	vadd.f32 v2, v3;
	_ =	sdelay $0x1  }
0xef: {  	v2 =	vmax.f32 v2, $0.0e+00  }
0xf0: {  	[tilespmem:v5+s30+$0x0] =	vst.idx.msk $0xffff, v2  }
0xf1: {  	v2 =	vld.idx.msk [tilespmem:v4+s30+$0x0], $0xffff  }
0xf2: {  	s25 =	simm.s32 $0xE;
	v5 =	vld [tilespmem:s11+$0x20]  }
0xf3: {  	v3 =	vmov s25  }
0xf4: {  	v3 =	vshll.u32 v3, $0x3  }
0xf5: {  	v3 =	vor.u32 v0, v3  }
0xf6: {  	v3 =	vor.u32 v1, v3  }
0xf7: {  	v2 =	vadd.f32 v2, v5;
	_ =	sdelay $0x1  }
0xf8: {  	v2 =	vmax.f32 v2, $0.0e+00  }
0xf9: {  	[tilespmem:v4+s30+$0x0] =	vst.idx.msk $0xffff, v2  }
0xfa: {  	v2 =	vld.idx.msk [tilespmem:v3+s30+$0x0], $0xffff  }
0xfb: {  	v4 =	vld [tilespmem:s11+$0x30];
	_ =	sdelay $0x1  }
0xfc: {  	s20 =	simm.s32 $0x10  }
0xfd: {  	v5 =	vmov s20  }
0xfe: {  	v5 =	vshll.u32 v5, $0x3  }
0xff: {  	v4 =	vadd.f32 v2, v4;
	v2 =	vor.u32 v0, v5  }
0x100: {  	v2 =	vor.u32 v1, v2;
	_ =	sdelay $0x2  }
0x101: {  	s22 =	simm.s32 $0x8;
	v4 =	vmax.f32 v4, $0.0e+00  }
.LBB2_3:
0x102: {  	s22 =	sadd.s32 $0x8, s22;
	[tilespmem:v3+s30+$0x0] =	vst.idx.msk $0xffff, v4;
	s11 =	sadd.s32 $0x80, s11  }
0x103: {  	p1 =	slt.u32 s22, $0x38;
	v3 =	vld.idx.msk [tilespmem:v2+s30+$0x0], $0xffff  }
0x104: {  	s23 =	sadd.s32 $0x2, s20;
	v4 =	vld [tilespmem:s11+$0xFFFFFFC0]  }
0x105: {  	v5 =	vmov s23  }
0x106: {  	v5 =	vshll.u32 v5, $0x3  }
0x107: {  	v5 =	vor.u32 v0, v5  }
0x108: {  	v5 =	vor.u32 v1, v5  }
0x109: {  	v3 =	vadd.f32 v3, v4;
	_ =	sdelay $0x1  }
0x10a: {  	v3 =	vmax.f32 v3, $0.0e+00  }
0x10b: {  	[tilespmem:v2+s30+$0x0] =	vst.idx.msk $0xffff, v3  }
0x10c: {  	v2 =	vld.idx.msk [tilespmem:v5+s30+$0x0], $0xffff  }
0x10d: {  	s23 =	sadd.s32 $0x4, s20;
	v3 =	vld [tilespmem:s11+$0xFFFFFFD0]  }
0x10e: {  	v4 =	vmov s23  }
0x10f: {  	v4 =	vshll.u32 v4, $0x3  }
0x110: {  	v4 =	vor.u32 v0, v4  }
0x111: {  	v4 =	vor.u32 v1, v4  }
0x112: {  	v2 =	vadd.f32 v2, v3;
	_ =	sdelay $0x1  }
0x113: {  	v2 =	vmax.f32 v2, $0.0e+00  }
0x114: {  	[tilespmem:v5+s30+$0x0] =	vst.idx.msk $0xffff, v2  }
0x115: {  	v2 =	vld.idx.msk [tilespmem:v4+s30+$0x0], $0xffff  }
0x116: {  	s23 =	sadd.s32 $0x6, s20;
	v3 =	vld [tilespmem:s11+$0xFFFFFFE0]  }
0x117: {  	v5 =	vmov s23  }
0x118: {  	v5 =	vshll.u32 v5, $0x3  }
0x119: {  	v5 =	vor.u32 v0, v5  }
0x11a: {  	v5 =	vor.u32 v1, v5  }
0x11b: {  	v2 =	vadd.f32 v2, v3;
	_ =	sdelay $0x1  }
0x11c: {  	v2 =	vmax.f32 v2, $0.0e+00  }
0x11d: {  	[tilespmem:v4+s30+$0x0] =	vst.idx.msk $0xffff, v2  }
0x11e: {  	v2 =	vld.idx.msk [tilespmem:v5+s30+$0x0], $0xffff  }
0x11f: {  	s23 =	sadd.s32 $0x8, s20;
	v3 =	vld [tilespmem:s11+$0xFFFFFFF0]  }
0x120: {  	v4 =	vmov s23  }
0x121: {  	v4 =	vshll.u32 v4, $0x3  }
0x122: {  	v4 =	vor.u32 v0, v4  }
0x123: {  	v4 =	vor.u32 v1, v4  }
0x124: {  	v2 =	vadd.f32 v2, v3;
	_ =	sdelay $0x1  }
0x125: {  	v2 =	vmax.f32 v2, $0.0e+00  }
0x126: {  	[tilespmem:v5+s30+$0x0] =	vst.idx.msk $0xffff, v2  }
0x127: {  	v2 =	vld.idx.msk [tilespmem:v4+s30+$0x0], $0xffff  }
0x128: {  	s23 =	sadd.s32 $0xA, s20;
	v3 =	vld [tilespmem:s11+$0x0]  }
0x129: {  	v5 =	vmov s23  }
0x12a: {  	v5 =	vshll.u32 v5, $0x3  }
0x12b: {  	v5 =	vor.u32 v0, v5  }
0x12c: {  	v5 =	vor.u32 v1, v5  }
0x12d: {  	v2 =	vadd.f32 v2, v3;
	_ =	sdelay $0x1  }
0x12e: {  	v2 =	vmax.f32 v2, $0.0e+00  }
0x12f: {  	[tilespmem:v4+s30+$0x0] =	vst.idx.msk $0xffff, v2  }
0x130: {  	v2 =	vld.idx.msk [tilespmem:v5+s30+$0x0], $0xffff  }
0x131: {  	s23 =	sadd.s32 $0xC, s20;
	v3 =	vld [tilespmem:s11+$0x10]  }
0x132: {  	v4 =	vmov s23  }
0x133: {  	v4 =	vshll.u32 v4, $0x3  }
0x134: {  	v4 =	vor.u32 v0, v4  }
0x135: {  	v4 =	vor.u32 v1, v4  }
0x136: {  	v2 =	vadd.f32 v2, v3;
	_ =	sdelay $0x1  }
0x137: {  	v2 =	vmax.f32 v2, $0.0e+00  }
0x138: {  	[tilespmem:v5+s30+$0x0] =	vst.idx.msk $0xffff, v2  }
0x139: {  	v2 =	vld.idx.msk [tilespmem:v4+s30+$0x0], $0xffff  }
0x13a: {  	s23 =	sadd.s32 $0xE, s20;
	v5 =	vld [tilespmem:s11+$0x20]  }
0x13b: {  	v3 =	vmov s23  }
0x13c: {  	v3 =	vshll.u32 v3, $0x3  }
0x13d: {  	v3 =	vor.u32 v0, v3  }
0x13e: {  	v3 =	vor.u32 v1, v3  }
0x13f: {  	v2 =	vadd.f32 v2, v5;
	_ =	sdelay $0x1  }
0x140: {  	v2 =	vmax.f32 v2, $0.0e+00  }
0x141: {  	[tilespmem:v4+s30+$0x0] =	vst.idx.msk $0xffff, v2  }
0x142: {  	v4 =	vld.idx.msk [tilespmem:v3+s30+$0x0], $0xffff  }
0x143: {  	s20 =	sadd.s32 $0x10, s20;
	v5 =	vld [tilespmem:s11+$0x30]  }
0x144: {  	v2 =	vmov s20  }
0x145: {  	v2 =	vshll.u32 v2, $0x3  }
.Ltmp2:
0x146: {  	v2 =	vor.u32 v0, v2;
	(pc) =	sbr.rel @p1 .LBB2_3-.Ltmp2, $3  }
0x147: {  	v2 =	vor.u32 v1, v2  }
0x148: {  	v4 =	vadd.f32 v4, v5;
	_ =	sdelay $0x1  }
0x149: {  	v4 =	vmax.f32 v4, $0.0e+00  }
0x14a: {  	_ =	sdelay $0x3  }
0x14b: {  	[tilespmem:v3+s30+$0x0] =	vst.idx.msk $0xffff, v4  }
0x14c: {  	s11 =	sadd.s32 $0x80, s11;
	v3 =	vld.idx.msk [tilespmem:v2+s30+$0x0], $0xffff  }
0x14d: {  	s22 =	sadd.s32 $0x2, s20;
	v4 =	vld [tilespmem:s11+$0xFFFFFFC0]  }
0x14e: {  	v5 =	vmov s22  }
0x14f: {  	v5 =	vshll.u32 v5, $0x3  }
0x150: {  	v5 =	vor.u32 v0, v5  }
0x151: {  	v5 =	vor.u32 v1, v5  }
0x152: {  	v3 =	vadd.f32 v3, v4;
	_ =	sdelay $0x1  }
0x153: {  	v3 =	vmax.f32 v3, $0.0e+00  }
0x154: {  	[tilespmem:v2+s30+$0x0] =	vst.idx.msk $0xffff, v3  }
0x155: {  	v2 =	vld.idx.msk [tilespmem:v5+s30+$0x0], $0xffff  }
0x156: {  	s24 =	sadd.s32 $0x4, s20;
	v3 =	vld [tilespmem:s11+$0xFFFFFFD0]  }
0x157: {  	v4 =	vmov s24  }
0x158: {  	v4 =	vshll.u32 v4, $0x3  }
0x159: {  	v4 =	vor.u32 v0, v4  }
0x15a: {  	v4 =	vor.u32 v1, v4  }
0x15b: {  	v2 =	vadd.f32 v2, v3;
	_ =	sdelay $0x1  }
0x15c: {  	v2 =	vmax.f32 v2, $0.0e+00  }
0x15d: {  	[tilespmem:v5+s30+$0x0] =	vst.idx.msk $0xffff, v2  }
0x15e: {  	v2 =	vld.idx.msk [tilespmem:v4+s30+$0x0], $0xffff  }
0x15f: {  	s25 =	sadd.s32 $0x6, s20;
	v3 =	vld [tilespmem:s11+$0xFFFFFFE0]  }
0x160: {  	v5 =	vmov s25  }
0x161: {  	v5 =	vshll.u32 v5, $0x3  }
0x162: {  	v5 =	vor.u32 v0, v5  }
0x163: {  	v5 =	vor.u32 v1, v5  }
0x164: {  	v2 =	vadd.f32 v2, v3;
	_ =	sdelay $0x1  }
0x165: {  	v2 =	vmax.f32 v2, $0.0e+00  }
0x166: {  	[tilespmem:v4+s30+$0x0] =	vst.idx.msk $0xffff, v2  }
0x167: {  	v2 =	vld.idx.msk [tilespmem:v5+s30+$0x0], $0xffff  }
0x168: {  	s23 =	sadd.s32 $0x8, s20;
	v3 =	vld [tilespmem:s11+$0xFFFFFFF0]  }
0x169: {  	v4 =	vmov s23  }
0x16a: {  	v4 =	vshll.u32 v4, $0x3  }
0x16b: {  	v4 =	vor.u32 v0, v4  }
0x16c: {  	v4 =	vor.u32 v1, v4  }
0x16d: {  	v2 =	vadd.f32 v2, v3;
	_ =	sdelay $0x1  }
0x16e: {  	v2 =	vmax.f32 v2, $0.0e+00  }
0x16f: {  	[tilespmem:v5+s30+$0x0] =	vst.idx.msk $0xffff, v2  }
0x170: {  	v2 =	vld.idx.msk [tilespmem:v4+s30+$0x0], $0xffff  }
0x171: {  	s24 =	sadd.s32 $0xA, s20;
	v3 =	vld [tilespmem:s11+$0x0]  }
0x172: {  	v5 =	vmov s24  }
0x173: {  	v5 =	vshll.u32 v5, $0x3  }
0x174: {  	v5 =	vor.u32 v0, v5  }
0x175: {  	v5 =	vor.u32 v1, v5  }
0x176: {  	v2 =	vadd.f32 v2, v3;
	_ =	sdelay $0x1  }
0x177: {  	v2 =	vmax.f32 v2, $0.0e+00  }
0x178: {  	[tilespmem:v4+s30+$0x0] =	vst.idx.msk $0xffff, v2  }
0x179: {  	v2 =	vld.idx.msk [tilespmem:v5+s30+$0x0], $0xffff  }
0x17a: {  	s25 =	sadd.s32 $0xC, s20;
	v3 =	vld [tilespmem:s11+$0x10]  }
0x17b: {  	v4 =	vmov s25  }
0x17c: {  	v4 =	vshll.u32 v4, $0x3  }
0x17d: {  	v4 =	vor.u32 v0, v4  }
0x17e: {  	v4 =	vor.u32 v1, v4  }
0x17f: {  	v2 =	vadd.f32 v2, v3;
	_ =	sdelay $0x1  }
0x180: {  	v2 =	vmax.f32 v2, $0.0e+00  }
0x181: {  	[tilespmem:v5+s30+$0x0] =	vst.idx.msk $0xffff, v2  }
0x182: {  	v2 =	vld.idx.msk [tilespmem:v4+s30+$0x0], $0xffff  }
0x183: {  	s23 =	sadd.s32 $0xE, s20;
	v3 =	vld [tilespmem:s11+$0x20]  }
0x184: {  	v5 =	vmov s23  }
0x185: {  	v5 =	vshll.u32 v5, $0x3  }
0x186: {  	v5 =	vor.u32 v0, v5  }
0x187: {  	v5 =	vor.u32 v1, v5  }
0x188: {  	v2 =	vadd.f32 v2, v3;
	_ =	sdelay $0x1  }
0x189: {  	v2 =	vmax.f32 v2, $0.0e+00  }
0x18a: {  	[tilespmem:v4+s30+$0x0] =	vst.idx.msk $0xffff, v2  }
0x18b: {  	v2 =	vld.idx.msk [tilespmem:v5+s30+$0x0], $0xffff  }
0x18c: {  	v3 =	vld [tilespmem:s11+$0x30];
	_ =	sdelay $0x4  }
0x18d: {  	v2 =	vadd.f32 v2, v3;
	_ =	sdelay $0x1  }
0x18e: {  	v2 =	vmax.f32 v2, $0.0e+00  }
0x18f: {  	[tilespmem:v5+s30+$0x0] =	vst.idx.msk $0xffff, v2  }
0x190: {  	[spmem:s4] =	stream.indirect.scatter.add.f32 [tilespmem:s30], [sflag:$0x5], $0x8, s12, s29, $0xb8;
	[tilespmem:$0xEE50] =	vst v63  }
0x191: {  	_ =	swait.ge [sflag:s10], $0x400  }
0x192: {  	p1 =	seq.s32 s18, $0x30C;
	[sflag:s10] =	ssyncset.done $0x0  }
0x193: {  	s20 =	simm.s32 @p1 $0x4;
	s11 =	sshll.u32 s18, $0x1;
	[sflag:s10] =	ssyncadd.s32 $0xFFFFFC00  }
0x194: {  	s22 =	sadd.s32 @!p1 s11, s15;
	_ =	swait.ge @p1 [sflag:s20], $0x400  }
0x195: {  	s23 =	sshll.u32 @!p1 s22, $0x4;
	[sflag:s20] =	ssyncset.done @p1 $0x0  }
0x196: {  	[sflag:s20] =	ssyncadd.s32 @p1 $0xFFFFFC00;
	s20 =	sand.u32 @!p1 $0x1FFFFFF0, s23  }
0x197: {  	s24 =	simm.s32 @!p1 $0x0;
	s25 =	simm.s32 @!p1 $0xC350;
	s23 =	sadd.s32 @!p1 s1, s20  }
0x198: {  	[tilespmem:s25], [sflag:$0x1] =	stream.linear.gather @!p1 [hbm4b:s23+s24], $0x80, $0x38;
	[tilespmem:$0xEE50] =	vst v63  }
0x199: {  	s20 =	sadd.s32 @!p1 s2, s20;
	s23 =	simm.s32 @!p1 $0xC3D0  }
0x19a: {  	[tilespmem:s23], [sflag:$0x1] =	stream.linear.gather @!p1 [hbm4b:s20+s24], $0x80, $0x38;
	[tilespmem:$0xEE50] =	vst v63  }
0x19b: {  	s20 =	sshll.u32 @!p1 s22, $0x7  }
0x19c: {  	s20 =	sand.u32 @!p1 $0x1FFFFF80, s20  }
0x19d: {  	s22 =	simm.s32 @!p1 $0xC450;
	s20 =	sadd.s32 @!p1 s6, s20  }
0x19e: {  	[tilespmem:s22], [sflag:$0x1] =	stream.linear.gather @!p1 [hbm4b:s20+s24], $0x400, $0x38;
	[tilespmem:$0xEE50] =	vst v63  }
0x19f: {  	s20 =	simm.s32 @!p1 $0x4  }
0x1a0: {  	_ =	swait.ge @!p1 [sflag:s20], $0x400  }
0x1a1: {  	[sflag:s20] =	ssyncset.done @!p1 $0x0  }
0x1a2: {  	[sflag:s20] =	ssyncadd.s32 @!p1 $0xFFFFFC00;
	s20 =	simm.s32 @!p1 $0x1  }
0x1a3: {  	_ =	swait.ge @!p1 [sflag:s20], $0x80  }
0x1a4: {  	s24 =	simm.s32 $0x0;
	[sflag:s20] =	ssyncset.done @!p1 $0x0  }
0x1a5: {  	v2 =	vmov s24;
	[sflag:s20] =	ssyncadd.s32 @!p1 $0xFFFFFF80  }
0x1a6: {  	v2 =	vshll.u32 v2, $0x3;
	_ =	swait.ge @!p1 [sflag:s20], $0x80  }
0x1a7: {  	v2 =	vor.u32 v0, v2;
	[sflag:s20] =	ssyncset.done @!p1 $0x0  }
0x1a8: {  	v2 =	vor.u32 v1, v2;
	[sflag:s20] =	ssyncadd.s32 @!p1 $0xFFFFFF80  }
0x1a9: {  	_ =	swait.ge @!p1 [sflag:s20], $0x400  }
0x1aa: {  	[sflag:s20] =	ssyncset.done @!p1 $0x0  }
0x1ab: {  	s22 =	simm.s32 @!p1 $0xC850;
	[sflag:s20] =	ssyncadd.s32 @!p1 $0xFFFFFC00;
	s20 =	simm.s32 @!p1 $0x80  }
0x1ac: {  	[tilespmem:s22], [sflag:$0x3] =	stream.indirect.gather @!p1 [hbm4b:s7+s20], $0x8, s25, s20, $0xb8;
	[tilespmem:$0xEE50] =	vst v63  }
0x1ad: {  	s20 =	simm.s32 $0xCD90;
	v3 =	vld.idx.msk [tilespmem:v2+s3+$0x0], $0xffff  }
0x1ae: {  	s25 =	simm.s32 $0x2;
	v4 =	vld [tilespmem:s20+$0xFFFFFFC0]  }
0x1af: {  	v5 =	vmov s25  }
0x1b0: {  	v5 =	vshll.u32 v5, $0x3  }
0x1b1: {  	v5 =	vor.u32 v0, v5  }
0x1b2: {  	v5 =	vor.u32 v1, v5  }
0x1b3: {  	v3 =	vadd.f32 v3, v4;
	_ =	sdelay $0x1  }
0x1b4: {  	v3 =	vmax.f32 v3, $0.0e+00  }
0x1b5: {  	[tilespmem:v2+s3+$0x0] =	vst.idx.msk $0xffff, v3  }
0x1b6: {  	v2 =	vld.idx.msk [tilespmem:v5+s3+$0x0], $0xffff  }
0x1b7: {  	s23 =	simm.s32 $0x4;
	v3 =	vld [tilespmem:s20+$0xFFFFFFD0]  }
0x1b8: {  	v4 =	vmov s23  }
0x1b9: {  	v4 =	vshll.u32 v4, $0x3  }
0x1ba: {  	v4 =	vor.u32 v0, v4  }
0x1bb: {  	v4 =	vor.u32 v1, v4  }
0x1bc: {  	v2 =	vadd.f32 v2, v3;
	_ =	sdelay $0x1  }
0x1bd: {  	v2 =	vmax.f32 v2, $0.0e+00  }
0x1be: {  	[tilespmem:v5+s3+$0x0] =	vst.idx.msk $0xffff, v2  }
0x1bf: {  	v2 =	vld.idx.msk [tilespmem:v4+s3+$0x0], $0xffff  }
0x1c0: {  	s24 =	simm.s32 $0x6;
	v3 =	vld [tilespmem:s20+$0xFFFFFFE0]  }
0x1c1: {  	v5 =	vmov s24  }
0x1c2: {  	v5 =	vshll.u32 v5, $0x3  }
0x1c3: {  	v5 =	vor.u32 v0, v5  }
0x1c4: {  	v5 =	vor.u32 v1, v5  }
0x1c5: {  	v2 =	vadd.f32 v2, v3;
	_ =	sdelay $0x1  }
0x1c6: {  	v2 =	vmax.f32 v2, $0.0e+00  }
0x1c7: {  	[tilespmem:v4+s3+$0x0] =	vst.idx.msk $0xffff, v2  }
0x1c8: {  	v2 =	vld.idx.msk [tilespmem:v5+s3+$0x0], $0xffff  }
0x1c9: {  	s25 =	simm.s32 $0x8;
	v3 =	vld [tilespmem:s20+$0xFFFFFFF0]  }
0x1ca: {  	v4 =	vmov s25  }
0x1cb: {  	v4 =	vshll.u32 v4, $0x3  }
0x1cc: {  	v4 =	vor.u32 v0, v4  }
0x1cd: {  	v4 =	vor.u32 v1, v4  }
0x1ce: {  	v2 =	vadd.f32 v2, v3;
	_ =	sdelay $0x1  }
0x1cf: {  	v2 =	vmax.f32 v2, $0.0e+00  }
0x1d0: {  	[tilespmem:v5+s3+$0x0] =	vst.idx.msk $0xffff, v2  }
0x1d1: {  	v2 =	vld.idx.msk [tilespmem:v4+s3+$0x0], $0xffff  }
0x1d2: {  	s23 =	simm.s32 $0xA;
	v3 =	vld [tilespmem:s20+$0x0]  }
0x1d3: {  	v5 =	vmov s23  }
0x1d4: {  	v5 =	vshll.u32 v5, $0x3  }
0x1d5: {  	v5 =	vor.u32 v0, v5  }
0x1d6: {  	v5 =	vor.u32 v1, v5  }
0x1d7: {  	v2 =	vadd.f32 v2, v3;
	_ =	sdelay $0x1  }
0x1d8: {  	v2 =	vmax.f32 v2, $0.0e+00  }
0x1d9: {  	[tilespmem:v4+s3+$0x0] =	vst.idx.msk $0xffff, v2  }
0x1da: {  	v2 =	vld.idx.msk [tilespmem:v5+s3+$0x0], $0xffff  }
0x1db: {  	s24 =	simm.s32 $0xC;
	v3 =	vld [tilespmem:s20+$0x10]  }
0x1dc: {  	v4 =	vmov s24  }
0x1dd: {  	v4 =	vshll.u32 v4, $0x3  }
0x1de: {  	v4 =	vor.u32 v0, v4  }
0x1df: {  	v4 =	vor.u32 v1, v4  }
0x1e0: {  	v2 =	vadd.f32 v2, v3;
	_ =	sdelay $0x1  }
0x1e1: {  	v2 =	vmax.f32 v2, $0.0e+00  }
0x1e2: {  	[tilespmem:v5+s3+$0x0] =	vst.idx.msk $0xffff, v2  }
0x1e3: {  	v2 =	vld.idx.msk [tilespmem:v4+s3+$0x0], $0xffff  }
0x1e4: {  	s25 =	simm.s32 $0xE;
	v5 =	vld [tilespmem:s20+$0x20]  }
0x1e5: {  	v3 =	vmov s25  }
0x1e6: {  	v3 =	vshll.u32 v3, $0x3  }
0x1e7: {  	v3 =	vor.u32 v0, v3  }
0x1e8: {  	v3 =	vor.u32 v1, v3  }
0x1e9: {  	v2 =	vadd.f32 v2, v5;
	_ =	sdelay $0x1  }
0x1ea: {  	v2 =	vmax.f32 v2, $0.0e+00  }
0x1eb: {  	[tilespmem:v4+s3+$0x0] =	vst.idx.msk $0xffff, v2  }
0x1ec: {  	v2 =	vld.idx.msk [tilespmem:v3+s3+$0x0], $0xffff  }
0x1ed: {  	v4 =	vld [tilespmem:s20+$0x30];
	_ =	sdelay $0x1  }
0x1ee: {  	s22 =	simm.s32 $0x10  }
0x1ef: {  	v5 =	vmov s22  }
0x1f0: {  	v5 =	vshll.u32 v5, $0x3  }
0x1f1: {  	v4 =	vadd.f32 v2, v4;
	v2 =	vor.u32 v0, v5  }
0x1f2: {  	v2 =	vor.u32 v1, v2;
	_ =	sdelay $0x2  }
0x1f3: {  	s23 =	simm.s32 $0x8;
	v4 =	vmax.f32 v4, $0.0e+00  }
.LBB2_5:
0x1f4: {  	s23 =	sadd.s32 $0x8, s23;
	[tilespmem:v3+s3+$0x0] =	vst.idx.msk $0xffff, v4;
	s20 =	sadd.s32 $0x80, s20  }
0x1f5: {  	p2 =	slt.u32 s23, $0x38;
	v3 =	vld.idx.msk [tilespmem:v2+s3+$0x0], $0xffff  }
0x1f6: {  	s24 =	sadd.s32 $0x2, s22;
	v4 =	vld [tilespmem:s20+$0xFFFFFFC0]  }
0x1f7: {  	v5 =	vmov s24  }
0x1f8: {  	v5 =	vshll.u32 v5, $0x3  }
0x1f9: {  	v5 =	vor.u32 v0, v5  }
0x1fa: {  	v5 =	vor.u32 v1, v5  }
0x1fb: {  	v3 =	vadd.f32 v3, v4;
	_ =	sdelay $0x1  }
0x1fc: {  	v3 =	vmax.f32 v3, $0.0e+00  }
0x1fd: {  	[tilespmem:v2+s3+$0x0] =	vst.idx.msk $0xffff, v3  }
0x1fe: {  	v2 =	vld.idx.msk [tilespmem:v5+s3+$0x0], $0xffff  }
0x1ff: {  	s24 =	sadd.s32 $0x4, s22;
	v3 =	vld [tilespmem:s20+$0xFFFFFFD0]  }
0x200: {  	v4 =	vmov s24  }
0x201: {  	v4 =	vshll.u32 v4, $0x3  }
0x202: {  	v4 =	vor.u32 v0, v4  }
0x203: {  	v4 =	vor.u32 v1, v4  }
0x204: {  	v2 =	vadd.f32 v2, v3;
	_ =	sdelay $0x1  }
0x205: {  	v2 =	vmax.f32 v2, $0.0e+00  }
0x206: {  	[tilespmem:v5+s3+$0x0] =	vst.idx.msk $0xffff, v2  }
0x207: {  	v2 =	vld.idx.msk [tilespmem:v4+s3+$0x0], $0xffff  }
0x208: {  	s24 =	sadd.s32 $0x6, s22;
	v3 =	vld [tilespmem:s20+$0xFFFFFFE0]  }
0x209: {  	v5 =	vmov s24  }
0x20a: {  	v5 =	vshll.u32 v5, $0x3  }
0x20b: {  	v5 =	vor.u32 v0, v5  }
0x20c: {  	v5 =	vor.u32 v1, v5  }
0x20d: {  	v2 =	vadd.f32 v2, v3;
	_ =	sdelay $0x1  }
0x20e: {  	v2 =	vmax.f32 v2, $0.0e+00  }
0x20f: {  	[tilespmem:v4+s3+$0x0] =	vst.idx.msk $0xffff, v2  }
0x210: {  	v2 =	vld.idx.msk [tilespmem:v5+s3+$0x0], $0xffff  }
0x211: {  	s24 =	sadd.s32 $0x8, s22;
	v3 =	vld [tilespmem:s20+$0xFFFFFFF0]  }
0x212: {  	v4 =	vmov s24  }
0x213: {  	v4 =	vshll.u32 v4, $0x3  }
0x214: {  	v4 =	vor.u32 v0, v4  }
0x215: {  	v4 =	vor.u32 v1, v4  }
0x216: {  	v2 =	vadd.f32 v2, v3;
	_ =	sdelay $0x1  }
0x217: {  	v2 =	vmax.f32 v2, $0.0e+00  }
0x218: {  	[tilespmem:v5+s3+$0x0] =	vst.idx.msk $0xffff, v2  }
0x219: {  	v2 =	vld.idx.msk [tilespmem:v4+s3+$0x0], $0xffff  }
0x21a: {  	s24 =	sadd.s32 $0xA, s22;
	v3 =	vld [tilespmem:s20+$0x0]  }
0x21b: {  	v5 =	vmov s24  }
0x21c: {  	v5 =	vshll.u32 v5, $0x3  }
0x21d: {  	v5 =	vor.u32 v0, v5  }
0x21e: {  	v5 =	vor.u32 v1, v5  }
0x21f: {  	v2 =	vadd.f32 v2, v3;
	_ =	sdelay $0x1  }
0x220: {  	v2 =	vmax.f32 v2, $0.0e+00  }
0x221: {  	[tilespmem:v4+s3+$0x0] =	vst.idx.msk $0xffff, v2  }
0x222: {  	v2 =	vld.idx.msk [tilespmem:v5+s3+$0x0], $0xffff  }
0x223: {  	s24 =	sadd.s32 $0xC, s22;
	v3 =	vld [tilespmem:s20+$0x10]  }
0x224: {  	v4 =	vmov s24  }
0x225: {  	v4 =	vshll.u32 v4, $0x3  }
0x226: {  	v4 =	vor.u32 v0, v4  }
0x227: {  	v4 =	vor.u32 v1, v4  }
0x228: {  	v2 =	vadd.f32 v2, v3;
	_ =	sdelay $0x1  }
0x229: {  	v2 =	vmax.f32 v2, $0.0e+00  }
0x22a: {  	[tilespmem:v5+s3+$0x0] =	vst.idx.msk $0xffff, v2  }
0x22b: {  	v2 =	vld.idx.msk [tilespmem:v4+s3+$0x0], $0xffff  }
0x22c: {  	s24 =	sadd.s32 $0xE, s22;
	v5 =	vld [tilespmem:s20+$0x20]  }
0x22d: {  	v3 =	vmov s24  }
0x22e: {  	v3 =	vshll.u32 v3, $0x3  }
0x22f: {  	v3 =	vor.u32 v0, v3  }
0x230: {  	v3 =	vor.u32 v1, v3  }
0x231: {  	v2 =	vadd.f32 v2, v5;
	_ =	sdelay $0x1  }
0x232: {  	v2 =	vmax.f32 v2, $0.0e+00  }
0x233: {  	[tilespmem:v4+s3+$0x0] =	vst.idx.msk $0xffff, v2  }
0x234: {  	v4 =	vld.idx.msk [tilespmem:v3+s3+$0x0], $0xffff  }
0x235: {  	s22 =	sadd.s32 $0x10, s22;
	v5 =	vld [tilespmem:s20+$0x30]  }
0x236: {  	v2 =	vmov s22  }
0x237: {  	v2 =	vshll.u32 v2, $0x3  }
.Ltmp3:
0x238: {  	v2 =	vor.u32 v0, v2;
	(pc) =	sbr.rel @p2 .LBB2_5-.Ltmp3, $3  }
0x239: {  	v2 =	vor.u32 v1, v2  }
0x23a: {  	v4 =	vadd.f32 v4, v5;
	_ =	sdelay $0x1  }
0x23b: {  	v4 =	vmax.f32 v4, $0.0e+00  }
0x23c: {  	_ =	sdelay $0x3  }
0x23d: {  	[tilespmem:v3+s3+$0x0] =	vst.idx.msk $0xffff, v4  }
0x23e: {  	s20 =	sadd.s32 $0x80, s20;
	v3 =	vld.idx.msk [tilespmem:v2+s3+$0x0], $0xffff  }
0x23f: {  	s23 =	sadd.s32 $0x2, s22;
	v4 =	vld [tilespmem:s20+$0xFFFFFFC0]  }
0x240: {  	v5 =	vmov s23  }
0x241: {  	v5 =	vshll.u32 v5, $0x3  }
0x242: {  	v5 =	vor.u32 v0, v5  }
0x243: {  	v5 =	vor.u32 v1, v5  }
0x244: {  	v3 =	vadd.f32 v3, v4;
	_ =	sdelay $0x1  }
0x245: {  	v3 =	vmax.f32 v3, $0.0e+00  }
0x246: {  	[tilespmem:v2+s3+$0x0] =	vst.idx.msk $0xffff, v3  }
0x247: {  	v2 =	vld.idx.msk [tilespmem:v5+s3+$0x0], $0xffff  }
0x248: {  	s24 =	sadd.s32 $0x4, s22;
	v3 =	vld [tilespmem:s20+$0xFFFFFFD0]  }
0x249: {  	v58 =	vmov s24  }
0x24a: {  	v4 =	vshll.u32 v58, $0x3  }
0x24b: {  	v4 =	vor.u32 v0, v4  }
0x24c: {  	v4 =	vor.u32 v1, v4  }
0x24d: {  	v2 =	vadd.f32 v2, v3;
	_ =	sdelay $0x1  }
0x24e: {  	v2 =	vmax.f32 v2, $0.0e+00  }
0x24f: {  	[tilespmem:v5+s3+$0x0] =	vst.idx.msk $0xffff, v2  }
0x250: {  	v2 =	vld.idx.msk [tilespmem:v4+s3+$0x0], $0xffff  }
0x251: {  	s25 =	sadd.s32 $0x6, s22;
	v3 =	vld [tilespmem:s20+$0xFFFFFFE0]  }
0x252: {  	v59 =	vmov s25  }
0x253: {  	v5 =	vshll.u32 v59, $0x3  }
0x254: {  	v5 =	vor.u32 v0, v5  }
0x255: {  	v5 =	vor.u32 v1, v5  }
0x256: {  	v2 =	vadd.f32 v2, v3;
	_ =	sdelay $0x1  }
0x257: {  	v2 =	vmax.f32 v2, $0.0e+00  }
0x258: {  	[tilespmem:v4+s3+$0x0] =	vst.idx.msk $0xffff, v2  }
0x259: {  	v2 =	vld.idx.msk [tilespmem:v5+s3+$0x0], $0xffff  }
0x25a: {  	s24 =	sadd.s32 $0x8, s22;
	v3 =	vld [tilespmem:s20+$0xFFFFFFF0]  }
0x25b: {  	v60 =	vmov s24  }
0x25c: {  	v4 =	vshll.u32 v60, $0x3  }
0x25d: {  	v4 =	vor.u32 v0, v4  }
0x25e: {  	v4 =	vor.u32 v1, v4  }
0x25f: {  	v2 =	vadd.f32 v2, v3;
	_ =	sdelay $0x1  }
0x260: {  	v2 =	vmax.f32 v2, $0.0e+00  }
0x261: {  	[tilespmem:v5+s3+$0x0] =	vst.idx.msk $0xffff, v2  }
0x262: {  	v2 =	vld.idx.msk [tilespmem:v4+s3+$0x0], $0xffff  }
0x263: {  	s25 =	sadd.s32 $0xA, s22;
	v3 =	vld [tilespmem:s20+$0x0]  }
0x264: {  	v61 =	vmov s25  }
0x265: {  	v5 =	vshll.u32 v61, $0x3  }
0x266: {  	v5 =	vor.u32 v0, v5  }
0x267: {  	v5 =	vor.u32 v1, v5  }
0x268: {  	v2 =	vadd.f32 v2, v3;
	_ =	sdelay $0x1  }
0x269: {  	v2 =	vmax.f32 v2, $0.0e+00  }
0x26a: {  	[tilespmem:v4+s3+$0x0] =	vst.idx.msk $0xffff, v2  }
0x26b: {  	v2 =	vld.idx.msk [tilespmem:v5+s3+$0x0], $0xffff  }
0x26c: {  	s24 =	sadd.s32 $0xC, s22;
	v3 =	vld [tilespmem:s20+$0x10]  }
0x26d: {  	v62 =	vmov s24  }
0x26e: {  	v4 =	vshll.u32 v62, $0x3  }
0x26f: {  	v4 =	vor.u32 v0, v4  }
0x270: {  	v4 =	vor.u32 v1, v4  }
0x271: {  	v2 =	vadd.f32 v2, v3;
	_ =	sdelay $0x1  }
0x272: {  	v2 =	vmax.f32 v2, $0.0e+00  }
0x273: {  	[tilespmem:v5+s3+$0x0] =	vst.idx.msk $0xffff, v2  }
0x274: {  	v2 =	vld.idx.msk [tilespmem:v4+s3+$0x0], $0xffff  }
0x275: {  	s25 =	sadd.s32 $0xE, s22;
	v3 =	vld [tilespmem:s20+$0x20]  }
0x276: {  	v63 =	vmov s25  }
0x277: {  	v5 =	vshll.u32 v63, $0x3  }
0x278: {  	v5 =	vor.u32 v0, v5  }
0x279: {  	v5 =	vor.u32 v1, v5  }
0x27a: {  	v2 =	vadd.f32 v2, v3;
	_ =	sdelay $0x1  }
0x27b: {  	v2 =	vmax.f32 v2, $0.0e+00  }
0x27c: {  	[tilespmem:v4+s3+$0x0] =	vst.idx.msk $0xffff, v2  }
0x27d: {  	v2 =	vld.idx.msk [tilespmem:v5+s3+$0x0], $0xffff  }
0x27e: {  	v3 =	vld [tilespmem:s20+$0x30];
	_ =	sdelay $0x4  }
0x27f: {  	v2 =	vadd.f32 v2, v3;
	_ =	sdelay $0x1  }
0x280: {  	v2 =	vmax.f32 v2, $0.0e+00  }
.Ltmp4:
0x281: {  	[tilespmem:v5+s3+$0x0] =	vst.idx.msk $0xffff, v2;
	(pc) =	sbr.rel @p1 .LBB2_8-.Ltmp4, $4  }
0x282: {  	[spmem:s4] =	stream.indirect.scatter.add.f32 [tilespmem:s3], [sflag:$0x5], $0x8, s14, s29, $0xb8;
	[tilespmem:$0xEE50] =	vst v63  }
0x283: {  	_ =	swait.ge [sflag:s10], $0x400  }
0x284: {  	[sflag:s10] =	ssyncset.done $0x0  }
0x285: {  	[sflag:s10] =	ssyncadd.s32 $0xFFFFFC00  }
0x286: {  	s11 =	sadd.s32 s11, s16  }
0x287: {  	s20 =	sshll.u32 s11, $0x4  }
0x288: {  	s20 =	sand.u32 $0x1FFFFFF0, s20  }
0x289: {  	s22 =	sadd.s32 s1, s20  }
0x28a: {  	[tilespmem:s13], [sflag:$0x2] =	stream.linear.gather [hbm4b:s22+s5], $0x80, $0x38;
	[tilespmem:$0xEE50] =	vst v63  }
.Ltmp5:
0x28b: {  	s11 =	sshll.u32 s11, $0x7;
	(pc) =	sbr.rel .LBB2_2-.Ltmp5, $4  }
0x28c: {  	s11 =	sand.u32 $0x1FFFFF80, s11;
	s20 =	sadd.s32 s2, s20  }
0x28d: {  	[tilespmem:s14], [sflag:$0x2] =	stream.linear.gather [hbm4b:s20+s5], $0x80, $0x38;
	[tilespmem:$0xEE50] =	vst v63  }
0x28e: {  	s23 =	smov.u32 s19;
	s18 =	sadd.s32 $0x1, s18;
	s11 =	sadd.s32 s6, s11  }
0x28f: {  	[tilespmem:s21], [sflag:$0x2] =	stream.linear.gather [hbm4b:s11+s5], $0x400, $0x38;
	[tilespmem:$0xEE50] =	vst v63  }
.LBB2_8:
.Ltmp6:
0x290: {  	(pc) =	sbr.rel @p0 .LBB2_12-.Ltmp6, $2  }
0x291: {  	_ =	sdelay $0x2  }
0x292: {  	s23 =	smov.u32 s8  }
0x293: {  	s11 =	simm.s32 $0x0;
	s18 =	rddreg [dreg:$0xc];
	s8 =	simm.s32 $0xC350  }
0x294: {  	[tilespmem:s8], [sflag:$0x5] =	stream.linear.gather [hbm4b:s18+s11], $0x80, $0x38;
	[tilespmem:$0xEE50] =	vst v63  }
0x295: {  	_ =	swait.ge [sflag:s10], $0x80  }
0x296: {  	[sflag:s10] =	ssyncset.done $0x0  }
0x297: {  	s20 =	rddreg [dreg:$0xd];
	[sflag:s10] =	ssyncadd.s32 $0xFFFFFF80  }
0x298: {  	[tilespmem:s12], [sflag:$0x5] =	stream.linear.gather [hbm4b:s20+s11], $0x80, $0x38;
	[tilespmem:$0xEE50] =	vst v63  }
0x299: {  	_ =	swait.ge [sflag:s10], $0x80  }
0x29a: {  	[sflag:s10] =	ssyncset.done $0x0  }
0x29b: {  	s20 =	simm.s32 $0xC450;
	s22 =	rddreg [dreg:$0xe];
	[sflag:s10] =	ssyncadd.s32 $0xFFFFFF80  }
0x29c: {  	v2 =	vmov s11;
	[tilespmem:s20], [sflag:$0x5] =	stream.linear.gather [hbm4b:s22+s11], $0x400, $0x38;
	[tilespmem:$0xEE50] =	vst v63  }
0x29d: {  	v2 =	vshll.u32 v2, $0x3;
	_ =	swait.ge [sflag:s10], $0x400  }
0x29e: {  	v2 =	vor.u32 v0, v2;
	[sflag:s10] =	ssyncset.done $0x0  }
0x29f: {  	v2 =	vor.u32 v1, v2;
	[sflag:s10] =	ssyncadd.s32 $0xFFFFFC00  }
0x2a0: {  	[tilespmem:s30], [sflag:$0x3] =	stream.indirect.gather [hbm4b:s7+s29], $0x8, s8, s29, $0xb8;
	[tilespmem:$0xEE50] =	vst v63  }
0x2a1: {  	_ =	swait.ge [sflag:s31], $0x400  }
0x2a2: {  	[sflag:s31] =	ssyncset.done $0x0  }
0x2a3: {  	[sflag:s31] =	ssyncadd.s32 $0xFFFFFC00  }
0x2a4: {  	s11 =	simm.s32 $0xC490;
	v3 =	vld.idx.msk [tilespmem:v2+s30+$0x0], $0xffff  }
0x2a5: {  	s24 =	simm.s32 $0x2;
	v4 =	vld [tilespmem:s11+$0xFFFFFFC0]  }
0x2a6: {  	v5 =	vmov s24  }
0x2a7: {  	v5 =	vshll.u32 v5, $0x3  }
0x2a8: {  	v5 =	vor.u32 v0, v5  }
0x2a9: {  	v5 =	vor.u32 v1, v5  }
0x2aa: {  	v3 =	vadd.f32 v3, v4;
	_ =	sdelay $0x1  }
0x2ab: {  	v3 =	vmax.f32 v3, $0.0e+00  }
0x2ac: {  	[tilespmem:v2+s30+$0x0] =	vst.idx.msk $0xffff, v3  }
0x2ad: {  	v2 =	vld.idx.msk [tilespmem:v5+s30+$0x0], $0xffff  }
0x2ae: {  	s25 =	simm.s32 $0x4;
	v3 =	vld [tilespmem:s11+$0xFFFFFFD0]  }
0x2af: {  	v4 =	vmov s25  }
0x2b0: {  	v4 =	vshll.u32 v4, $0x3  }
0x2b1: {  	v4 =	vor.u32 v0, v4  }
0x2b2: {  	v4 =	vor.u32 v1, v4  }
0x2b3: {  	v2 =	vadd.f32 v2, v3;
	_ =	sdelay $0x1  }
0x2b4: {  	v2 =	vmax.f32 v2, $0.0e+00  }
0x2b5: {  	[tilespmem:v5+s30+$0x0] =	vst.idx.msk $0xffff, v2  }
0x2b6: {  	v2 =	vld.idx.msk [tilespmem:v4+s30+$0x0], $0xffff  }
0x2b7: {  	s8 =	simm.s32 $0x6;
	v3 =	vld [tilespmem:s11+$0xFFFFFFE0]  }
0x2b8: {  	v5 =	vmov s8  }
0x2b9: {  	v5 =	vshll.u32 v5, $0x3  }
0x2ba: {  	v5 =	vor.u32 v0, v5  }
0x2bb: {  	v5 =	vor.u32 v1, v5  }
0x2bc: {  	v2 =	vadd.f32 v2, v3;
	_ =	sdelay $0x1  }
0x2bd: {  	v2 =	vmax.f32 v2, $0.0e+00  }
0x2be: {  	[tilespmem:v4+s30+$0x0] =	vst.idx.msk $0xffff, v2  }
0x2bf: {  	v2 =	vld.idx.msk [tilespmem:v5+s30+$0x0], $0xffff  }
0x2c0: {  	s20 =	simm.s32 $0x8;
	v3 =	vld [tilespmem:s11+$0xFFFFFFF0]  }
0x2c1: {  	v4 =	vmov s20  }
0x2c2: {  	v4 =	vshll.u32 v4, $0x3  }
0x2c3: {  	v4 =	vor.u32 v0, v4  }
0x2c4: {  	v4 =	vor.u32 v1, v4  }
0x2c5: {  	v2 =	vadd.f32 v2, v3;
	_ =	sdelay $0x1  }
0x2c6: {  	v2 =	vmax.f32 v2, $0.0e+00  }
0x2c7: {  	[tilespmem:v5+s30+$0x0] =	vst.idx.msk $0xffff, v2  }
0x2c8: {  	v2 =	vld.idx.msk [tilespmem:v4+s30+$0x0], $0xffff  }
0x2c9: {  	s22 =	simm.s32 $0xA;
	v3 =	vld [tilespmem:s11+$0x0]  }
0x2ca: {  	v5 =	vmov s22  }
0x2cb: {  	v5 =	vshll.u32 v5, $0x3  }
0x2cc: {  	v5 =	vor.u32 v0, v5  }
0x2cd: {  	v5 =	vor.u32 v1, v5  }
0x2ce: {  	v2 =	vadd.f32 v2, v3;
	_ =	sdelay $0x1  }
0x2cf: {  	v2 =	vmax.f32 v2, $0.0e+00  }
0x2d0: {  	[tilespmem:v4+s30+$0x0] =	vst.idx.msk $0xffff, v2  }
0x2d1: {  	v2 =	vld.idx.msk [tilespmem:v5+s30+$0x0], $0xffff  }
0x2d2: {  	s24 =	simm.s32 $0xC;
	v3 =	vld [tilespmem:s11+$0x10]  }
0x2d3: {  	v4 =	vmov s24  }
0x2d4: {  	v4 =	vshll.u32 v4, $0x3  }
0x2d5: {  	v4 =	vor.u32 v0, v4  }
0x2d6: {  	v4 =	vor.u32 v1, v4  }
0x2d7: {  	v2 =	vadd.f32 v2, v3;
	_ =	sdelay $0x1  }
0x2d8: {  	v2 =	vmax.f32 v2, $0.0e+00  }
0x2d9: {  	[tilespmem:v5+s30+$0x0] =	vst.idx.msk $0xffff, v2  }
0x2da: {  	v2 =	vld.idx.msk [tilespmem:v4+s30+$0x0], $0xffff  }
0x2db: {  	s25 =	simm.s32 $0xE;
	v5 =	vld [tilespmem:s11+$0x20]  }
0x2dc: {  	v3 =	vmov s25  }
0x2dd: {  	v3 =	vshll.u32 v3, $0x3  }
0x2de: {  	v3 =	vor.u32 v0, v3  }
0x2df: {  	v3 =	vor.u32 v1, v3  }
0x2e0: {  	v2 =	vadd.f32 v2, v5;
	_ =	sdelay $0x1  }
0x2e1: {  	v2 =	vmax.f32 v2, $0.0e+00  }
0x2e2: {  	[tilespmem:v4+s30+$0x0] =	vst.idx.msk $0xffff, v2  }
0x2e3: {  	v2 =	vld.idx.msk [tilespmem:v3+s30+$0x0], $0xffff  }
0x2e4: {  	v4 =	vld [tilespmem:s11+$0x30];
	_ =	sdelay $0x1  }
0x2e5: {  	s18 =	simm.s32 $0x10  }
0x2e6: {  	v5 =	vmov s18  }
0x2e7: {  	v5 =	vshll.u32 v5, $0x3  }
0x2e8: {  	v4 =	vadd.f32 v2, v4;
	v2 =	vor.u32 v0, v5  }
0x2e9: {  	v2 =	vor.u32 v1, v2;
	_ =	sdelay $0x2  }
0x2ea: {  	s20 =	simm.s32 $0x8;
	v4 =	vmax.f32 v4, $0.0e+00  }
.LBB2_10:
0x2eb: {  	s20 =	sadd.s32 $0x8, s20;
	[tilespmem:v3+s30+$0x0] =	vst.idx.msk $0xffff, v4;
	s11 =	sadd.s32 $0x80, s11  }
0x2ec: {  	p1 =	slt.u32 s20, $0x38;
	v3 =	vld.idx.msk [tilespmem:v2+s30+$0x0], $0xffff  }
0x2ed: {  	s22 =	sadd.s32 $0x2, s18;
	v4 =	vld [tilespmem:s11+$0xFFFFFFC0]  }
0x2ee: {  	v5 =	vmov s22  }
0x2ef: {  	v5 =	vshll.u32 v5, $0x3  }
0x2f0: {  	v5 =	vor.u32 v0, v5  }
0x2f1: {  	v5 =	vor.u32 v1, v5  }
0x2f2: {  	v3 =	vadd.f32 v3, v4;
	_ =	sdelay $0x1  }
0x2f3: {  	v3 =	vmax.f32 v3, $0.0e+00  }
0x2f4: {  	[tilespmem:v2+s30+$0x0] =	vst.idx.msk $0xffff, v3  }
0x2f5: {  	v2 =	vld.idx.msk [tilespmem:v5+s30+$0x0], $0xffff  }
0x2f6: {  	s22 =	sadd.s32 $0x4, s18;
	v3 =	vld [tilespmem:s11+$0xFFFFFFD0]  }
0x2f7: {  	v4 =	vmov s22  }
0x2f8: {  	v4 =	vshll.u32 v4, $0x3  }
0x2f9: {  	v4 =	vor.u32 v0, v4  }
0x2fa: {  	v4 =	vor.u32 v1, v4  }
0x2fb: {  	v2 =	vadd.f32 v2, v3;
	_ =	sdelay $0x1  }
0x2fc: {  	v2 =	vmax.f32 v2, $0.0e+00  }
0x2fd: {  	[tilespmem:v5+s30+$0x0] =	vst.idx.msk $0xffff, v2  }
0x2fe: {  	v2 =	vld.idx.msk [tilespmem:v4+s30+$0x0], $0xffff  }
0x2ff: {  	s22 =	sadd.s32 $0x6, s18;
	v3 =	vld [tilespmem:s11+$0xFFFFFFE0]  }
0x300: {  	v5 =	vmov s22  }
0x301: {  	v5 =	vshll.u32 v5, $0x3  }
0x302: {  	v5 =	vor.u32 v0, v5  }
0x303: {  	v5 =	vor.u32 v1, v5  }
0x304: {  	v2 =	vadd.f32 v2, v3;
	_ =	sdelay $0x1  }
0x305: {  	v2 =	vmax.f32 v2, $0.0e+00  }
0x306: {  	[tilespmem:v4+s30+$0x0] =	vst.idx.msk $0xffff, v2  }
0x307: {  	v2 =	vld.idx.msk [tilespmem:v5+s30+$0x0], $0xffff  }
0x308: {  	s22 =	sadd.s32 $0x8, s18;
	v3 =	vld [tilespmem:s11+$0xFFFFFFF0]  }
0x309: {  	v4 =	vmov s22  }
0x30a: {  	v4 =	vshll.u32 v4, $0x3  }
0x30b: {  	v4 =	vor.u32 v0, v4  }
0x30c: {  	v4 =	vor.u32 v1, v4  }
0x30d: {  	v2 =	vadd.f32 v2, v3;
	_ =	sdelay $0x1  }
0x30e: {  	v2 =	vmax.f32 v2, $0.0e+00  }
0x30f: {  	[tilespmem:v5+s30+$0x0] =	vst.idx.msk $0xffff, v2  }
0x310: {  	v2 =	vld.idx.msk [tilespmem:v4+s30+$0x0], $0xffff  }
0x311: {  	s22 =	sadd.s32 $0xA, s18;
	v3 =	vld [tilespmem:s11+$0x0]  }
0x312: {  	v5 =	vmov s22  }
0x313: {  	v5 =	vshll.u32 v5, $0x3  }
0x314: {  	v5 =	vor.u32 v0, v5  }
0x315: {  	v5 =	vor.u32 v1, v5  }
0x316: {  	v2 =	vadd.f32 v2, v3;
	_ =	sdelay $0x1  }
0x317: {  	v2 =	vmax.f32 v2, $0.0e+00  }
0x318: {  	[tilespmem:v4+s30+$0x0] =	vst.idx.msk $0xffff, v2  }
0x319: {  	v2 =	vld.idx.msk [tilespmem:v5+s30+$0x0], $0xffff  }
0x31a: {  	s22 =	sadd.s32 $0xC, s18;
	v3 =	vld [tilespmem:s11+$0x10]  }
0x31b: {  	v4 =	vmov s22  }
0x31c: {  	v4 =	vshll.u32 v4, $0x3  }
0x31d: {  	v4 =	vor.u32 v0, v4  }
0x31e: {  	v4 =	vor.u32 v1, v4  }
0x31f: {  	v2 =	vadd.f32 v2, v3;
	_ =	sdelay $0x1  }
0x320: {  	v2 =	vmax.f32 v2, $0.0e+00  }
0x321: {  	[tilespmem:v5+s30+$0x0] =	vst.idx.msk $0xffff, v2  }
0x322: {  	v2 =	vld.idx.msk [tilespmem:v4+s30+$0x0], $0xffff  }
0x323: {  	s22 =	sadd.s32 $0xE, s18;
	v5 =	vld [tilespmem:s11+$0x20]  }
0x324: {  	v3 =	vmov s22  }
0x325: {  	v3 =	vshll.u32 v3, $0x3  }
0x326: {  	v3 =	vor.u32 v0, v3  }
0x327: {  	v3 =	vor.u32 v1, v3  }
0x328: {  	v2 =	vadd.f32 v2, v5;
	_ =	sdelay $0x1  }
0x329: {  	v2 =	vmax.f32 v2, $0.0e+00  }
0x32a: {  	[tilespmem:v4+s30+$0x0] =	vst.idx.msk $0xffff, v2  }
0x32b: {  	v4 =	vld.idx.msk [tilespmem:v3+s30+$0x0], $0xffff  }
0x32c: {  	s18 =	sadd.s32 $0x10, s18;
	v5 =	vld [tilespmem:s11+$0x30]  }
0x32d: {  	v2 =	vmov s18  }
0x32e: {  	v2 =	vshll.u32 v2, $0x3  }
.Ltmp7:
0x32f: {  	v2 =	vor.u32 v0, v2;
	(pc) =	sbr.rel @p1 .LBB2_10-.Ltmp7, $3  }
0x330: {  	v2 =	vor.u32 v1, v2  }
0x331: {  	v4 =	vadd.f32 v4, v5;
	_ =	sdelay $0x1  }
0x332: {  	v4 =	vmax.f32 v4, $0.0e+00  }
0x333: {  	_ =	sdelay $0x3  }
0x334: {  	[tilespmem:v3+s30+$0x0] =	vst.idx.msk $0xffff, v4  }
0x335: {  	s11 =	sadd.s32 $0x80, s11;
	v3 =	vld.idx.msk [tilespmem:v2+s30+$0x0], $0xffff  }
0x336: {  	s20 =	sadd.s32 $0x2, s18;
	v4 =	vld [tilespmem:s11+$0xFFFFFFC0]  }
0x337: {  	v5 =	vmov s20  }
0x338: {  	v5 =	vshll.u32 v5, $0x3  }
0x339: {  	v5 =	vor.u32 v0, v5  }
0x33a: {  	v5 =	vor.u32 v1, v5  }
0x33b: {  	v3 =	vadd.f32 v3, v4;
	_ =	sdelay $0x1  }
0x33c: {  	v3 =	vmax.f32 v3, $0.0e+00  }
0x33d: {  	[tilespmem:v2+s30+$0x0] =	vst.idx.msk $0xffff, v3  }
0x33e: {  	v2 =	vld.idx.msk [tilespmem:v5+s30+$0x0], $0xffff  }
0x33f: {  	s24 =	sadd.s32 $0x4, s18;
	v3 =	vld [tilespmem:s11+$0xFFFFFFD0]  }
0x340: {  	v58 =	vmov s24  }
0x341: {  	v4 =	vshll.u32 v58, $0x3  }
0x342: {  	v4 =	vor.u32 v0, v4  }
0x343: {  	v4 =	vor.u32 v1, v4  }
0x344: {  	v2 =	vadd.f32 v2, v3;
	_ =	sdelay $0x1  }
0x345: {  	v2 =	vmax.f32 v2, $0.0e+00  }
0x346: {  	[tilespmem:v5+s30+$0x0] =	vst.idx.msk $0xffff, v2  }
0x347: {  	v2 =	vld.idx.msk [tilespmem:v4+s30+$0x0], $0xffff  }
0x348: {  	s25 =	sadd.s32 $0x6, s18;
	v3 =	vld [tilespmem:s11+$0xFFFFFFE0]  }
0x349: {  	v59 =	vmov s25  }
0x34a: {  	v5 =	vshll.u32 v59, $0x3  }
0x34b: {  	v5 =	vor.u32 v0, v5  }
0x34c: {  	v5 =	vor.u32 v1, v5  }
0x34d: {  	v2 =	vadd.f32 v2, v3;
	_ =	sdelay $0x1  }
0x34e: {  	v2 =	vmax.f32 v2, $0.0e+00  }
0x34f: {  	[tilespmem:v4+s30+$0x0] =	vst.idx.msk $0xffff, v2  }
0x350: {  	v2 =	vld.idx.msk [tilespmem:v5+s30+$0x0], $0xffff  }
0x351: {  	s8 =	sadd.s32 $0x8, s18;
	v3 =	vld [tilespmem:s11+$0xFFFFFFF0]  }
0x352: {  	v60 =	vmov s8  }
0x353: {  	v4 =	vshll.u32 v60, $0x3  }
0x354: {  	v4 =	vor.u32 v0, v4  }
0x355: {  	v4 =	vor.u32 v1, v4  }
0x356: {  	v2 =	vadd.f32 v2, v3;
	_ =	sdelay $0x1  }
0x357: {  	v2 =	vmax.f32 v2, $0.0e+00  }
0x358: {  	[tilespmem:v5+s30+$0x0] =	vst.idx.msk $0xffff, v2  }
0x359: {  	v2 =	vld.idx.msk [tilespmem:v4+s30+$0x0], $0xffff  }
0x35a: {  	s22 =	sadd.s32 $0xA, s18;
	v3 =	vld [tilespmem:s11+$0x0]  }
0x35b: {  	v61 =	vmov s22  }
0x35c: {  	v5 =	vshll.u32 v61, $0x3  }
0x35d: {  	v5 =	vor.u32 v0, v5  }
0x35e: {  	v5 =	vor.u32 v1, v5  }
0x35f: {  	v2 =	vadd.f32 v2, v3;
	_ =	sdelay $0x1  }
0x360: {  	v2 =	vmax.f32 v2, $0.0e+00  }
0x361: {  	[tilespmem:v4+s30+$0x0] =	vst.idx.msk $0xffff, v2  }
0x362: {  	v2 =	vld.idx.msk [tilespmem:v5+s30+$0x0], $0xffff  }
0x363: {  	s24 =	sadd.s32 $0xC, s18;
	v3 =	vld [tilespmem:s11+$0x10]  }
0x364: {  	v62 =	vmov s24  }
0x365: {  	v4 =	vshll.u32 v62, $0x3  }
0x366: {  	v4 =	vor.u32 v0, v4  }
0x367: {  	v4 =	vor.u32 v1, v4  }
0x368: {  	v2 =	vadd.f32 v2, v3;
	_ =	sdelay $0x1  }
0x369: {  	v2 =	vmax.f32 v2, $0.0e+00  }
0x36a: {  	[tilespmem:v5+s30+$0x0] =	vst.idx.msk $0xffff, v2  }
0x36b: {  	v2 =	vld.idx.msk [tilespmem:v4+s30+$0x0], $0xffff  }
0x36c: {  	s25 =	sadd.s32 $0xE, s18;
	v3 =	vld [tilespmem:s11+$0x20]  }
0x36d: {  	v63 =	vmov s25  }
0x36e: {  	v5 =	vshll.u32 v63, $0x3  }
0x36f: {  	v5 =	vor.u32 v0, v5  }
0x370: {  	v5 =	vor.u32 v1, v5  }
0x371: {  	v2 =	vadd.f32 v2, v3;
	_ =	sdelay $0x1  }
0x372: {  	v2 =	vmax.f32 v2, $0.0e+00  }
0x373: {  	[tilespmem:v4+s30+$0x0] =	vst.idx.msk $0xffff, v2  }
0x374: {  	v2 =	vld.idx.msk [tilespmem:v5+s30+$0x0], $0xffff  }
0x375: {  	v3 =	vld [tilespmem:s11+$0x30];
	_ =	sdelay $0x4  }
0x376: {  	v2 =	vadd.f32 v2, v3;
	_ =	sdelay $0x1  }
0x377: {  	v2 =	vmax.f32 v2, $0.0e+00  }
.Ltmp8:
0x378: {  	[tilespmem:v5+s30+$0x0] =	vst.idx.msk $0xffff, v2;
	(pc) =	sbr.rel .LBB2_12-.Ltmp8, $4  }
0x379: {  	[spmem:s4] =	stream.indirect.scatter.add.f32 [tilespmem:s30], [sflag:$0x5], $0x8, s12, s29, $0xb8;
	[tilespmem:$0xEE50] =	vst v63  }
0x37a: {  	_ =	swait.ge [sflag:s10], $0x400  }
0x37b: {  	[sflag:s10] =	ssyncset.done $0x0  }
0x37c: {  	[sflag:s10] =	ssyncadd.s32 $0xFFFFFC00  }
.LBB2_13:
0x37d: {  	_ =	sfence.sel $0x180000  }
0x37e: {  	[bflag:$0x0] =	sbarrier.arrive $0xFFFF  }
0x37f: {  	_ =	strace $0x90000047  }
0x380: {  	s0 =	stileid.u32;
	[bflag:$0x2] =	sbarrier.arrive $0xFFFF  }
0x381: {  	p0 =	sne.s32 s0, $0x0;
	s0 =	rddreg [dreg:$0x4]  }
0x382: {  	s0 =	sadd.s32 @!p0 $0x100000, s0  }
0x383: {  	[sflag:s0] =	ssyncadd.tile.s32 @!p0 $0x1;
	_ =	shalt  }
.Lfunc_end2:
_tile_overlayer_lowered:
.L_overlay_start_2:
0x384: {  	(tag) =	ssettag $0x2  }
0x385: {  	s0 =	rddreg [dreg:$0x0];
	s2 =	stileid.u32  }
0x386: {  	s1 =	rddreg [dreg:$0x1];
	p0 =	sne.s32 s2, $0x0  }
0x387: {  	s3 =	rddreg [dreg:$0x2];
	[bflag:$0x3] =	sbarrier.arrive $0xFFFF;
	s2 =	simm.s32 @!p0 $0x1C05  }
0x388: {  	[timem:s3], [sflag:s2] =	dma.local @!p0 [hbm:s0], s1  }
0x389: {  	s0 =	simm.s32 @!p0 $0x5  }
0x38a: {  	_ =	swait.ge @!p0 [sflag:s0], s1  }
0x38b: {  	s1 =	ssub.s32 @!p0 $0x0, s1;
	[sflag:s0] =	ssyncset.done @!p0 $0x0  }
0x38c: {  	[sflag:s0] =	ssyncadd.s32 @!p0 s1  }
0x38d: {  	[bflag:$0x3] =	sbarrier.arrive $0xFFFF  }
0x38e: {  	_ =	shalt  }

</sc_bundles>
